<compile_context>
chip_gen: v7x
topology: tpu7x:2x2x1
jax: 0.10.2.dev20260603
libtpu: 0.0.44.dev20260713+nightly
codegen_flags: <defaults>
</compile_context>

<pallas_src>
import jax
import jax.numpy as jnp
from jax import lax
from jax.experimental import pallas as pl
from jax.experimental.pallas import tpu as pltpu
from jax.experimental.pallas import tpu_sc as plsc

_NC = 2
_NS = 16
_NW = _NC * _NS
_G = 128
_L = 16
_TR = 8


def kernel(sampled, mask, embed, ind):
    n, d = sampled.shape
    rows_per_w = n // _NW
    chunk = 128
    nbuf = 6
    n_ch = rows_per_w // chunk
    assert rows_per_w * _NW == n and rows_per_w % _G == 0 and d % _L == 0
    assert n_ch * chunk == rows_per_w and n_ch >= nbuf

    mesh = plsc.VectorSubcoreMesh(core_axis_name="c", subcore_axis_name="s")

    def body(samp_hbm, mask_hbm, embed_hbm, ind_hbm, out_hbm,
             mask_v, samp_v, g8_v, idx_v,
             bufs, isems, osems):
        wid = lax.axis_index("s") * _NC + lax.axis_index("c")
        row0 = wid * rows_per_w

        def start_in(c):
            return pltpu.async_copy(
                samp_hbm.at[pl.ds(row0 + c * chunk, chunk)],
                bufs[c % nbuf], isems[c % nbuf])

        def start_out(c):
            return pltpu.async_copy(
                bufs[c % nbuf],
                out_hbm.at[pl.ds(row0 + c * chunk, chunk)],
                osems[c % nbuf])

        ins = {c: start_in(c) for c in range(nbuf)}

        pltpu.sync_copy(mask_hbm.at[pl.ds(row0, rows_per_w)], mask_v)

        def _acc(i, a):
            return a + mask_v[pl.ds(i * _L, _L)]

        acc = lax.fori_loop(0, rows_per_w // _L, _acc,
                            jnp.zeros((_L,), jnp.int32))
        cnt = acc[0]
        for k in range(1, _L):
            cnt = cnt + acc[k]
        all_masked = cnt == rows_per_w

        @pl.when(all_masked)
        def _fast():
            outs = {}
            waited = set()
            for c in range(n_ch):
                ins[c].wait()
                outs[c] = start_out(c)
                nxt = c - 1 + nbuf
                if c >= 1 and nxt < n_ch:
                    outs[c - 1].wait()
                    waited.add(c - 1)
                    ins[nxt] = start_in(nxt)
            for c in range(n_ch):
                if c not in waited:
                    outs[c].wait()

        @pl.when(jnp.logical_not(all_masked))
        def _general():
            for c in range(nbuf):
                ins[c].wait()

            def sub(g, _):
                base = row0 + g * _G
                pltpu.sync_copy(samp_hbm.at[pl.ds(base, _G)], samp_v)
                pltpu.sync_copy(ind_hbm.at[pl.ds(base, _G)], idx_v)

                def take_embed_row(row, idx):
                    def _do():
                        g0 = (idx // _TR) * _TR
                        pltpu.sync_copy(embed_hbm.at[pl.ds(g0, _TR)], g8_v)
                        rr = idx - g0
                        for q in range(d // _L):
                            samp_v[row, pl.ds(q * _L, _L)] = (
                                g8_v[rr, pl.ds(q * _L, _L)])
                    return _do

                def grp(t, _):
                    mvec = mask_v[pl.ds(g * _G + t * _L, _L)]
                    ivec = idx_v[pl.ds(t * _L, _L)]
                    for k in range(_L):
                        pl.when(mvec[k] == 0)(
                            take_embed_row(t * _L + k, ivec[k]))
                    return 0

                lax.fori_loop(0, _G // _L, grp, 0)
                pltpu.sync_copy(samp_v, out_hbm.at[pl.ds(base, _G)])
                return 0

            lax.fori_loop(0, rows_per_w // _G, sub, 0)

    fn = pl.kernel(
        body,
        out_type=jax.ShapeDtypeStruct((n, d), jnp.float32),
        mesh=mesh,
        scratch_types=[
            pltpu.VMEM((rows_per_w,), jnp.int32),
            pltpu.VMEM((_G, d), jnp.float32),
            pltpu.VMEM((_TR, d), jnp.float32),
            pltpu.VMEM((_G,), jnp.int32),
            [pltpu.VMEM((chunk, d), jnp.float32) for _ in range(nbuf)],
            [pltpu.SemaphoreType.DMA for _ in range(nbuf)],
            [pltpu.SemaphoreType.DMA for _ in range(nbuf)],
        ],
    )
    return fn(sampled, mask.astype(jnp.int32), embed, ind)

# --- scband reference (transcript-rebuilt; emitter-appended) ---
"""Pipeline reference for scband-residual-vq-45148696216692 (READ-ONLY COPY).

The authoritative reference and input builder live on the scoring server;
editing this copy changes nothing except your own understanding.
"""

import jax, jax.numpy as jnp
import numpy as np

CODEBOOK_SIZE = 8192
DIM = 64
N = 131072

def setup_inputs(seed: int = 0) -> dict:
    key = jax.random.key(seed)
    k_sampled, k_embed, k_ind = jax.random.split(key, 3)
    sampled = jax.random.normal(k_sampled, (N, DIM), dtype=jnp.float32)
    mask = jnp.ones((N,), dtype=jnp.bool_)
    # learned parameter: codebook, as in torch.nn.Parameter(torch.randn(codebook_size, dim))
    embed = jax.random.normal(k_embed, (CODEBOOK_SIZE, DIM), dtype=jnp.float32)
    # torch code draws ind = torch.randint(0, codebook_size, (N,)) inside replace();
    # we materialize it here deterministically
    ind = jax.random.randint(k_ind, (N,), 0, CODEBOOK_SIZE, dtype=jnp.int32)
    return {"sampled": sampled, "mask": mask, "embed": embed, "ind": ind}

def reference(sampled, mask, embed, ind):
    # Faithful translation of ResidualVQ.replace:
    #   ind = randint(0, K, (N,))
    #   embed.data[ind][mask] = sampled
    # In torch, embed.data[ind] (advanced indexing) produces a COPY; the masked
    # assignment writes into that copy, leaving the parameter unchanged.
    # We reproduce that: gather rows by ind, then overwrite masked rows with sampled,
    # returning the updated copy (gather + masked scatter-overwrite).
    if sampled.shape[0] != mask.shape[0]:
        raise ValueError('Sampled data size does not match mask size')
    gathered = jnp.take(embed, ind, axis=0)              # gather: embed.data[ind]
    updated = jnp.where(mask[:, None], sampled, gathered) # [mask] = sampled (overwrite)
    return updated

if __name__ == "__main__":
    import jax
    _d = setup_inputs()
    print(jax.jit(kernel)(*tuple(_d.values())))

</pallas_src>

<mosaic_0001>
#map = affine_map<(d0, d1) -> (0, 0)>
#map1 = affine_map<(d0, d1) -> (0)>
module attributes {stable_mosaic.version = 14 : i64} {
  func.func @body(%arg0: i32, %arg1: i32, %arg2: memref<131072x64xf32, #tpu.memory_space<hbm>>, %arg3: memref<131072xi32, #tpu.memory_space<hbm>>, %arg4: memref<8192x64xf32, #tpu.memory_space<hbm>>, %arg5: memref<131072xi32, #tpu.memory_space<hbm>>, %arg6: memref<131072x64xf32, #tpu.memory_space<hbm>>, %arg7: memref<4096xi32, #tpu.memory_space<vmem>>, %arg8: memref<128x64xf32, #tpu.memory_space<vmem>>, %arg9: memref<8x64xf32, #tpu.memory_space<vmem>>, %arg10: memref<128xi32, #tpu.memory_space<vmem>>, %arg11: memref<128x64xf32, #tpu.memory_space<vmem>>, %arg12: memref<128x64xf32, #tpu.memory_space<vmem>>, %arg13: memref<128x64xf32, #tpu.memory_space<vmem>>, %arg14: memref<128x64xf32, #tpu.memory_space<vmem>>, %arg15: memref<128x64xf32, #tpu.memory_space<vmem>>, %arg16: memref<128x64xf32, #tpu.memory_space<vmem>>, %arg17: memref<!tpu.dma_semaphore, #tpu.memory_space<semaphore_mem>>, %arg18: memref<!tpu.dma_semaphore, #tpu.memory_space<semaphore_mem>>, %arg19: memref<!tpu.dma_semaphore, #tpu.memory_space<semaphore_mem>>, %arg20: memref<!tpu.dma_semaphore, #tpu.memory_space<semaphore_mem>>, %arg21: memref<!tpu.dma_semaphore, #tpu.memory_space<semaphore_mem>>, %arg22: memref<!tpu.dma_semaphore, #tpu.memory_space<semaphore_mem>>, %arg23: memref<!tpu.dma_semaphore, #tpu.memory_space<semaphore_mem>>, %arg24: memref<!tpu.dma_semaphore, #tpu.memory_space<semaphore_mem>>, %arg25: memref<!tpu.dma_semaphore, #tpu.memory_space<semaphore_mem>>, %arg26: memref<!tpu.dma_semaphore, #tpu.memory_space<semaphore_mem>>, %arg27: memref<!tpu.dma_semaphore, #tpu.memory_space<semaphore_mem>>, %arg28: memref<!tpu.dma_semaphore, #tpu.memory_space<semaphore_mem>>) attributes {dimension_semantics = [#tpu.dimension_semantics<core_parallel>, #tpu.dimension_semantics<subcore_parallel>], iteration_bounds = array<i64: 2, 16>, scalar_prefetch = 0 : i64, scratch_operands = 22 : i64, tpu.core_type = #tpu.core_type<sc_vector_subcore>, window_params = [{transform_indices = #map}, {transform_indices = #map1}, {transform_indices = #map}, {transform_indices = #map1}, {transform_indices = #map}]} {
    %mul3A = arith.constant 2 : i32
    %mul3A_0 = arith.muli %arg1, %mul3A : i32
    %add3A = arith.addi %mul3A_0, %arg0 : i32
    %mul3A_1 = arith.constant 4096 : i32
    %mul3A_2 = arith.muli %add3A, %mul3A_1 : i32
    %add3A_3 = arith.constant 0 : i32
    %add3A_4 = arith.addi %mul3A_2, %add3A_3 : i32
    %dma_start3A = arith.constant 0 : i32
    %dma_start3A_5 = tpu.memref_slice %arg2[%add3A_4, %dma_start3A] : memref<131072x64xf32, #tpu.memory_space<hbm>> -> memref<128x64xf32, #tpu.memory_space<hbm>>
    %dma_start3A_6 = arith.constant 0 : i32
    %dma_start3A_7 = tpu.memref_slice %arg2[%add3A_4, %dma_start3A_6] : memref<131072x64xf32, #tpu.memory_space<hbm>> -> memref<128x64xf32, #tpu.memory_space<hbm>>
    tpu.enqueue_dma source(%dma_start3A_7 : memref<128x64xf32, #tpu.memory_space<hbm>>) target(%arg11 : memref<128x64xf32, #tpu.memory_space<vmem>>) target_semaphore(%arg17 : memref<!tpu.dma_semaphore, #tpu.memory_space<semaphore_mem>>)
    %add3A_8 = arith.constant 128 : i32
    %add3A_9 = arith.addi %mul3A_2, %add3A_8 : i32
    %dma_start3A_10 = arith.constant 0 : i32
    %dma_start3A_11 = tpu.memref_slice %arg2[%add3A_9, %dma_start3A_10] : memref<131072x64xf32, #tpu.memory_space<hbm>> -> memref<128x64xf32, #tpu.memory_space<hbm>>
    %dma_start3A_12 = arith.constant 0 : i32
    %dma_start3A_13 = tpu.memref_slice %arg2[%add3A_9, %dma_start3A_12] : memref<131072x64xf32, #tpu.memory_space<hbm>> -> memref<128x64xf32, #tpu.memory_space<hbm>>
    tpu.enqueue_dma source(%dma_start3A_13 : memref<128x64xf32, #tpu.memory_space<hbm>>) target(%arg12 : memref<128x64xf32, #tpu.memory_space<vmem>>) target_semaphore(%arg18 : memref<!tpu.dma_semaphore, #tpu.memory_space<semaphore_mem>>)
    %add3A_14 = arith.constant 256 : i32
    %add3A_15 = arith.addi %mul3A_2, %add3A_14 : i32
    %dma_start3A_16 = arith.constant 0 : i32
    %dma_start3A_17 = tpu.memref_slice %arg2[%add3A_15, %dma_start3A_16] : memref<131072x64xf32, #tpu.memory_space<hbm>> -> memref<128x64xf32, #tpu.memory_space<hbm>>
    %dma_start3A_18 = arith.constant 0 : i32
    %dma_start3A_19 = tpu.memref_slice %arg2[%add3A_15, %dma_start3A_18] : memref<131072x64xf32, #tpu.memory_space<hbm>> -> memref<128x64xf32, #tpu.memory_space<hbm>>
    tpu.enqueue_dma source(%dma_start3A_19 : memref<128x64xf32, #tpu.memory_space<hbm>>) target(%arg13 : memref<128x64xf32, #tpu.memory_space<vmem>>) target_semaphore(%arg19 : memref<!tpu.dma_semaphore, #tpu.memory_space<semaphore_mem>>)
    %add3A_20 = arith.constant 384 : i32
    %add3A_21 = arith.addi %mul3A_2, %add3A_20 : i32
    %dma_start3A_22 = arith.constant 0 : i32
    %dma_start3A_23 = tpu.memref_slice %arg2[%add3A_21, %dma_start3A_22] : memref<131072x64xf32, #tpu.memory_space<hbm>> -> memref<128x64xf32, #tpu.memory_space<hbm>>
    %dma_start3A_24 = arith.constant 0 : i32
    %dma_start3A_25 = tpu.memref_slice %arg2[%add3A_21, %dma_start3A_24] : memref<131072x64xf32, #tpu.memory_space<hbm>> -> memref<128x64xf32, #tpu.memory_space<hbm>>
    tpu.enqueue_dma source(%dma_start3A_25 : memref<128x64xf32, #tpu.memory_space<hbm>>) target(%arg14 : memref<128x64xf32, #tpu.memory_space<vmem>>) target_semaphore(%arg20 : memref<!tpu.dma_semaphore, #tpu.memory_space<semaphore_mem>>)
    %add3A_26 = arith.constant 512 : i32
    %add3A_27 = arith.addi %mul3A_2, %add3A_26 : i32
    %dma_start3A_28 = arith.constant 0 : i32
    %dma_start3A_29 = tpu.memref_slice %arg2[%add3A_27, %dma_start3A_28] : memref<131072x64xf32, #tpu.memory_space<hbm>> -> memref<128x64xf32, #tpu.memory_space<hbm>>
    %dma_start3A_30 = arith.constant 0 : i32
    %dma_start3A_31 = tpu.memref_slice %arg2[%add3A_27, %dma_start3A_30] : memref<131072x64xf32, #tpu.memory_space<hbm>> -> memref<128x64xf32, #tpu.memory_space<hbm>>
    tpu.enqueue_dma source(%dma_start3A_31 : memref<128x64xf32, #tpu.memory_space<hbm>>) target(%arg15 : memref<128x64xf32, #tpu.memory_space<vmem>>) target_semaphore(%arg21 : memref<!tpu.dma_semaphore, #tpu.memory_space<semaphore_mem>>)
    %add3A_32 = arith.constant 640 : i32
    %add3A_33 = arith.addi %mul3A_2, %add3A_32 : i32
    %dma_start3A_34 = arith.constant 0 : i32
    %dma_start3A_35 = tpu.memref_slice %arg2[%add3A_33, %dma_start3A_34] : memref<131072x64xf32, #tpu.memory_space<hbm>> -> memref<128x64xf32, #tpu.memory_space<hbm>>
    %dma_start3A_36 = arith.constant 0 : i32
    %dma_start3A_37 = tpu.memref_slice %arg2[%add3A_33, %dma_start3A_36] : memref<131072x64xf32, #tpu.memory_space<hbm>> -> memref<128x64xf32, #tpu.memory_space<hbm>>
    tpu.enqueue_dma source(%dma_start3A_37 : memref<128x64xf32, #tpu.memory_space<hbm>>) target(%arg16 : memref<128x64xf32, #tpu.memory_space<vmem>>) target_semaphore(%arg22 : memref<!tpu.dma_semaphore, #tpu.memory_space<semaphore_mem>>)
    "tpu.region"() ({
      %run_scoped3A = tpu.sem_alloc : memref<!tpu.dma_semaphore, #tpu.memory_space<semaphore_mem>>
      %dma_start3A_95 = tpu.memref_slice %arg3[%mul3A_2] : memref<131072xi32, #tpu.memory_space<hbm>> -> memref<4096xi32, #tpu.memory_space<hbm>>
      %dma_start3A_96 = tpu.memref_slice %arg3[%mul3A_2] : memref<131072xi32, #tpu.memory_space<hbm>> -> memref<4096xi32, #tpu.memory_space<hbm>>
      tpu.enqueue_dma source(%dma_start3A_96 : memref<4096xi32, #tpu.memory_space<hbm>>) target(%arg7 : memref<4096xi32, #tpu.memory_space<vmem>>) target_semaphore(%run_scoped3A : memref<!tpu.dma_semaphore, #tpu.memory_space<semaphore_mem>>)
      %dma_wait3A = tpu.memref_slice %arg3[%mul3A_2] : memref<131072xi32, #tpu.memory_space<hbm>> -> memref<4096xi32, #tpu.memory_space<hbm>>
      %dma_wait3A_97 = tpu.memref_slice %arg3[%mul3A_2] : memref<131072xi32, #tpu.memory_space<hbm>> -> memref<4096xi32, #tpu.memory_space<hbm>>
      tpu.wait_dma2 semaphore(%run_scoped3A : memref<!tpu.dma_semaphore, #tpu.memory_space<semaphore_mem>>) src(%dma_wait3A_97 : memref<4096xi32, #tpu.memory_space<hbm>>) dst(%arg7 : memref<4096xi32, #tpu.memory_space<vmem>>)
      tpu.yield
    }) : () -> ()
    %broadcast_in_dim3A = arith.constant 0 : i32
    %broadcast_in_dim3A_38 = vector.broadcast %broadcast_in_dim3A : i32 to vector<16xi32>
    %scan3A = arith.constant 0 : i32
    %scan3A_39 = arith.constant 256 : i32
    %scan3A_40 = arith.addi %scan3A, %scan3A_39 : i32
    %scan3A_41 = arith.constant 1 : i32
    %scan3A_42 = scf.for %scan3A_95 = %scan3A to %scan3A_40 step %scan3A_41 iter_args(%scan3A_96 = %broadcast_in_dim3A_38) -> (vector<16xi32>)  : i32 {
      %mul3A_97 = arith.constant 16 : i32
      %mul3A_98 = arith.muli %scan3A_95, %mul3A_97 : i32
      %get3A = arith.index_cast %mul3A_98 : i32 to index
      %get3A_99 = tpu.vector_load %arg7[%get3A] {strides = array<i32>} : memref<4096xi32, #tpu.memory_space<vmem>>, vector<16xi32>,
      %get3A_100 = vector.shape_cast %get3A_99 : vector<16xi32> to vector<16xi32>
      %add3A_101 = arith.addi %scan3A_96, %get3A_100 : vector<16xi32>
      scf.yield %add3A_101 : vector<16xi32>
    }
    %scan3A_43 = arith.constant 256 : i32
    %slice3A = vector.extract_strided_slice %scan3A_42 {offsets = [0], sizes = [1], strides = [1]} : vector<16xi32> to vector<1xi32>
    %squeeze3A = vector.extract %slice3A[0] : i32 from vector<1xi32>
    %slice3A_44 = vector.extract_strided_slice %scan3A_42 {offsets = [1], sizes = [1], strides = [1]} : vector<16xi32> to vector<1xi32>
    %squeeze3A_45 = vector.extract %slice3A_44[0] : i32 from vector<1xi32>
    %add3A_46 = arith.addi %squeeze3A, %squeeze3A_45 : i32
    %slice3A_47 = vector.extract_strided_slice %scan3A_42 {offsets = [2], sizes = [1], strides = [1]} : vector<16xi32> to vector<1xi32>
    %squeeze3A_48 = vector.extract %slice3A_47[0] : i32 from vector<1xi32>
    %add3A_49 = arith.addi %add3A_46, %squeeze3A_48 : i32
    %slice3A_50 = vector.extract_strided_slice %scan3A_42 {offsets = [3], sizes = [1], strides = [1]} : vector<16xi32> to vector<1xi32>
    %squeeze3A_51 = vector.extract %slice3A_50[0] : i32 from vector<1xi32>
    %add3A_52 = arith.addi %add3A_49, %squeeze3A_51 : i32
    %slice3A_53 = vector.extract_strided_slice %scan3A_42 {offsets = [4], sizes = [1], strides = [1]} : vector<16xi32> to vector<1xi32>
    %squeeze3A_54 = vector.extract %slice3A_53[0] : i32 from vector<1xi32>
    %add3A_55 = arith.addi %add3A_52, %squeeze3A_54 : i32
    %slice3A_56 = vector.extract_strided_slice %scan3A_42 {offsets = [5], sizes = [1], strides = [1]} : vector<16xi32> to vector<1xi32>
    %squeeze3A_57 = vector.extract %slice3A_56[0] : i32 from vector<1xi32>
    %add3A_58 = arith.addi %add3A_55, %squeeze3A_57 : i32
    %slice3A_59 = vector.extract_strided_slice %scan3A_42 {offsets = [6], sizes = [1], strides = [1]} : vector<16xi32> to vector<1xi32>
    %squeeze3A_60 = vector.extract %slice3A_59[0] : i32 from vector<1xi32>
    %add3A_61 = arith.addi %add3A_58, %squeeze3A_60 : i32
    %slice3A_62 = vector.extract_strided_slice %scan3A_42 {offsets = [7], sizes = [1], strides = [1]} : vector<16xi32> to vector<1xi32>
    %squeeze3A_63 = vector.extract %slice3A_62[0] : i32 from vector<1xi32>
    %add3A_64 = arith.addi %add3A_61, %squeeze3A_63 : i32
    %slice3A_65 = vector.extract_strided_slice %scan3A_42 {offsets = [8], sizes = [1], strides = [1]} : vector<16xi32> to vector<1xi32>
    %squeeze3A_66 = vector.extract %slice3A_65[0] : i32 from vector<1xi32>
    %add3A_67 = arith.addi %add3A_64, %squeeze3A_66 : i32
    %slice3A_68 = vector.extract_strided_slice %scan3A_42 {offsets = [9], sizes = [1], strides = [1]} : vector<16xi32> to vector<1xi32>
    %squeeze3A_69 = vector.extract %slice3A_68[0] : i32 from vector<1xi32>
    %add3A_70 = arith.addi %add3A_67, %squeeze3A_69 : i32
    %slice3A_71 = vector.extract_strided_slice %scan3A_42 {offsets = [10], sizes = [1], strides = [1]} : vector<16xi32> to vector<1xi32>
    %squeeze3A_72 = vector.extract %slice3A_71[0] : i32 from vector<1xi32>
    %add3A_73 = arith.addi %add3A_70, %squeeze3A_72 : i32
    %slice3A_74 = vector.extract_strided_slice %scan3A_42 {offsets = [11], sizes = [1], strides = [1]} : vector<16xi32> to vector<1xi32>
    %squeeze3A_75 = vector.extract %slice3A_74[0] : i32 from vector<1xi32>
    %add3A_76 = arith.addi %add3A_73, %squeeze3A_75 : i32
    %slice3A_77 = vector.extract_strided_slice %scan3A_42 {offsets = [12], sizes = [1], strides = [1]} : vector<16xi32> to vector<1xi32>
    %squeeze3A_78 = vector.extract %slice3A_77[0] : i32 from vector<1xi32>
    %add3A_79 = arith.addi %add3A_76, %squeeze3A_78 : i32
    %slice3A_80 = vector.extract_strided_slice %scan3A_42 {offsets = [13], sizes = [1], strides = [1]} : vector<16xi32> to vector<1xi32>
    %squeeze3A_81 = vector.extract %slice3A_80[0] : i32 from vector<1xi32>
    %add3A_82 = arith.addi %add3A_79, %squeeze3A_81 : i32
    %slice3A_83 = vector.extract_strided_slice %scan3A_42 {offsets = [14], sizes = [1], strides = [1]} : vector<16xi32> to vector<1xi32>
    %squeeze3A_84 = vector.extract %slice3A_83[0] : i32 from vector<1xi32>
    %add3A_85 = arith.addi %add3A_82, %squeeze3A_84 : i32
    %slice3A_86 = vector.extract_strided_slice %scan3A_42 {offsets = [15], sizes = [1], strides = [1]} : vector<16xi32> to vector<1xi32>
    %squeeze3A_87 = vector.extract %slice3A_86[0] : i32 from vector<1xi32>
    %add3A_88 = arith.addi %add3A_85, %squeeze3A_87 : i32
    %eq3A = arith.constant 4096 : i32
    %eq3A_89 = arith.cmpi eq, %add3A_88, %eq3A : i32
    %convert_element_type3A = arith.extui %eq3A_89 : i1 to i32
    %cond3A = arith.constant 0 : i32
    %cond3A_90 = arith.cmpi ne, %convert_element_type3A, %cond3A : i32
    scf.if %cond3A_90 {
      %dma_wait3A = arith.constant 0 : i32
      %dma_wait3A_95 = tpu.memref_slice %arg2[%add3A_4, %dma_wait3A] : memref<131072x64xf32, #tpu.memory_space<hbm>> -> memref<128x64xf32, #tpu.memory_space<hbm>>
      %dma_wait3A_96 = arith.constant 0 : i32
      %dma_wait3A_97 = tpu.memref_slice %arg2[%add3A_4, %dma_wait3A_96] : memref<131072x64xf32, #tpu.memory_space<hbm>> -> memref<128x64xf32, #tpu.memory_space<hbm>>
      tpu.wait_dma2 semaphore(%arg17 : memref<!tpu.dma_semaphore, #tpu.memory_space<semaphore_mem>>) src(%dma_wait3A_97 : memref<128x64xf32, #tpu.memory_space<hbm>>) dst(%arg11 : memref<128x64xf32, #tpu.memory_space<vmem>>)
      %add3A_98 = arith.constant 0 : i32
      %add3A_99 = arith.addi %mul3A_2, %add3A_98 : i32
      %dma_start3A_100 = arith.constant 0 : i32
      %dma_start3A_101 = tpu.memref_slice %arg6[%add3A_99, %dma_start3A_100] : memref<131072x64xf32, #tpu.memory_space<hbm>> -> memref<128x64xf32, #tpu.memory_space<hbm>>
      %dma_start3A_102 = arith.constant 0 : i32
      %dma_start3A_103 = tpu.memref_slice %arg6[%add3A_99, %dma_start3A_102] : memref<131072x64xf32, #tpu.memory_space<hbm>> -> memref<128x64xf32, #tpu.memory_space<hbm>>
      tpu.enqueue_dma source(%arg11 : memref<128x64xf32, #tpu.memory_space<vmem>>) target(%dma_start3A_103 : memref<128x64xf32, #tpu.memory_space<hbm>>) target_semaphore(%arg23 : memref<!tpu.dma_semaphore, #tpu.memory_space<semaphore_mem>>)
      %dma_wait3A_104 = arith.constant 0 : i32
      %dma_wait3A_105 = tpu.memref_slice %arg2[%add3A_9, %dma_wait3A_104] : memref<131072x64xf32, #tpu.memory_space<hbm>> -> memref<128x64xf32, #tpu.memory_space<hbm>>
      %dma_wait3A_106 = arith.constant 0 : i32
      %dma_wait3A_107 = tpu.memref_slice %arg2[%add3A_9, %dma_wait3A_106] : memref<131072x64xf32, #tpu.memory_space<hbm>> -> memref<128x64xf32, #tpu.memory_space<hbm>>
      tpu.wait_dma2 semaphore(%arg18 : memref<!tpu.dma_semaphore, #tpu.memory_space<semaphore_mem>>) src(%dma_wait3A_107 : memref<128x64xf32, #tpu.memory_space<hbm>>) dst(%arg12 : memref<128x64xf32, #tpu.memory_space<vmem>>)
      %add3A_108 = arith.constant 128 : i32
      %add3A_109 = arith.addi %mul3A_2, %add3A_108 : i32
      %dma_start3A_110 = arith.constant 0 : i32
      %dma_start3A_111 = tpu.memref_slice %arg6[%add3A_109, %dma_start3A_110] : memref<131072x64xf32, #tpu.memory_space<hbm>> -> memref<128x64xf32, #tpu.memory_space<hbm>>
      %dma_start3A_112 = arith.constant 0 : i32
      %dma_start3A_113 = tpu.memref_slice %arg6[%add3A_109, %dma_start3A_112] : memref<131072x64xf32, #tpu.memory_space<hbm>> -> memref<128x64xf32, #tpu.memory_space<hbm>>
      tpu.enqueue_dma source(%arg12 : memref<128x64xf32, #tpu.memory_space<vmem>>) target(%dma_start3A_113 : memref<128x64xf32, #tpu.memory_space<hbm>>) target_semaphore(%arg24 : memref<!tpu.dma_semaphore, #tpu.memory_space<semaphore_mem>>)
      %dma_wait3A_114 = arith.constant 0 : i32
      %dma_wait3A_115 = tpu.memref_slice %arg6[%add3A_99, %dma_wait3A_114] : memref<131072x64xf32, #tpu.memory_space<hbm>> -> memref<128x64xf32, #tpu.memory_space<hbm>>
      %dma_wait3A_116 = arith.constant 0 : i32
      %dma_wait3A_117 = tpu.memref_slice %arg6[%add3A_99, %dma_wait3A_116] : memref<131072x64xf32, #tpu.memory_space<hbm>> -> memref<128x64xf32, #tpu.memory_space<hbm>>
      tpu.wait_dma2 semaphore(%arg23 : memref<!tpu.dma_semaphore, #tpu.memory_space<semaphore_mem>>) src(%arg11 : memref<128x64xf32, #tpu.memory_space<vmem>>) dst(%dma_wait3A_117 : memref<128x64xf32, #tpu.memory_space<hbm>>)
      %add3A_118 = arith.constant 768 : i32
      %add3A_119 = arith.addi %mul3A_2, %add3A_118 : i32
      %dma_start3A_120 = arith.constant 0 : i32
      %dma_start3A_121 = tpu.memref_slice %arg2[%add3A_119, %dma_start3A_120] : memref<131072x64xf32, #tpu.memory_space<hbm>> -> memref<128x64xf32, #tpu.memory_space<hbm>>
      %dma_start3A_122 = arith.constant 0 : i32
      %dma_start3A_123 = tpu.memref_slice %arg2[%add3A_119, %dma_start3A_122] : memref<131072x64xf32, #tpu.memory_space<hbm>> -> memref<128x64xf32, #tpu.memory_space<hbm>>
      tpu.enqueue_dma source(%dma_start3A_123 : memref<128x64xf32, #tpu.memory_space<hbm>>) target(%arg11 : memref<128x64xf32, #tpu.memory_space<vmem>>) target_semaphore(%arg17 : memref<!tpu.dma_semaphore, #tpu.memory_space<semaphore_mem>>)
      %dma_wait3A_124 = arith.constant 0 : i32
      %dma_wait3A_125 = tpu.memref_slice %arg2[%add3A_15, %dma_wait3A_124] : memref<131072x64xf32, #tpu.memory_space<hbm>> -> memref<128x64xf32, #tpu.memory_space<hbm>>
      %dma_wait3A_126 = arith.constant 0 : i32
      %dma_wait3A_127 = tpu.memref_slice %arg2[%add3A_15, %dma_wait3A_126] : memref<131072x64xf32, #tpu.memory_space<hbm>> -> memref<128x64xf32, #tpu.memory_space<hbm>>
      tpu.wait_dma2 semaphore(%arg19 : memref<!tpu.dma_semaphore, #tpu.memory_space<semaphore_mem>>) src(%dma_wait3A_127 : memref<128x64xf32, #tpu.memory_space<hbm>>) dst(%arg13 : memref<128x64xf32, #tpu.memory_space<vmem>>)
      %add3A_128 = arith.constant 256 : i32
      %add3A_129 = arith.addi %mul3A_2, %add3A_128 : i32
      %dma_start3A_130 = arith.constant 0 : i32
      %dma_start3A_131 = tpu.memref_slice %arg6[%add3A_129, %dma_start3A_130] : memref<131072x64xf32, #tpu.memory_space<hbm>> -> memref<128x64xf32, #tpu.memory_space<hbm>>
      %dma_start3A_132 = arith.constant 0 : i32
      %dma_start3A_133 = tpu.memref_slice %arg6[%add3A_129, %dma_start3A_132] : memref<131072x64xf32, #tpu.memory_space<hbm>> -> memref<128x64xf32, #tpu.memory_space<hbm>>
      tpu.enqueue_dma source(%arg13 : memref<128x64xf32, #tpu.memory_space<vmem>>) target(%dma_start3A_133 : memref<128x64xf32, #tpu.memory_space<hbm>>) target_semaphore(%arg25 : memref<!tpu.dma_semaphore, #tpu.memory_space<semaphore_mem>>)
      %dma_wait3A_134 = arith.constant 0 : i32
      %dma_wait3A_135 = tpu.memref_slice %arg6[%add3A_109, %dma_wait3A_134] : memref<131072x64xf32, #tpu.memory_space<hbm>> -> memref<128x64xf32, #tpu.memory_space<hbm>>
      %dma_wait3A_136 = arith.constant 0 : i32
      %dma_wait3A_137 = tpu.memref_slice %arg6[%add3A_109, %dma_wait3A_136] : memref<131072x64xf32, #tpu.memory_space<hbm>> -> memref<128x64xf32, #tpu.memory_space<hbm>>
      tpu.wait_dma2 semaphore(%arg24 : memref<!tpu.dma_semaphore, #tpu.memory_space<semaphore_mem>>) src(%arg12 : memref<128x64xf32, #tpu.memory_space<vmem>>) dst(%dma_wait3A_137 : memref<128x64xf32, #tpu.memory_space<hbm>>)
      %add3A_138 = arith.constant 896 : i32
      %add3A_139 = arith.addi %mul3A_2, %add3A_138 : i32
      %dma_start3A_140 = arith.constant 0 : i32
      %dma_start3A_141 = tpu.memref_slice %arg2[%add3A_139, %dma_start3A_140] : memref<131072x64xf32, #tpu.memory_space<hbm>> -> memref<128x64xf32, #tpu.memory_space<hbm>>
      %dma_start3A_142 = arith.constant 0 : i32
      %dma_start3A_143 = tpu.memref_slice %arg2[%add3A_139, %dma_start3A_142] : memref<131072x64xf32, #tpu.memory_space<hbm>> -> memref<128x64xf32, #tpu.memory_space<hbm>>
      tpu.enqueue_dma source(%dma_start3A_143 : memref<128x64xf32, #tpu.memory_space<hbm>>) target(%arg12 : memref<128x64xf32, #tpu.memory_space<vmem>>) target_semaphore(%arg18 : memref<!tpu.dma_semaphore, #tpu.memory_space<semaphore_mem>>)
      %dma_wait3A_144 = arith.constant 0 : i32
      %dma_wait3A_145 = tpu.memref_slice %arg2[%add3A_21, %dma_wait3A_144] : memref<131072x64xf32, #tpu.memory_space<hbm>> -> memref<128x64xf32, #tpu.memory_space<hbm>>
      %dma_wait3A_146 = arith.constant 0 : i32
      %dma_wait3A_147 = tpu.memref_slice %arg2[%add3A_21, %dma_wait3A_146] : memref<131072x64xf32, #tpu.memory_space<hbm>> -> memref<128x64xf32, #tpu.memory_space<hbm>>
      tpu.wait_dma2 semaphore(%arg20 : memref<!tpu.dma_semaphore, #tpu.memory_space<semaphore_mem>>) src(%dma_wait3A_147 : memref<128x64xf32, #tpu.memory_space<hbm>>) dst(%arg14 : memref<128x64xf32, #tpu.memory_space<vmem>>)
      %add3A_148 = arith.constant 384 : i32
      %add3A_149 = arith.addi %mul3A_2, %add3A_148 : i32
      %dma_start3A_150 = arith.constant 0 : i32
      %dma_start3A_151 = tpu.memref_slice %arg6[%add3A_149, %dma_start3A_150] : memref<131072x64xf32, #tpu.memory_space<hbm>> -> memref<128x64xf32, #tpu.memory_space<hbm>>
      %dma_start3A_152 = arith.constant 0 : i32
      %dma_start3A_153 = tpu.memref_slice %arg6[%add3A_149, %dma_start3A_152] : memref<131072x64xf32, #tpu.memory_space<hbm>> -> memref<128x64xf32, #tpu.memory_space<hbm>>
      tpu.enqueue_dma source(%arg14 : memref<128x64xf32, #tpu.memory_space<vmem>>) target(%dma_start3A_153 : memref<128x64xf32, #tpu.memory_space<hbm>>) target_semaphore(%arg26 : memref<!tpu.dma_semaphore, #tpu.memory_space<semaphore_mem>>)
      %dma_wait3A_154 = arith.constant 0 : i32
      %dma_wait3A_155 = tpu.memref_slice %arg6[%add3A_129, %dma_wait3A_154] : memref<131072x64xf32, #tpu.memory_space<hbm>> -> memref<128x64xf32, #tpu.memory_space<hbm>>
      %dma_wait3A_156 = arith.constant 0 : i32
      %dma_wait3A_157 = tpu.memref_slice %arg6[%add3A_129, %dma_wait3A_156] : memref<131072x64xf32, #tpu.memory_space<hbm>> -> memref<128x64xf32, #tpu.memory_space<hbm>>
      tpu.wait_dma2 semaphore(%arg25 : memref<!tpu.dma_semaphore, #tpu.memory_space<semaphore_mem>>) src(%arg13 : memref<128x64xf32, #tpu.memory_space<vmem>>) dst(%dma_wait3A_157 : memref<128x64xf32, #tpu.memory_space<hbm>>)
      %add3A_158 = arith.constant 1024 : i32
      %add3A_159 = arith.addi %mul3A_2, %add3A_158 : i32
      %dma_start3A_160 = arith.constant 0 : i32
      %dma_start3A_161 = tpu.memref_slice %arg2[%add3A_159, %dma_start3A_160] : memref<131072x64xf32, #tpu.memory_space<hbm>> -> memref<128x64xf32, #tpu.memory_space<hbm>>
      %dma_start3A_162 = arith.constant 0 : i32
      %dma_start3A_163 = tpu.memref_slice %arg2[%add3A_159, %dma_start3A_162] : memref<131072x64xf32, #tpu.memory_space<hbm>> -> memref<128x64xf32, #tpu.memory_space<hbm>>
      tpu.enqueue_dma source(%dma_start3A_163 : memref<128x64xf32, #tpu.memory_space<hbm>>) target(%arg13 : memref<128x64xf32, #tpu.memory_space<vmem>>) target_semaphore(%arg19 : memref<!tpu.dma_semaphore, #tpu.memory_space<semaphore_mem>>)
      %dma_wait3A_164 = arith.constant 0 : i32
      %dma_wait3A_165 = tpu.memref_slice %arg2[%add3A_27, %dma_wait3A_164] : memref<131072x64xf32, #tpu.memory_space<hbm>> -> memref<128x64xf32, #tpu.memory_space<hbm>>
      %dma_wait3A_166 = arith.constant 0 : i32
      %dma_wait3A_167 = tpu.memref_slice %arg2[%add3A_27, %dma_wait3A_166] : memref<131072x64xf32, #tpu.memory_space<hbm>> -> memref<128x64xf32, #tpu.memory_space<hbm>>
      tpu.wait_dma2 semaphore(%arg21 : memref<!tpu.dma_semaphore, #tpu.memory_space<semaphore_mem>>) src(%dma_wait3A_167 : memref<128x64xf32, #tpu.memory_space<hbm>>) dst(%arg15 : memref<128x64xf32, #tpu.memory_space<vmem>>)
      %add3A_168 = arith.constant 512 : i32
      %add3A_169 = arith.addi %mul3A_2, %add3A_168 : i32
      %dma_start3A_170 = arith.constant 0 : i32
      %dma_start3A_171 = tpu.memref_slice %arg6[%add3A_169, %dma_start3A_170] : memref<131072x64xf32, #tpu.memory_space<hbm>> -> memref<128x64xf32, #tpu.memory_space<hbm>>
      %dma_start3A_172 = arith.constant 0 : i32
      %dma_start3A_173 = tpu.memref_slice %arg6[%add3A_169, %dma_start3A_172] : memref<131072x64xf32, #tpu.memory_space<hbm>> -> memref<128x64xf32, #tpu.memory_space<hbm>>
      tpu.enqueue_dma source(%arg15 : memref<128x64xf32, #tpu.memory_space<vmem>>) target(%dma_start3A_173 : memref<128x64xf32, #tpu.memory_space<hbm>>) target_semaphore(%arg27 : memref<!tpu.dma_semaphore, #tpu.memory_space<semaphore_mem>>)
      %dma_wait3A_174 = arith.constant 0 : i32
      %dma_wait3A_175 = tpu.memref_slice %arg6[%add3A_149, %dma_wait3A_174] : memref<131072x64xf32, #tpu.memory_space<hbm>> -> memref<128x64xf32, #tpu.memory_space<hbm>>
      %dma_wait3A_176 = arith.constant 0 : i32
      %dma_wait3A_177 = tpu.memref_slice %arg6[%add3A_149, %dma_wait3A_176] : memref<131072x64xf32, #tpu.memory_space<hbm>> -> memref<128x64xf32, #tpu.memory_space<hbm>>
      tpu.wait_dma2 semaphore(%arg26 : memref<!tpu.dma_semaphore, #tpu.memory_space<semaphore_mem>>) src(%arg14 : memref<128x64xf32, #tpu.memory_space<vmem>>) dst(%dma_wait3A_177 : memref<128x64xf32, #tpu.memory_space<hbm>>)
      %add3A_178 = arith.constant 1152 : i32
      %add3A_179 = arith.addi %mul3A_2, %add3A_178 : i32
      %dma_start3A_180 = arith.constant 0 : i32
      %dma_start3A_181 = tpu.memref_slice %arg2[%add3A_179, %dma_start3A_180] : memref<131072x64xf32, #tpu.memory_space<hbm>> -> memref<128x64xf32, #tpu.memory_space<hbm>>
      %dma_start3A_182 = arith.constant 0 : i32
      %dma_start3A_183 = tpu.memref_slice %arg2[%add3A_179, %dma_start3A_182] : memref<131072x64xf32, #tpu.memory_space<hbm>> -> memref<128x64xf32, #tpu.memory_space<hbm>>
      tpu.enqueue_dma source(%dma_start3A_183 : memref<128x64xf32, #tpu.memory_space<hbm>>) target(%arg14 : memref<128x64xf32, #tpu.memory_space<vmem>>) target_semaphore(%arg20 : memref<!tpu.dma_semaphore, #tpu.memory_space<semaphore_mem>>)
      %dma_wait3A_184 = arith.constant 0 : i32
      %dma_wait3A_185 = tpu.memref_slice %arg2[%add3A_33, %dma_wait3A_184] : memref<131072x64xf32, #tpu.memory_space<hbm>> -> memref<128x64xf32, #tpu.memory_space<hbm>>
      %dma_wait3A_186 = arith.constant 0 : i32
      %dma_wait3A_187 = tpu.memref_slice %arg2[%add3A_33, %dma_wait3A_186] : memref<131072x64xf32, #tpu.memory_space<hbm>> -> memref<128x64xf32, #tpu.memory_space<hbm>>
      tpu.wait_dma2 semaphore(%arg22 : memref<!tpu.dma_semaphore, #tpu.memory_space<semaphore_mem>>) src(%dma_wait3A_187 : memref<128x64xf32, #tpu.memory_space<hbm>>) dst(%arg16 : memref<128x64xf32, #tpu.memory_space<vmem>>)
      %add3A_188 = arith.constant 640 : i32
      %add3A_189 = arith.addi %mul3A_2, %add3A_188 : i32
      %dma_start3A_190 = arith.constant 0 : i32
      %dma_start3A_191 = tpu.memref_slice %arg6[%add3A_189, %dma_start3A_190] : memref<131072x64xf32, #tpu.memory_space<hbm>> -> memref<128x64xf32, #tpu.memory_space<hbm>>
      %dma_start3A_192 = arith.constant 0 : i32
      %dma_start3A_193 = tpu.memref_slice %arg6[%add3A_189, %dma_start3A_192] : memref<131072x64xf32, #tpu.memory_space<hbm>> -> memref<128x64xf32, #tpu.memory_space<hbm>>
      tpu.enqueue_dma source(%arg16 : memref<128x64xf32, #tpu.memory_space<vmem>>) target(%dma_start3A_193 : memref<128x64xf32, #tpu.memory_space<hbm>>) target_semaphore(%arg28 : memref<!tpu.dma_semaphore, #tpu.memory_space<semaphore_mem>>)
      %dma_wait3A_194 = arith.constant 0 : i32
      %dma_wait3A_195 = tpu.memref_slice %arg6[%add3A_169, %dma_wait3A_194] : memref<131072x64xf32, #tpu.memory_space<hbm>> -> memref<128x64xf32, #tpu.memory_space<hbm>>
      %dma_wait3A_196 = arith.constant 0 : i32
      %dma_wait3A_197 = tpu.memref_slice %arg6[%add3A_169, %dma_wait3A_196] : memref<131072x64xf32, #tpu.memory_space<hbm>> -> memref<128x64xf32, #tpu.memory_space<hbm>>
      tpu.wait_dma2 semaphore(%arg27 : memref<!tpu.dma_semaphore, #tpu.memory_space<semaphore_mem>>) src(%arg15 : memref<128x64xf32, #tpu.memory_space<vmem>>) dst(%dma_wait3A_197 : memref<128x64xf32, #tpu.memory_space<hbm>>)
      %add3A_198 = arith.constant 1280 : i32
      %add3A_199 = arith.addi %mul3A_2, %add3A_198 : i32
      %dma_start3A_200 = arith.constant 0 : i32
      %dma_start3A_201 = tpu.memref_slice %arg2[%add3A_199, %dma_start3A_200] : memref<131072x64xf32, #tpu.memory_space<hbm>> -> memref<128x64xf32, #tpu.memory_space<hbm>>
      %dma_start3A_202 = arith.constant 0 : i32
      %dma_start3A_203 = tpu.memref_slice %arg2[%add3A_199, %dma_start3A_202] : memref<131072x64xf32, #tpu.memory_space<hbm>> -> memref<128x64xf32, #tpu.memory_space<hbm>>
      tpu.enqueue_dma source(%dma_start3A_203 : memref<128x64xf32, #tpu.memory_space<hbm>>) target(%arg15 : memref<128x64xf32, #tpu.memory_space<vmem>>) target_semaphore(%arg21 : memref<!tpu.dma_semaphore, #tpu.memory_space<semaphore_mem>>)
      %dma_wait3A_204 = arith.constant 0 : i32
      %dma_wait3A_205 = tpu.memref_slice %arg2[%add3A_119, %dma_wait3A_204] : memref<131072x64xf32, #tpu.memory_space<hbm>> -> memref<128x64xf32, #tpu.memory_space<hbm>>
      %dma_wait3A_206 = arith.constant 0 : i32
      %dma_wait3A_207 = tpu.memref_slice %arg2[%add3A_119, %dma_wait3A_206] : memref<131072x64xf32, #tpu.memory_space<hbm>> -> memref<128x64xf32, #tpu.memory_space<hbm>>
      tpu.wait_dma2 semaphore(%arg17 : memref<!tpu.dma_semaphore, #tpu.memory_space<semaphore_mem>>) src(%dma_wait3A_207 : memref<128x64xf32, #tpu.memory_space<hbm>>) dst(%arg11 : memref<128x64xf32, #tpu.memory_space<vmem>>)
      %add3A_208 = arith.constant 768 : i32
      %add3A_209 = arith.addi %mul3A_2, %add3A_208 : i32
      %dma_start3A_210 = arith.constant 0 : i32
      %dma_start3A_211 = tpu.memref_slice %arg6[%add3A_209, %dma_start3A_210] : memref<131072x64xf32, #tpu.memory_space<hbm>> -> memref<128x64xf32, #tpu.memory_space<hbm>>
      %dma_start3A_212 = arith.constant 0 : i32
      %dma_start3A_213 = tpu.memref_slice %arg6[%add3A_209, %dma_start3A_212] : memref<131072x64xf32, #tpu.memory_space<hbm>> -> memref<128x64xf32, #tpu.memory_space<hbm>>
      tpu.enqueue_dma source(%arg11 : memref<128x64xf32, #tpu.memory_space<vmem>>) target(%dma_start3A_213 : memref<128x64xf32, #tpu.memory_space<hbm>>) target_semaphore(%arg23 : memref<!tpu.dma_semaphore, #tpu.memory_space<semaphore_mem>>)
      %dma_wait3A_214 = arith.constant 0 : i32
      %dma_wait3A_215 = tpu.memref_slice %arg6[%add3A_189, %dma_wait3A_214] : memref<131072x64xf32, #tpu.memory_space<hbm>> -> memref<128x64xf32, #tpu.memory_space<hbm>>
      %dma_wait3A_216 = arith.constant 0 : i32
      %dma_wait3A_217 = tpu.memref_slice %arg6[%add3A_189, %dma_wait3A_216] : memref<131072x64xf32, #tpu.memory_space<hbm>> -> memref<128x64xf32, #tpu.memory_space<hbm>>
      tpu.wait_dma2 semaphore(%arg28 : memref<!tpu.dma_semaphore, #tpu.memory_space<semaphore_mem>>) src(%arg16 : memref<128x64xf32, #tpu.memory_space<vmem>>) dst(%dma_wait3A_217 : memref<128x64xf32, #tpu.memory_space<hbm>>)
      %add3A_218 = arith.constant 1408 : i32
      %add3A_219 = arith.addi %mul3A_2, %add3A_218 : i32
      %dma_start3A_220 = arith.constant 0 : i32
      %dma_start3A_221 = tpu.memref_slice %arg2[%add3A_219, %dma_start3A_220] : memref<131072x64xf32, #tpu.memory_space<hbm>> -> memref<128x64xf32, #tpu.memory_space<hbm>>
      %dma_start3A_222 = arith.constant 0 : i32
      %dma_start3A_223 = tpu.memref_slice %arg2[%add3A_219, %dma_start3A_222] : memref<131072x64xf32, #tpu.memory_space<hbm>> -> memref<128x64xf32, #tpu.memory_space<hbm>>
      tpu.enqueue_dma source(%dma_start3A_223 : memref<128x64xf32, #tpu.memory_space<hbm>>) target(%arg16 : memref<128x64xf32, #tpu.memory_space<vmem>>) target_semaphore(%arg22 : memref<!tpu.dma_semaphore, #tpu.memory_space<semaphore_mem>>)
      %dma_wait3A_224 = arith.constant 0 : i32
      %dma_wait3A_225 = tpu.memref_slice %arg2[%add3A_139, %dma_wait3A_224] : memref<131072x64xf32, #tpu.memory_space<hbm>> -> memref<128x64xf32, #tpu.memory_space<hbm>>
      %dma_wait3A_226 = arith.constant 0 : i32
      %dma_wait3A_227 = tpu.memref_slice %arg2[%add3A_139, %dma_wait3A_226] : memref<131072x64xf32, #tpu.memory_space<hbm>> -> memref<128x64xf32, #tpu.memory_space<hbm>>
      tpu.wait_dma2 semaphore(%arg18 : memref<!tpu.dma_semaphore, #tpu.memory_space<semaphore_mem>>) src(%dma_wait3A_227 : memref<128x64xf32, #tpu.memory_space<hbm>>) dst(%arg12 : memref<128x64xf32, #tpu.memory_space<vmem>>)
      %add3A_228 = arith.constant 896 : i32
      %add3A_229 = arith.addi %mul3A_2, %add3A_228 : i32
      %dma_start3A_230 = arith.constant 0 : i32
      %dma_start3A_231 = tpu.memref_slice %arg6[%add3A_229, %dma_start3A_230] : memref<131072x64xf32, #tpu.memory_space<hbm>> -> memref<128x64xf32, #tpu.memory_space<hbm>>
      %dma_start3A_232 = arith.constant 0 : i32
      %dma_start3A_233 = tpu.memref_slice %arg6[%add3A_229, %dma_start3A_232] : memref<131072x64xf32, #tpu.memory_space<hbm>> -> memref<128x64xf32, #tpu.memory_space<hbm>>
      tpu.enqueue_dma source(%arg12 : memref<128x64xf32, #tpu.memory_space<vmem>>) target(%dma_start3A_233 : memref<128x64xf32, #tpu.memory_space<hbm>>) target_semaphore(%arg24 : memref<!tpu.dma_semaphore, #tpu.memory_space<semaphore_mem>>)
      %dma_wait3A_234 = arith.constant 0 : i32
      %dma_wait3A_235 = tpu.memref_slice %arg6[%add3A_209, %dma_wait3A_234] : memref<131072x64xf32, #tpu.memory_space<hbm>> -> memref<128x64xf32, #tpu.memory_space<hbm>>
      %dma_wait3A_236 = arith.constant 0 : i32
      %dma_wait3A_237 = tpu.memref_slice %arg6[%add3A_209, %dma_wait3A_236] : memref<131072x64xf32, #tpu.memory_space<hbm>> -> memref<128x64xf32, #tpu.memory_space<hbm>>
      tpu.wait_dma2 semaphore(%arg23 : memref<!tpu.dma_semaphore, #tpu.memory_space<semaphore_mem>>) src(%arg11 : memref<128x64xf32, #tpu.memory_space<vmem>>) dst(%dma_wait3A_237 : memref<128x64xf32, #tpu.memory_space<hbm>>)
      %add3A_238 = arith.constant 1536 : i32
      %add3A_239 = arith.addi %mul3A_2, %add3A_238 : i32
      %dma_start3A_240 = arith.constant 0 : i32
      %dma_start3A_241 = tpu.memref_slice %arg2[%add3A_239, %dma_start3A_240] : memref<131072x64xf32, #tpu.memory_space<hbm>> -> memref<128x64xf32, #tpu.memory_space<hbm>>
      %dma_start3A_242 = arith.constant 0 : i32
      %dma_start3A_243 = tpu.memref_slice %arg2[%add3A_239, %dma_start3A_242] : memref<131072x64xf32, #tpu.memory_space<hbm>> -> memref<128x64xf32, #tpu.memory_space<hbm>>
      tpu.enqueue_dma source(%dma_start3A_243 : memref<128x64xf32, #tpu.memory_space<hbm>>) target(%arg11 : memref<128x64xf32, #tpu.memory_space<vmem>>) target_semaphore(%arg17 : memref<!tpu.dma_semaphore, #tpu.memory_space<semaphore_mem>>)
      %dma_wait3A_244 = arith.constant 0 : i32
      %dma_wait3A_245 = tpu.memref_slice %arg2[%add3A_159, %dma_wait3A_244] : memref<131072x64xf32, #tpu.memory_space<hbm>> -> memref<128x64xf32, #tpu.memory_space<hbm>>
      %dma_wait3A_246 = arith.constant 0 : i32
      %dma_wait3A_247 = tpu.memref_slice %arg2[%add3A_159, %dma_wait3A_246] : memref<131072x64xf32, #tpu.memory_space<hbm>> -> memref<128x64xf32, #tpu.memory_space<hbm>>
      tpu.wait_dma2 semaphore(%arg19 : memref<!tpu.dma_semaphore, #tpu.memory_space<semaphore_mem>>) src(%dma_wait3A_247 : memref<128x64xf32, #tpu.memory_space<hbm>>) dst(%arg13 : memref<128x64xf32, #tpu.memory_space<vmem>>)
      %add3A_248 = arith.constant 1024 : i32
      %add3A_249 = arith.addi %mul3A_2, %add3A_248 : i32
      %dma_start3A_250 = arith.constant 0 : i32
      %dma_start3A_251 = tpu.memref_slice %arg6[%add3A_249, %dma_start3A_250] : memref<131072x64xf32, #tpu.memory_space<hbm>> -> memref<128x64xf32, #tpu.memory_space<hbm>>
      %dma_start3A_252 = arith.constant 0 : i32
      %dma_start3A_253 = tpu.memref_slice %arg6[%add3A_249, %dma_start3A_252] : memref<131072x64xf32, #tpu.memory_space<hbm>> -> memref<128x64xf32, #tpu.memory_space<hbm>>
      tpu.enqueue_dma source(%arg13 : memref<128x64xf32, #tpu.memory_space<vmem>>) target(%dma_start3A_253 : memref<128x64xf32, #tpu.memory_space<hbm>>) target_semaphore(%arg25 : memref<!tpu.dma_semaphore, #tpu.memory_space<semaphore_mem>>)
      %dma_wait3A_254 = arith.constant 0 : i32
      %dma_wait3A_255 = tpu.memref_slice %arg6[%add3A_229, %dma_wait3A_254] : memref<131072x64xf32, #tpu.memory_space<hbm>> -> memref<128x64xf32, #tpu.memory_space<hbm>>
      %dma_wait3A_256 = arith.constant 0 : i32
      %dma_wait3A_257 = tpu.memref_slice %arg6[%add3A_229, %dma_wait3A_256] : memref<131072x64xf32, #tpu.memory_space<hbm>> -> memref<128x64xf32, #tpu.memory_space<hbm>>
      tpu.wait_dma2 semaphore(%arg24 : memref<!tpu.dma_semaphore, #tpu.memory_space<semaphore_mem>>) src(%arg12 : memref<128x64xf32, #tpu.memory_space<vmem>>) dst(%dma_wait3A_257 : memref<128x64xf32, #tpu.memory_space<hbm>>)
      %add3A_258 = arith.constant 1664 : i32
      %add3A_259 = arith.addi %mul3A_2, %add3A_258 : i32
      %dma_start3A_260 = arith.constant 0 : i32
      %dma_start3A_261 = tpu.memref_slice %arg2[%add3A_259, %dma_start3A_260] : memref<131072x64xf32, #tpu.memory_space<hbm>> -> memref<128x64xf32, #tpu.memory_space<hbm>>
      %dma_start3A_262 = arith.constant 0 : i32
      %dma_start3A_263 = tpu.memref_slice %arg2[%add3A_259, %dma_start3A_262] : memref<131072x64xf32, #tpu.memory_space<hbm>> -> memref<128x64xf32, #tpu.memory_space<hbm>>
      tpu.enqueue_dma source(%dma_start3A_263 : memref<128x64xf32, #tpu.memory_space<hbm>>) target(%arg12 : memref<128x64xf32, #tpu.memory_space<vmem>>) target_semaphore(%arg18 : memref<!tpu.dma_semaphore, #tpu.memory_space<semaphore_mem>>)
      %dma_wait3A_264 = arith.constant 0 : i32
      %dma_wait3A_265 = tpu.memref_slice %arg2[%add3A_179, %dma_wait3A_264] : memref<131072x64xf32, #tpu.memory_space<hbm>> -> memref<128x64xf32, #tpu.memory_space<hbm>>
      %dma_wait3A_266 = arith.constant 0 : i32
      %dma_wait3A_267 = tpu.memref_slice %arg2[%add3A_179, %dma_wait3A_266] : memref<131072x64xf32, #tpu.memory_space<hbm>> -> memref<128x64xf32, #tpu.memory_space<hbm>>
      tpu.wait_dma2 semaphore(%arg20 : memref<!tpu.dma_semaphore, #tpu.memory_space<semaphore_mem>>) src(%dma_wait3A_267 : memref<128x64xf32, #tpu.memory_space<hbm>>) dst(%arg14 : memref<128x64xf32, #tpu.memory_space<vmem>>)
      %add3A_268 = arith.constant 1152 : i32
      %add3A_269 = arith.addi %mul3A_2, %add3A_268 : i32
      %dma_start3A_270 = arith.constant 0 : i32
      %dma_start3A_271 = tpu.memref_slice %arg6[%add3A_269, %dma_start3A_270] : memref<131072x64xf32, #tpu.memory_space<hbm>> -> memref<128x64xf32, #tpu.memory_space<hbm>>
      %dma_start3A_272 = arith.constant 0 : i32
      %dma_start3A_273 = tpu.memref_slice %arg6[%add3A_269, %dma_start3A_272] : memref<131072x64xf32, #tpu.memory_space<hbm>> -> memref<128x64xf32, #tpu.memory_space<hbm>>
      tpu.enqueue_dma source(%arg14 : memref<128x64xf32, #tpu.memory_space<vmem>>) target(%dma_start3A_273 : memref<128x64xf32, #tpu.memory_space<hbm>>) target_semaphore(%arg26 : memref<!tpu.dma_semaphore, #tpu.memory_space<semaphore_mem>>)
      %dma_wait3A_274 = arith.constant 0 : i32
      %dma_wait3A_275 = tpu.memref_slice %arg6[%add3A_249, %dma_wait3A_274] : memref<131072x64xf32, #tpu.memory_space<hbm>> -> memref<128x64xf32, #tpu.memory_space<hbm>>
      %dma_wait3A_276 = arith.constant 0 : i32
      %dma_wait3A_277 = tpu.memref_slice %arg6[%add3A_249, %dma_wait3A_276] : memref<131072x64xf32, #tpu.memory_space<hbm>> -> memref<128x64xf32, #tpu.memory_space<hbm>>
      tpu.wait_dma2 semaphore(%arg25 : memref<!tpu.dma_semaphore, #tpu.memory_space<semaphore_mem>>) src(%arg13 : memref<128x64xf32, #tpu.memory_space<vmem>>) dst(%dma_wait3A_277 : memref<128x64xf32, #tpu.memory_space<hbm>>)
      %add3A_278 = arith.constant 1792 : i32
      %add3A_279 = arith.addi %mul3A_2, %add3A_278 : i32
      %dma_start3A_280 = arith.constant 0 : i32
      %dma_start3A_281 = tpu.memref_slice %arg2[%add3A_279, %dma_start3A_280] : memref<131072x64xf32, #tpu.memory_space<hbm>> -> memref<128x64xf32, #tpu.memory_space<hbm>>
      %dma_start3A_282 = arith.constant 0 : i32
      %dma_start3A_283 = tpu.memref_slice %arg2[%add3A_279, %dma_start3A_282] : memref<131072x64xf32, #tpu.memory_space<hbm>> -> memref<128x64xf32, #tpu.memory_space<hbm>>
      tpu.enqueue_dma source(%dma_start3A_283 : memref<128x64xf32, #tpu.memory_space<hbm>>) target(%arg13 : memref<128x64xf32, #tpu.memory_space<vmem>>) target_semaphore(%arg19 : memref<!tpu.dma_semaphore, #tpu.memory_space<semaphore_mem>>)
      %dma_wait3A_284 = arith.constant 0 : i32
      %dma_wait3A_285 = tpu.memref_slice %arg2[%add3A_199, %dma_wait3A_284] : memref<131072x64xf32, #tpu.memory_space<hbm>> -> memref<128x64xf32, #tpu.memory_space<hbm>>
      %dma_wait3A_286 = arith.constant 0 : i32
      %dma_wait3A_287 = tpu.memref_slice %arg2[%add3A_199, %dma_wait3A_286] : memref<131072x64xf32, #tpu.memory_space<hbm>> -> memref<128x64xf32, #tpu.memory_space<hbm>>
      tpu.wait_dma2 semaphore(%arg21 : memref<!tpu.dma_semaphore, #tpu.memory_space<semaphore_mem>>) src(%dma_wait3A_287 : memref<128x64xf32, #tpu.memory_space<hbm>>) dst(%arg15 : memref<128x64xf32, #tpu.memory_space<vmem>>)
      %add3A_288 = arith.constant 1280 : i32
      %add3A_289 = arith.addi %mul3A_2, %add3A_288 : i32
      %dma_start3A_290 = arith.constant 0 : i32
      %dma_start3A_291 = tpu.memref_slice %arg6[%add3A_289, %dma_start3A_290] : memref<131072x64xf32, #tpu.memory_space<hbm>> -> memref<128x64xf32, #tpu.memory_space<hbm>>
      %dma_start3A_292 = arith.constant 0 : i32
      %dma_start3A_293 = tpu.memref_slice %arg6[%add3A_289, %dma_start3A_292] : memref<131072x64xf32, #tpu.memory_space<hbm>> -> memref<128x64xf32, #tpu.memory_space<hbm>>
      tpu.enqueue_dma source(%arg15 : memref<128x64xf32, #tpu.memory_space<vmem>>) target(%dma_start3A_293 : memref<128x64xf32, #tpu.memory_space<hbm>>) target_semaphore(%arg27 : memref<!tpu.dma_semaphore, #tpu.memory_space<semaphore_mem>>)
      %dma_wait3A_294 = arith.constant 0 : i32
      %dma_wait3A_295 = tpu.memref_slice %arg6[%add3A_269, %dma_wait3A_294] : memref<131072x64xf32, #tpu.memory_space<hbm>> -> memref<128x64xf32, #tpu.memory_space<hbm>>
      %dma_wait3A_296 = arith.constant 0 : i32
      %dma_wait3A_297 = tpu.memref_slice %arg6[%add3A_269, %dma_wait3A_296] : memref<131072x64xf32, #tpu.memory_space<hbm>> -> memref<128x64xf32, #tpu.memory_space<hbm>>
      tpu.wait_dma2 semaphore(%arg26 : memref<!tpu.dma_semaphore, #tpu.memory_space<semaphore_mem>>) src(%arg14 : memref<128x64xf32, #tpu.memory_space<vmem>>) dst(%dma_wait3A_297 : memref<128x64xf32, #tpu.memory_space<hbm>>)
      %add3A_298 = arith.constant 1920 : i32
      %add3A_299 = arith.addi %mul3A_2, %add3A_298 : i32
      %dma_start3A_300 = arith.constant 0 : i32
      %dma_start3A_301 = tpu.memref_slice %arg2[%add3A_299, %dma_start3A_300] : memref<131072x64xf32, #tpu.memory_space<hbm>> -> memref<128x64xf32, #tpu.memory_space<hbm>>
      %dma_start3A_302 = arith.constant 0 : i32
      %dma_start3A_303 = tpu.memref_slice %arg2[%add3A_299, %dma_start3A_302] : memref<131072x64xf32, #tpu.memory_space<hbm>> -> memref<128x64xf32, #tpu.memory_space<hbm>>
      tpu.enqueue_dma source(%dma_start3A_303 : memref<128x64xf32, #tpu.memory_space<hbm>>) target(%arg14 : memref<128x64xf32, #tpu.memory_space<vmem>>) target_semaphore(%arg20 : memref<!tpu.dma_semaphore, #tpu.memory_space<semaphore_mem>>)
      %dma_wait3A_304 = arith.constant 0 : i32
      %dma_wait3A_305 = tpu.memref_slice %arg2[%add3A_219, %dma_wait3A_304] : memref<131072x64xf32, #tpu.memory_space<hbm>> -> memref<128x64xf32, #tpu.memory_space<hbm>>
      %dma_wait3A_306 = arith.constant 0 : i32
      %dma_wait3A_307 = tpu.memref_slice %arg2[%add3A_219, %dma_wait3A_306] : memref<131072x64xf32, #tpu.memory_space<hbm>> -> memref<128x64xf32, #tpu.memory_space<hbm>>
      tpu.wait_dma2 semaphore(%arg22 : memref<!tpu.dma_semaphore, #tpu.memory_space<semaphore_mem>>) src(%dma_wait3A_307 : memref<128x64xf32, #tpu.memory_space<hbm>>) dst(%arg16 : memref<128x64xf32, #tpu.memory_space<vmem>>)
      %add3A_308 = arith.constant 1408 : i32
      %add3A_309 = arith.addi %mul3A_2, %add3A_308 : i32
      %dma_start3A_310 = arith.constant 0 : i32
      %dma_start3A_311 = tpu.memref_slice %arg6[%add3A_309, %dma_start3A_310] : memref<131072x64xf32, #tpu.memory_space<hbm>> -> memref<128x64xf32, #tpu.memory_space<hbm>>
      %dma_start3A_312 = arith.constant 0 : i32
      %dma_start3A_313 = tpu.memref_slice %arg6[%add3A_309, %dma_start3A_312] : memref<131072x64xf32, #tpu.memory_space<hbm>> -> memref<128x64xf32, #tpu.memory_space<hbm>>
      tpu.enqueue_dma source(%arg16 : memref<128x64xf32, #tpu.memory_space<vmem>>) target(%dma_start3A_313 : memref<128x64xf32, #tpu.memory_space<hbm>>) target_semaphore(%arg28 : memref<!tpu.dma_semaphore, #tpu.memory_space<semaphore_mem>>)
      %dma_wait3A_314 = arith.constant 0 : i32
      %dma_wait3A_315 = tpu.memref_slice %arg6[%add3A_289, %dma_wait3A_314] : memref<131072x64xf32, #tpu.memory_space<hbm>> -> memref<128x64xf32, #tpu.memory_space<hbm>>
      %dma_wait3A_316 = arith.constant 0 : i32
      %dma_wait3A_317 = tpu.memref_slice %arg6[%add3A_289, %dma_wait3A_316] : memref<131072x64xf32, #tpu.memory_space<hbm>> -> memref<128x64xf32, #tpu.memory_space<hbm>>
      tpu.wait_dma2 semaphore(%arg27 : memref<!tpu.dma_semaphore, #tpu.memory_space<semaphore_mem>>) src(%arg15 : memref<128x64xf32, #tpu.memory_space<vmem>>) dst(%dma_wait3A_317 : memref<128x64xf32, #tpu.memory_space<hbm>>)
      %add3A_318 = arith.constant 2048 : i32
      %add3A_319 = arith.addi %mul3A_2, %add3A_318 : i32
      %dma_start3A_320 = arith.constant 0 : i32
      %dma_start3A_321 = tpu.memref_slice %arg2[%add3A_319, %dma_start3A_320] : memref<131072x64xf32, #tpu.memory_space<hbm>> -> memref<128x64xf32, #tpu.memory_space<hbm>>
      %dma_start3A_322 = arith.constant 0 : i32
      %dma_start3A_323 = tpu.memref_slice %arg2[%add3A_319, %dma_start3A_322] : memref<131072x64xf32, #tpu.memory_space<hbm>> -> memref<128x64xf32, #tpu.memory_space<hbm>>
      tpu.enqueue_dma source(%dma_start3A_323 : memref<128x64xf32, #tpu.memory_space<hbm>>) target(%arg15 : memref<128x64xf32, #tpu.memory_space<vmem>>) target_semaphore(%arg21 : memref<!tpu.dma_semaphore, #tpu.memory_space<semaphore_mem>>)
      %dma_wait3A_324 = arith.constant 0 : i32
      %dma_wait3A_325 = tpu.memref_slice %arg2[%add3A_239, %dma_wait3A_324] : memref<131072x64xf32, #tpu.memory_space<hbm>> -> memref<128x64xf32, #tpu.memory_space<hbm>>
      %dma_wait3A_326 = arith.constant 0 : i32
      %dma_wait3A_327 = tpu.memref_slice %arg2[%add3A_239, %dma_wait3A_326] : memref<131072x64xf32, #tpu.memory_space<hbm>> -> memref<128x64xf32, #tpu.memory_space<hbm>>
      tpu.wait_dma2 semaphore(%arg17 : memref<!tpu.dma_semaphore, #tpu.memory_space<semaphore_mem>>) src(%dma_wait3A_327 : memref<128x64xf32, #tpu.memory_space<hbm>>) dst(%arg11 : memref<128x64xf32, #tpu.memory_space<vmem>>)
      %add3A_328 = arith.constant 1536 : i32
      %add3A_329 = arith.addi %mul3A_2, %add3A_328 : i32
      %dma_start3A_330 = arith.constant 0 : i32
      %dma_start3A_331 = tpu.memref_slice %arg6[%add3A_329, %dma_start3A_330] : memref<131072x64xf32, #tpu.memory_space<hbm>> -> memref<128x64xf32, #tpu.memory_space<hbm>>
      %dma_start3A_332 = arith.constant 0 : i32
      %dma_start3A_333 = tpu.memref_slice %arg6[%add3A_329, %dma_start3A_332] : memref<131072x64xf32, #tpu.memory_space<hbm>> -> memref<128x64xf32, #tpu.memory_space<hbm>>
      tpu.enqueue_dma source(%arg11 : memref<128x64xf32, #tpu.memory_space<vmem>>) target(%dma_start3A_333 : memref<128x64xf32, #tpu.memory_space<hbm>>) target_semaphore(%arg23 : memref<!tpu.dma_semaphore, #tpu.memory_space<semaphore_mem>>)
      %dma_wait3A_334 = arith.constant 0 : i32
      %dma_wait3A_335 = tpu.memref_slice %arg6[%add3A_309, %dma_wait3A_334] : memref<131072x64xf32, #tpu.memory_space<hbm>> -> memref<128x64xf32, #tpu.memory_space<hbm>>
      %dma_wait3A_336 = arith.constant 0 : i32
      %dma_wait3A_337 = tpu.memref_slice %arg6[%add3A_309, %dma_wait3A_336] : memref<131072x64xf32, #tpu.memory_space<hbm>> -> memref<128x64xf32, #tpu.memory_space<hbm>>
      tpu.wait_dma2 semaphore(%arg28 : memref<!tpu.dma_semaphore, #tpu.memory_space<semaphore_mem>>) src(%arg16 : memref<128x64xf32, #tpu.memory_space<vmem>>) dst(%dma_wait3A_337 : memref<128x64xf32, #tpu.memory_space<hbm>>)
      %add3A_338 = arith.constant 2176 : i32
      %add3A_339 = arith.addi %mul3A_2, %add3A_338 : i32
      %dma_start3A_340 = arith.constant 0 : i32
      %dma_start3A_341 = tpu.memref_slice %arg2[%add3A_339, %dma_start3A_340] : memref<131072x64xf32, #tpu.memory_space<hbm>> -> memref<128x64xf32, #tpu.memory_space<hbm>>
      %dma_start3A_342 = arith.constant 0 : i32
      %dma_start3A_343 = tpu.memref_slice %arg2[%add3A_339, %dma_start3A_342] : memref<131072x64xf32, #tpu.memory_space<hbm>> -> memref<128x64xf32, #tpu.memory_space<hbm>>
      tpu.enqueue_dma source(%dma_start3A_343 : memref<128x64xf32, #tpu.memory_space<hbm>>) target(%arg16 : memref<128x64xf32, #tpu.memory_space<vmem>>) target_semaphore(%arg22 : memref<!tpu.dma_semaphore, #tpu.memory_space<semaphore_mem>>)
      %dma_wait3A_344 = arith.constant 0 : i32
      %dma_wait3A_345 = tpu.memref_slice %arg2[%add3A_259, %dma_wait3A_344] : memref<131072x64xf32, #tpu.memory_space<hbm>> -> memref<128x64xf32, #tpu.memory_space<hbm>>
      %dma_wait3A_346 = arith.constant 0 : i32
      %dma_wait3A_347 = tpu.memref_slice %arg2[%add3A_259, %dma_wait3A_346] : memref<131072x64xf32, #tpu.memory_space<hbm>> -> memref<128x64xf32, #tpu.memory_space<hbm>>
      tpu.wait_dma2 semaphore(%arg18 : memref<!tpu.dma_semaphore, #tpu.memory_space<semaphore_mem>>) src(%dma_wait3A_347 : memref<128x64xf32, #tpu.memory_space<hbm>>) dst(%arg12 : memref<128x64xf32, #tpu.memory_space<vmem>>)
      %add3A_348 = arith.constant 1664 : i32
      %add3A_349 = arith.addi %mul3A_2, %add3A_348 : i32
      %dma_start3A_350 = arith.constant 0 : i32
      %dma_start3A_351 = tpu.memref_slice %arg6[%add3A_349, %dma_start3A_350] : memref<131072x64xf32, #tpu.memory_space<hbm>> -> memref<128x64xf32, #tpu.memory_space<hbm>>
      %dma_start3A_352 = arith.constant 0 : i32
      %dma_start3A_353 = tpu.memref_slice %arg6[%add3A_349, %dma_start3A_352] : memref<131072x64xf32, #tpu.memory_space<hbm>> -> memref<128x64xf32, #tpu.memory_space<hbm>>
      tpu.enqueue_dma source(%arg12 : memref<128x64xf32, #tpu.memory_space<vmem>>) target(%dma_start3A_353 : memref<128x64xf32, #tpu.memory_space<hbm>>) target_semaphore(%arg24 : memref<!tpu.dma_semaphore, #tpu.memory_space<semaphore_mem>>)
      %dma_wait3A_354 = arith.constant 0 : i32
      %dma_wait3A_355 = tpu.memref_slice %arg6[%add3A_329, %dma_wait3A_354] : memref<131072x64xf32, #tpu.memory_space<hbm>> -> memref<128x64xf32, #tpu.memory_space<hbm>>
      %dma_wait3A_356 = arith.constant 0 : i32
      %dma_wait3A_357 = tpu.memref_slice %arg6[%add3A_329, %dma_wait3A_356] : memref<131072x64xf32, #tpu.memory_space<hbm>> -> memref<128x64xf32, #tpu.memory_space<hbm>>
      tpu.wait_dma2 semaphore(%arg23 : memref<!tpu.dma_semaphore, #tpu.memory_space<semaphore_mem>>) src(%arg11 : memref<128x64xf32, #tpu.memory_space<vmem>>) dst(%dma_wait3A_357 : memref<128x64xf32, #tpu.memory_space<hbm>>)
      %add3A_358 = arith.constant 2304 : i32
      %add3A_359 = arith.addi %mul3A_2, %add3A_358 : i32
      %dma_start3A_360 = arith.constant 0 : i32
      %dma_start3A_361 = tpu.memref_slice %arg2[%add3A_359, %dma_start3A_360] : memref<131072x64xf32, #tpu.memory_space<hbm>> -> memref<128x64xf32, #tpu.memory_space<hbm>>
      %dma_start3A_362 = arith.constant 0 : i32
      %dma_start3A_363 = tpu.memref_slice %arg2[%add3A_359, %dma_start3A_362] : memref<131072x64xf32, #tpu.memory_space<hbm>> -> memref<128x64xf32, #tpu.memory_space<hbm>>
      tpu.enqueue_dma source(%dma_start3A_363 : memref<128x64xf32, #tpu.memory_space<hbm>>) target(%arg11 : memref<128x64xf32, #tpu.memory_space<vmem>>) target_semaphore(%arg17 : memref<!tpu.dma_semaphore, #tpu.memory_space<semaphore_mem>>)
      %dma_wait3A_364 = arith.constant 0 : i32
      %dma_wait3A_365 = tpu.memref_slice %arg2[%add3A_279, %dma_wait3A_364] : memref<131072x64xf32, #tpu.memory_space<hbm>> -> memref<128x64xf32, #tpu.memory_space<hbm>>
      %dma_wait3A_366 = arith.constant 0 : i32
      %dma_wait3A_367 = tpu.memref_slice %arg2[%add3A_279, %dma_wait3A_366] : memref<131072x64xf32, #tpu.memory_space<hbm>> -> memref<128x64xf32, #tpu.memory_space<hbm>>
      tpu.wait_dma2 semaphore(%arg19 : memref<!tpu.dma_semaphore, #tpu.memory_space<semaphore_mem>>) src(%dma_wait3A_367 : memref<128x64xf32, #tpu.memory_space<hbm>>) dst(%arg13 : memref<128x64xf32, #tpu.memory_space<vmem>>)
      %add3A_368 = arith.constant 1792 : i32
      %add3A_369 = arith.addi %mul3A_2, %add3A_368 : i32
      %dma_start3A_370 = arith.constant 0 : i32
      %dma_start3A_371 = tpu.memref_slice %arg6[%add3A_369, %dma_start3A_370] : memref<131072x64xf32, #tpu.memory_space<hbm>> -> memref<128x64xf32, #tpu.memory_space<hbm>>
      %dma_start3A_372 = arith.constant 0 : i32
      %dma_start3A_373 = tpu.memref_slice %arg6[%add3A_369, %dma_start3A_372] : memref<131072x64xf32, #tpu.memory_space<hbm>> -> memref<128x64xf32, #tpu.memory_space<hbm>>
      tpu.enqueue_dma source(%arg13 : memref<128x64xf32, #tpu.memory_space<vmem>>) target(%dma_start3A_373 : memref<128x64xf32, #tpu.memory_space<hbm>>) target_semaphore(%arg25 : memref<!tpu.dma_semaphore, #tpu.memory_space<semaphore_mem>>)
      %dma_wait3A_374 = arith.constant 0 : i32
      %dma_wait3A_375 = tpu.memref_slice %arg6[%add3A_349, %dma_wait3A_374] : memref<131072x64xf32, #tpu.memory_space<hbm>> -> memref<128x64xf32, #tpu.memory_space<hbm>>
      %dma_wait3A_376 = arith.constant 0 : i32
      %dma_wait3A_377 = tpu.memref_slice %arg6[%add3A_349, %dma_wait3A_376] : memref<131072x64xf32, #tpu.memory_space<hbm>> -> memref<128x64xf32, #tpu.memory_space<hbm>>
      tpu.wait_dma2 semaphore(%arg24 : memref<!tpu.dma_semaphore, #tpu.memory_space<semaphore_mem>>) src(%arg12 : memref<128x64xf32, #tpu.memory_space<vmem>>) dst(%dma_wait3A_377 : memref<128x64xf32, #tpu.memory_space<hbm>>)
      %add3A_378 = arith.constant 2432 : i32
      %add3A_379 = arith.addi %mul3A_2, %add3A_378 : i32
      %dma_start3A_380 = arith.constant 0 : i32
      %dma_start3A_381 = tpu.memref_slice %arg2[%add3A_379, %dma_start3A_380] : memref<131072x64xf32, #tpu.memory_space<hbm>> -> memref<128x64xf32, #tpu.memory_space<hbm>>
      %dma_start3A_382 = arith.constant 0 : i32
      %dma_start3A_383 = tpu.memref_slice %arg2[%add3A_379, %dma_start3A_382] : memref<131072x64xf32, #tpu.memory_space<hbm>> -> memref<128x64xf32, #tpu.memory_space<hbm>>
      tpu.enqueue_dma source(%dma_start3A_383 : memref<128x64xf32, #tpu.memory_space<hbm>>) target(%arg12 : memref<128x64xf32, #tpu.memory_space<vmem>>) target_semaphore(%arg18 : memref<!tpu.dma_semaphore, #tpu.memory_space<semaphore_mem>>)
      %dma_wait3A_384 = arith.constant 0 : i32
      %dma_wait3A_385 = tpu.memref_slice %arg2[%add3A_299, %dma_wait3A_384] : memref<131072x64xf32, #tpu.memory_space<hbm>> -> memref<128x64xf32, #tpu.memory_space<hbm>>
      %dma_wait3A_386 = arith.constant 0 : i32
      %dma_wait3A_387 = tpu.memref_slice %arg2[%add3A_299, %dma_wait3A_386] : memref<131072x64xf32, #tpu.memory_space<hbm>> -> memref<128x64xf32, #tpu.memory_space<hbm>>
      tpu.wait_dma2 semaphore(%arg20 : memref<!tpu.dma_semaphore, #tpu.memory_space<semaphore_mem>>) src(%dma_wait3A_387 : memref<128x64xf32, #tpu.memory_space<hbm>>) dst(%arg14 : memref<128x64xf32, #tpu.memory_space<vmem>>)
      %add3A_388 = arith.constant 1920 : i32
      %add3A_389 = arith.addi %mul3A_2, %add3A_388 : i32
      %dma_start3A_390 = arith.constant 0 : i32
      %dma_start3A_391 = tpu.memref_slice %arg6[%add3A_389, %dma_start3A_390] : memref<131072x64xf32, #tpu.memory_space<hbm>> -> memref<128x64xf32, #tpu.memory_space<hbm>>
      %dma_start3A_392 = arith.constant 0 : i32
      %dma_start3A_393 = tpu.memref_slice %arg6[%add3A_389, %dma_start3A_392] : memref<131072x64xf32, #tpu.memory_space<hbm>> -> memref<128x64xf32, #tpu.memory_space<hbm>>
      tpu.enqueue_dma source(%arg14 : memref<128x64xf32, #tpu.memory_space<vmem>>) target(%dma_start3A_393 : memref<128x64xf32, #tpu.memory_space<hbm>>) target_semaphore(%arg26 : memref<!tpu.dma_semaphore, #tpu.memory_space<semaphore_mem>>)
      %dma_wait3A_394 = arith.constant 0 : i32
      %dma_wait3A_395 = tpu.memref_slice %arg6[%add3A_369, %dma_wait3A_394] : memref<131072x64xf32, #tpu.memory_space<hbm>> -> memref<128x64xf32, #tpu.memory_space<hbm>>
      %dma_wait3A_396 = arith.constant 0 : i32
      %dma_wait3A_397 = tpu.memref_slice %arg6[%add3A_369, %dma_wait3A_396] : memref<131072x64xf32, #tpu.memory_space<hbm>> -> memref<128x64xf32, #tpu.memory_space<hbm>>
      tpu.wait_dma2 semaphore(%arg25 : memref<!tpu.dma_semaphore, #tpu.memory_space<semaphore_mem>>) src(%arg13 : memref<128x64xf32, #tpu.memory_space<vmem>>) dst(%dma_wait3A_397 : memref<128x64xf32, #tpu.memory_space<hbm>>)
      %add3A_398 = arith.constant 2560 : i32
      %add3A_399 = arith.addi %mul3A_2, %add3A_398 : i32
      %dma_start3A_400 = arith.constant 0 : i32
      %dma_start3A_401 = tpu.memref_slice %arg2[%add3A_399, %dma_start3A_400] : memref<131072x64xf32, #tpu.memory_space<hbm>> -> memref<128x64xf32, #tpu.memory_space<hbm>>
      %dma_start3A_402 = arith.constant 0 : i32
      %dma_start3A_403 = tpu.memref_slice %arg2[%add3A_399, %dma_start3A_402] : memref<131072x64xf32, #tpu.memory_space<hbm>> -> memref<128x64xf32, #tpu.memory_space<hbm>>
      tpu.enqueue_dma source(%dma_start3A_403 : memref<128x64xf32, #tpu.memory_space<hbm>>) target(%arg13 : memref<128x64xf32, #tpu.memory_space<vmem>>) target_semaphore(%arg19 : memref<!tpu.dma_semaphore, #tpu.memory_space<semaphore_mem>>)
      %dma_wait3A_404 = arith.constant 0 : i32
      %dma_wait3A_405 = tpu.memref_slice %arg2[%add3A_319, %dma_wait3A_404] : memref<131072x64xf32, #tpu.memory_space<hbm>> -> memref<128x64xf32, #tpu.memory_space<hbm>>
      %dma_wait3A_406 = arith.constant 0 : i32
      %dma_wait3A_407 = tpu.memref_slice %arg2[%add3A_319, %dma_wait3A_406] : memref<131072x64xf32, #tpu.memory_space<hbm>> -> memref<128x64xf32, #tpu.memory_space<hbm>>
      tpu.wait_dma2 semaphore(%arg21 : memref<!tpu.dma_semaphore, #tpu.memory_space<semaphore_mem>>) src(%dma_wait3A_407 : memref<128x64xf32, #tpu.memory_space<hbm>>) dst(%arg15 : memref<128x64xf32, #tpu.memory_space<vmem>>)
      %add3A_408 = arith.constant 2048 : i32
      %add3A_409 = arith.addi %mul3A_2, %add3A_408 : i32
      %dma_start3A_410 = arith.constant 0 : i32
      %dma_start3A_411 = tpu.memref_slice %arg6[%add3A_409, %dma_start3A_410] : memref<131072x64xf32, #tpu.memory_space<hbm>> -> memref<128x64xf32, #tpu.memory_space<hbm>>
      %dma_start3A_412 = arith.constant 0 : i32
      %dma_start3A_413 = tpu.memref_slice %arg6[%add3A_409, %dma_start3A_412] : memref<131072x64xf32, #tpu.memory_space<hbm>> -> memref<128x64xf32, #tpu.memory_space<hbm>>
      tpu.enqueue_dma source(%arg15 : memref<128x64xf32, #tpu.memory_space<vmem>>) target(%dma_start3A_413 : memref<128x64xf32, #tpu.memory_space<hbm>>) target_semaphore(%arg27 : memref<!tpu.dma_semaphore, #tpu.memory_space<semaphore_mem>>)
      %dma_wait3A_414 = arith.constant 0 : i32
      %dma_wait3A_415 = tpu.memref_slice %arg6[%add3A_389, %dma_wait3A_414] : memref<131072x64xf32, #tpu.memory_space<hbm>> -> memref<128x64xf32, #tpu.memory_space<hbm>>
      %dma_wait3A_416 = arith.constant 0 : i32
      %dma_wait3A_417 = tpu.memref_slice %arg6[%add3A_389, %dma_wait3A_416] : memref<131072x64xf32, #tpu.memory_space<hbm>> -> memref<128x64xf32, #tpu.memory_space<hbm>>
      tpu.wait_dma2 semaphore(%arg26 : memref<!tpu.dma_semaphore, #tpu.memory_space<semaphore_mem>>) src(%arg14 : memref<128x64xf32, #tpu.memory_space<vmem>>) dst(%dma_wait3A_417 : memref<128x64xf32, #tpu.memory_space<hbm>>)
      %add3A_418 = arith.constant 2688 : i32
      %add3A_419 = arith.addi %mul3A_2, %add3A_418 : i32
      %dma_start3A_420 = arith.constant 0 : i32
      %dma_start3A_421 = tpu.memref_slice %arg2[%add3A_419, %dma_start3A_420] : memref<131072x64xf32, #tpu.memory_space<hbm>> -> memref<128x64xf32, #tpu.memory_space<hbm>>
      %dma_start3A_422 = arith.constant 0 : i32
      %dma_start3A_423 = tpu.memref_slice %arg2[%add3A_419, %dma_start3A_422] : memref<131072x64xf32, #tpu.memory_space<hbm>> -> memref<128x64xf32, #tpu.memory_space<hbm>>
      tpu.enqueue_dma source(%dma_start3A_423 : memref<128x64xf32, #tpu.memory_space<hbm>>) target(%arg14 : memref<128x64xf32, #tpu.memory_space<vmem>>) target_semaphore(%arg20 : memref<!tpu.dma_semaphore, #tpu.memory_space<semaphore_mem>>)
      %dma_wait3A_424 = arith.constant 0 : i32
      %dma_wait3A_425 = tpu.memref_slice %arg2[%add3A_339, %dma_wait3A_424] : memref<131072x64xf32, #tpu.memory_space<hbm>> -> memref<128x64xf32, #tpu.memory_space<hbm>>
      %dma_wait3A_426 = arith.constant 0 : i32
      %dma_wait3A_427 = tpu.memref_slice %arg2[%add3A_339, %dma_wait3A_426] : memref<131072x64xf32, #tpu.memory_space<hbm>> -> memref<128x64xf32, #tpu.memory_space<hbm>>
      tpu.wait_dma2 semaphore(%arg22 : memref<!tpu.dma_semaphore, #tpu.memory_space<semaphore_mem>>) src(%dma_wait3A_427 : memref<128x64xf32, #tpu.memory_space<hbm>>) dst(%arg16 : memref<128x64xf32, #tpu.memory_space<vmem>>)
      %add3A_428 = arith.constant 2176 : i32
      %add3A_429 = arith.addi %mul3A_2, %add3A_428 : i32
      %dma_start3A_430 = arith.constant 0 : i32
      %dma_start3A_431 = tpu.memref_slice %arg6[%add3A_429, %dma_start3A_430] : memref<131072x64xf32, #tpu.memory_space<hbm>> -> memref<128x64xf32, #tpu.memory_space<hbm>>
      %dma_start3A_432 = arith.constant 0 : i32
      %dma_start3A_433 = tpu.memref_slice %arg6[%add3A_429, %dma_start3A_432] : memref<131072x64xf32, #tpu.memory_space<hbm>> -> memref<128x64xf32, #tpu.memory_space<hbm>>
      tpu.enqueue_dma source(%arg16 : memref<128x64xf32, #tpu.memory_space<vmem>>) target(%dma_start3A_433 : memref<128x64xf32, #tpu.memory_space<hbm>>) target_semaphore(%arg28 : memref<!tpu.dma_semaphore, #tpu.memory_space<semaphore_mem>>)
      %dma_wait3A_434 = arith.constant 0 : i32
      %dma_wait3A_435 = tpu.memref_slice %arg6[%add3A_409, %dma_wait3A_434] : memref<131072x64xf32, #tpu.memory_space<hbm>> -> memref<128x64xf32, #tpu.memory_space<hbm>>
      %dma_wait3A_436 = arith.constant 0 : i32
      %dma_wait3A_437 = tpu.memref_slice %arg6[%add3A_409, %dma_wait3A_436] : memref<131072x64xf32, #tpu.memory_space<hbm>> -> memref<128x64xf32, #tpu.memory_space<hbm>>
      tpu.wait_dma2 semaphore(%arg27 : memref<!tpu.dma_semaphore, #tpu.memory_space<semaphore_mem>>) src(%arg15 : memref<128x64xf32, #tpu.memory_space<vmem>>) dst(%dma_wait3A_437 : memref<128x64xf32, #tpu.memory_space<hbm>>)
      %add3A_438 = arith.constant 2816 : i32
      %add3A_439 = arith.addi %mul3A_2, %add3A_438 : i32
      %dma_start3A_440 = arith.constant 0 : i32
      %dma_start3A_441 = tpu.memref_slice %arg2[%add3A_439, %dma_start3A_440] : memref<131072x64xf32, #tpu.memory_space<hbm>> -> memref<128x64xf32, #tpu.memory_space<hbm>>
      %dma_start3A_442 = arith.constant 0 : i32
      %dma_start3A_443 = tpu.memref_slice %arg2[%add3A_439, %dma_start3A_442] : memref<131072x64xf32, #tpu.memory_space<hbm>> -> memref<128x64xf32, #tpu.memory_space<hbm>>
      tpu.enqueue_dma source(%dma_start3A_443 : memref<128x64xf32, #tpu.memory_space<hbm>>) target(%arg15 : memref<128x64xf32, #tpu.memory_space<vmem>>) target_semaphore(%arg21 : memref<!tpu.dma_semaphore, #tpu.memory_space<semaphore_mem>>)
      %dma_wait3A_444 = arith.constant 0 : i32
      %dma_wait3A_445 = tpu.memref_slice %arg2[%add3A_359, %dma_wait3A_444] : memref<131072x64xf32, #tpu.memory_space<hbm>> -> memref<128x64xf32, #tpu.memory_space<hbm>>
      %dma_wait3A_446 = arith.constant 0 : i32
      %dma_wait3A_447 = tpu.memref_slice %arg2[%add3A_359, %dma_wait3A_446] : memref<131072x64xf32, #tpu.memory_space<hbm>> -> memref<128x64xf32, #tpu.memory_space<hbm>>
      tpu.wait_dma2 semaphore(%arg17 : memref<!tpu.dma_semaphore, #tpu.memory_space<semaphore_mem>>) src(%dma_wait3A_447 : memref<128x64xf32, #tpu.memory_space<hbm>>) dst(%arg11 : memref<128x64xf32, #tpu.memory_space<vmem>>)
      %add3A_448 = arith.constant 2304 : i32
      %add3A_449 = arith.addi %mul3A_2, %add3A_448 : i32
      %dma_start3A_450 = arith.constant 0 : i32
      %dma_start3A_451 = tpu.memref_slice %arg6[%add3A_449, %dma_start3A_450] : memref<131072x64xf32, #tpu.memory_space<hbm>> -> memref<128x64xf32, #tpu.memory_space<hbm>>
      %dma_start3A_452 = arith.constant 0 : i32
      %dma_start3A_453 = tpu.memref_slice %arg6[%add3A_449, %dma_start3A_452] : memref<131072x64xf32, #tpu.memory_space<hbm>> -> memref<128x64xf32, #tpu.memory_space<hbm>>
      tpu.enqueue_dma source(%arg11 : memref<128x64xf32, #tpu.memory_space<vmem>>) target(%dma_start3A_453 : memref<128x64xf32, #tpu.memory_space<hbm>>) target_semaphore(%arg23 : memref<!tpu.dma_semaphore, #tpu.memory_space<semaphore_mem>>)
      %dma_wait3A_454 = arith.constant 0 : i32
      %dma_wait3A_455 = tpu.memref_slice %arg6[%add3A_429, %dma_wait3A_454] : memref<131072x64xf32, #tpu.memory_space<hbm>> -> memref<128x64xf32, #tpu.memory_space<hbm>>
      %dma_wait3A_456 = arith.constant 0 : i32
      %dma_wait3A_457 = tpu.memref_slice %arg6[%add3A_429, %dma_wait3A_456] : memref<131072x64xf32, #tpu.memory_space<hbm>> -> memref<128x64xf32, #tpu.memory_space<hbm>>
      tpu.wait_dma2 semaphore(%arg28 : memref<!tpu.dma_semaphore, #tpu.memory_space<semaphore_mem>>) src(%arg16 : memref<128x64xf32, #tpu.memory_space<vmem>>) dst(%dma_wait3A_457 : memref<128x64xf32, #tpu.memory_space<hbm>>)
      %add3A_458 = arith.constant 2944 : i32
      %add3A_459 = arith.addi %mul3A_2, %add3A_458 : i32
      %dma_start3A_460 = arith.constant 0 : i32
      %dma_start3A_461 = tpu.memref_slice %arg2[%add3A_459, %dma_start3A_460] : memref<131072x64xf32, #tpu.memory_space<hbm>> -> memref<128x64xf32, #tpu.memory_space<hbm>>
      %dma_start3A_462 = arith.constant 0 : i32
      %dma_start3A_463 = tpu.memref_slice %arg2[%add3A_459, %dma_start3A_462] : memref<131072x64xf32, #tpu.memory_space<hbm>> -> memref<128x64xf32, #tpu.memory_space<hbm>>
      tpu.enqueue_dma source(%dma_start3A_463 : memref<128x64xf32, #tpu.memory_space<hbm>>) target(%arg16 : memref<128x64xf32, #tpu.memory_space<vmem>>) target_semaphore(%arg22 : memref<!tpu.dma_semaphore, #tpu.memory_space<semaphore_mem>>)
      %dma_wait3A_464 = arith.constant 0 : i32
      %dma_wait3A_465 = tpu.memref_slice %arg2[%add3A_379, %dma_wait3A_464] : memref<131072x64xf32, #tpu.memory_space<hbm>> -> memref<128x64xf32, #tpu.memory_space<hbm>>
      %dma_wait3A_466 = arith.constant 0 : i32
      %dma_wait3A_467 = tpu.memref_slice %arg2[%add3A_379, %dma_wait3A_466] : memref<131072x64xf32, #tpu.memory_space<hbm>> -> memref<128x64xf32, #tpu.memory_space<hbm>>
      tpu.wait_dma2 semaphore(%arg18 : memref<!tpu.dma_semaphore, #tpu.memory_space<semaphore_mem>>) src(%dma_wait3A_467 : memref<128x64xf32, #tpu.memory_space<hbm>>) dst(%arg12 : memref<128x64xf32, #tpu.memory_space<vmem>>)
      %add3A_468 = arith.constant 2432 : i32
      %add3A_469 = arith.addi %mul3A_2, %add3A_468 : i32
      %dma_start3A_470 = arith.constant 0 : i32
      %dma_start3A_471 = tpu.memref_slice %arg6[%add3A_469, %dma_start3A_470] : memref<131072x64xf32, #tpu.memory_space<hbm>> -> memref<128x64xf32, #tpu.memory_space<hbm>>
      %dma_start3A_472 = arith.constant 0 : i32
      %dma_start3A_473 = tpu.memref_slice %arg6[%add3A_469, %dma_start3A_472] : memref<131072x64xf32, #tpu.memory_space<hbm>> -> memref<128x64xf32, #tpu.memory_space<hbm>>
      tpu.enqueue_dma source(%arg12 : memref<128x64xf32, #tpu.memory_space<vmem>>) target(%dma_start3A_473 : memref<128x64xf32, #tpu.memory_space<hbm>>) target_semaphore(%arg24 : memref<!tpu.dma_semaphore, #tpu.memory_space<semaphore_mem>>)
      %dma_wait3A_474 = arith.constant 0 : i32
      %dma_wait3A_475 = tpu.memref_slice %arg6[%add3A_449, %dma_wait3A_474] : memref<131072x64xf32, #tpu.memory_space<hbm>> -> memref<128x64xf32, #tpu.memory_space<hbm>>
      %dma_wait3A_476 = arith.constant 0 : i32
      %dma_wait3A_477 = tpu.memref_slice %arg6[%add3A_449, %dma_wait3A_476] : memref<131072x64xf32, #tpu.memory_space<hbm>> -> memref<128x64xf32, #tpu.memory_space<hbm>>
      tpu.wait_dma2 semaphore(%arg23 : memref<!tpu.dma_semaphore, #tpu.memory_space<semaphore_mem>>) src(%arg11 : memref<128x64xf32, #tpu.memory_space<vmem>>) dst(%dma_wait3A_477 : memref<128x64xf32, #tpu.memory_space<hbm>>)
      %add3A_478 = arith.constant 3072 : i32
      %add3A_479 = arith.addi %mul3A_2, %add3A_478 : i32
      %dma_start3A_480 = arith.constant 0 : i32
      %dma_start3A_481 = tpu.memref_slice %arg2[%add3A_479, %dma_start3A_480] : memref<131072x64xf32, #tpu.memory_space<hbm>> -> memref<128x64xf32, #tpu.memory_space<hbm>>
      %dma_start3A_482 = arith.constant 0 : i32
      %dma_start3A_483 = tpu.memref_slice %arg2[%add3A_479, %dma_start3A_482] : memref<131072x64xf32, #tpu.memory_space<hbm>> -> memref<128x64xf32, #tpu.memory_space<hbm>>
      tpu.enqueue_dma source(%dma_start3A_483 : memref<128x64xf32, #tpu.memory_space<hbm>>) target(%arg11 : memref<128x64xf32, #tpu.memory_space<vmem>>) target_semaphore(%arg17 : memref<!tpu.dma_semaphore, #tpu.memory_space<semaphore_mem>>)
      %dma_wait3A_484 = arith.constant 0 : i32
      %dma_wait3A_485 = tpu.memref_slice %arg2[%add3A_399, %dma_wait3A_484] : memref<131072x64xf32, #tpu.memory_space<hbm>> -> memref<128x64xf32, #tpu.memory_space<hbm>>
      %dma_wait3A_486 = arith.constant 0 : i32
      %dma_wait3A_487 = tpu.memref_slice %arg2[%add3A_399, %dma_wait3A_486] : memref<131072x64xf32, #tpu.memory_space<hbm>> -> memref<128x64xf32, #tpu.memory_space<hbm>>
      tpu.wait_dma2 semaphore(%arg19 : memref<!tpu.dma_semaphore, #tpu.memory_space<semaphore_mem>>) src(%dma_wait3A_487 : memref<128x64xf32, #tpu.memory_space<hbm>>) dst(%arg13 : memref<128x64xf32, #tpu.memory_space<vmem>>)
      %add3A_488 = arith.constant 2560 : i32
      %add3A_489 = arith.addi %mul3A_2, %add3A_488 : i32
      %dma_start3A_490 = arith.constant 0 : i32
      %dma_start3A_491 = tpu.memref_slice %arg6[%add3A_489, %dma_start3A_490] : memref<131072x64xf32, #tpu.memory_space<hbm>> -> memref<128x64xf32, #tpu.memory_space<hbm>>
      %dma_start3A_492 = arith.constant 0 : i32
      %dma_start3A_493 = tpu.memref_slice %arg6[%add3A_489, %dma_start3A_492] : memref<131072x64xf32, #tpu.memory_space<hbm>> -> memref<128x64xf32, #tpu.memory_space<hbm>>
      tpu.enqueue_dma source(%arg13 : memref<128x64xf32, #tpu.memory_space<vmem>>) target(%dma_start3A_493 : memref<128x64xf32, #tpu.memory_space<hbm>>) target_semaphore(%arg25 : memref<!tpu.dma_semaphore, #tpu.memory_space<semaphore_mem>>)
      %dma_wait3A_494 = arith.constant 0 : i32
      %dma_wait3A_495 = tpu.memref_slice %arg6[%add3A_469, %dma_wait3A_494] : memref<131072x64xf32, #tpu.memory_space<hbm>> -> memref<128x64xf32, #tpu.memory_space<hbm>>
      %dma_wait3A_496 = arith.constant 0 : i32
      %dma_wait3A_497 = tpu.memref_slice %arg6[%add3A_469, %dma_wait3A_496] : memref<131072x64xf32, #tpu.memory_space<hbm>> -> memref<128x64xf32, #tpu.memory_space<hbm>>
      tpu.wait_dma2 semaphore(%arg24 : memref<!tpu.dma_semaphore, #tpu.memory_space<semaphore_mem>>) src(%arg12 : memref<128x64xf32, #tpu.memory_space<vmem>>) dst(%dma_wait3A_497 : memref<128x64xf32, #tpu.memory_space<hbm>>)
      %add3A_498 = arith.constant 3200 : i32
      %add3A_499 = arith.addi %mul3A_2, %add3A_498 : i32
      %dma_start3A_500 = arith.constant 0 : i32
      %dma_start3A_501 = tpu.memref_slice %arg2[%add3A_499, %dma_start3A_500] : memref<131072x64xf32, #tpu.memory_space<hbm>> -> memref<128x64xf32, #tpu.memory_space<hbm>>
      %dma_start3A_502 = arith.constant 0 : i32
      %dma_start3A_503 = tpu.memref_slice %arg2[%add3A_499, %dma_start3A_502] : memref<131072x64xf32, #tpu.memory_space<hbm>> -> memref<128x64xf32, #tpu.memory_space<hbm>>
      tpu.enqueue_dma source(%dma_start3A_503 : memref<128x64xf32, #tpu.memory_space<hbm>>) target(%arg12 : memref<128x64xf32, #tpu.memory_space<vmem>>) target_semaphore(%arg18 : memref<!tpu.dma_semaphore, #tpu.memory_space<semaphore_mem>>)
      %dma_wait3A_504 = arith.constant 0 : i32
      %dma_wait3A_505 = tpu.memref_slice %arg2[%add3A_419, %dma_wait3A_504] : memref<131072x64xf32, #tpu.memory_space<hbm>> -> memref<128x64xf32, #tpu.memory_space<hbm>>
      %dma_wait3A_506 = arith.constant 0 : i32
      %dma_wait3A_507 = tpu.memref_slice %arg2[%add3A_419, %dma_wait3A_506] : memref<131072x64xf32, #tpu.memory_space<hbm>> -> memref<128x64xf32, #tpu.memory_space<hbm>>
      tpu.wait_dma2 semaphore(%arg20 : memref<!tpu.dma_semaphore, #tpu.memory_space<semaphore_mem>>) src(%dma_wait3A_507 : memref<128x64xf32, #tpu.memory_space<hbm>>) dst(%arg14 : memref<128x64xf32, #tpu.memory_space<vmem>>)
      %add3A_508 = arith.constant 2688 : i32
      %add3A_509 = arith.addi %mul3A_2, %add3A_508 : i32
      %dma_start3A_510 = arith.constant 0 : i32
      %dma_start3A_511 = tpu.memref_slice %arg6[%add3A_509, %dma_start3A_510] : memref<131072x64xf32, #tpu.memory_space<hbm>> -> memref<128x64xf32, #tpu.memory_space<hbm>>
      %dma_start3A_512 = arith.constant 0 : i32
      %dma_start3A_513 = tpu.memref_slice %arg6[%add3A_509, %dma_start3A_512] : memref<131072x64xf32, #tpu.memory_space<hbm>> -> memref<128x64xf32, #tpu.memory_space<hbm>>
      tpu.enqueue_dma source(%arg14 : memref<128x64xf32, #tpu.memory_space<vmem>>) target(%dma_start3A_513 : memref<128x64xf32, #tpu.memory_space<hbm>>) target_semaphore(%arg26 : memref<!tpu.dma_semaphore, #tpu.memory_space<semaphore_mem>>)
      %dma_wait3A_514 = arith.constant 0 : i32
      %dma_wait3A_515 = tpu.memref_slice %arg6[%add3A_489, %dma_wait3A_514] : memref<131072x64xf32, #tpu.memory_space<hbm>> -> memref<128x64xf32, #tpu.memory_space<hbm>>
      %dma_wait3A_516 = arith.constant 0 : i32
      %dma_wait3A_517 = tpu.memref_slice %arg6[%add3A_489, %dma_wait3A_516] : memref<131072x64xf32, #tpu.memory_space<hbm>> -> memref<128x64xf32, #tpu.memory_space<hbm>>
      tpu.wait_dma2 semaphore(%arg25 : memref<!tpu.dma_semaphore, #tpu.memory_space<semaphore_mem>>) src(%arg13 : memref<128x64xf32, #tpu.memory_space<vmem>>) dst(%dma_wait3A_517 : memref<128x64xf32, #tpu.memory_space<hbm>>)
      %add3A_518 = arith.constant 3328 : i32
      %add3A_519 = arith.addi %mul3A_2, %add3A_518 : i32
      %dma_start3A_520 = arith.constant 0 : i32
      %dma_start3A_521 = tpu.memref_slice %arg2[%add3A_519, %dma_start3A_520] : memref<131072x64xf32, #tpu.memory_space<hbm>> -> memref<128x64xf32, #tpu.memory_space<hbm>>
      %dma_start3A_522 = arith.constant 0 : i32
      %dma_start3A_523 = tpu.memref_slice %arg2[%add3A_519, %dma_start3A_522] : memref<131072x64xf32, #tpu.memory_space<hbm>> -> memref<128x64xf32, #tpu.memory_space<hbm>>
      tpu.enqueue_dma source(%dma_start3A_523 : memref<128x64xf32, #tpu.memory_space<hbm>>) target(%arg13 : memref<128x64xf32, #tpu.memory_space<vmem>>) target_semaphore(%arg19 : memref<!tpu.dma_semaphore, #tpu.memory_space<semaphore_mem>>)
      %dma_wait3A_524 = arith.constant 0 : i32
      %dma_wait3A_525 = tpu.memref_slice %arg2[%add3A_439, %dma_wait3A_524] : memref<131072x64xf32, #tpu.memory_space<hbm>> -> memref<128x64xf32, #tpu.memory_space<hbm>>
      %dma_wait3A_526 = arith.constant 0 : i32
      %dma_wait3A_527 = tpu.memref_slice %arg2[%add3A_439, %dma_wait3A_526] : memref<131072x64xf32, #tpu.memory_space<hbm>> -> memref<128x64xf32, #tpu.memory_space<hbm>>
      tpu.wait_dma2 semaphore(%arg21 : memref<!tpu.dma_semaphore, #tpu.memory_space<semaphore_mem>>) src(%dma_wait3A_527 : memref<128x64xf32, #tpu.memory_space<hbm>>) dst(%arg15 : memref<128x64xf32, #tpu.memory_space<vmem>>)
      %add3A_528 = arith.constant 2816 : i32
      %add3A_529 = arith.addi %mul3A_2, %add3A_528 : i32
      %dma_start3A_530 = arith.constant 0 : i32
      %dma_start3A_531 = tpu.memref_slice %arg6[%add3A_529, %dma_start3A_530] : memref<131072x64xf32, #tpu.memory_space<hbm>> -> memref<128x64xf32, #tpu.memory_space<hbm>>
      %dma_start3A_532 = arith.constant 0 : i32
      %dma_start3A_533 = tpu.memref_slice %arg6[%add3A_529, %dma_start3A_532] : memref<131072x64xf32, #tpu.memory_space<hbm>> -> memref<128x64xf32, #tpu.memory_space<hbm>>
      tpu.enqueue_dma source(%arg15 : memref<128x64xf32, #tpu.memory_space<vmem>>) target(%dma_start3A_533 : memref<128x64xf32, #tpu.memory_space<hbm>>) target_semaphore(%arg27 : memref<!tpu.dma_semaphore, #tpu.memory_space<semaphore_mem>>)
      %dma_wait3A_534 = arith.constant 0 : i32
      %dma_wait3A_535 = tpu.memref_slice %arg6[%add3A_509, %dma_wait3A_534] : memref<131072x64xf32, #tpu.memory_space<hbm>> -> memref<128x64xf32, #tpu.memory_space<hbm>>
      %dma_wait3A_536 = arith.constant 0 : i32
      %dma_wait3A_537 = tpu.memref_slice %arg6[%add3A_509, %dma_wait3A_536] : memref<131072x64xf32, #tpu.memory_space<hbm>> -> memref<128x64xf32, #tpu.memory_space<hbm>>
      tpu.wait_dma2 semaphore(%arg26 : memref<!tpu.dma_semaphore, #tpu.memory_space<semaphore_mem>>) src(%arg14 : memref<128x64xf32, #tpu.memory_space<vmem>>) dst(%dma_wait3A_537 : memref<128x64xf32, #tpu.memory_space<hbm>>)
      %add3A_538 = arith.constant 3456 : i32
      %add3A_539 = arith.addi %mul3A_2, %add3A_538 : i32
      %dma_start3A_540 = arith.constant 0 : i32
      %dma_start3A_541 = tpu.memref_slice %arg2[%add3A_539, %dma_start3A_540] : memref<131072x64xf32, #tpu.memory_space<hbm>> -> memref<128x64xf32, #tpu.memory_space<hbm>>
      %dma_start3A_542 = arith.constant 0 : i32
      %dma_start3A_543 = tpu.memref_slice %arg2[%add3A_539, %dma_start3A_542] : memref<131072x64xf32, #tpu.memory_space<hbm>> -> memref<128x64xf32, #tpu.memory_space<hbm>>
      tpu.enqueue_dma source(%dma_start3A_543 : memref<128x64xf32, #tpu.memory_space<hbm>>) target(%arg14 : memref<128x64xf32, #tpu.memory_space<vmem>>) target_semaphore(%arg20 : memref<!tpu.dma_semaphore, #tpu.memory_space<semaphore_mem>>)
      %dma_wait3A_544 = arith.constant 0 : i32
      %dma_wait3A_545 = tpu.memref_slice %arg2[%add3A_459, %dma_wait3A_544] : memref<131072x64xf32, #tpu.memory_space<hbm>> -> memref<128x64xf32, #tpu.memory_space<hbm>>
      %dma_wait3A_546 = arith.constant 0 : i32
      %dma_wait3A_547 = tpu.memref_slice %arg2[%add3A_459, %dma_wait3A_546] : memref<131072x64xf32, #tpu.memory_space<hbm>> -> memref<128x64xf32, #tpu.memory_space<hbm>>
      tpu.wait_dma2 semaphore(%arg22 : memref<!tpu.dma_semaphore, #tpu.memory_space<semaphore_mem>>) src(%dma_wait3A_547 : memref<128x64xf32, #tpu.memory_space<hbm>>) dst(%arg16 : memref<128x64xf32, #tpu.memory_space<vmem>>)
      %add3A_548 = arith.constant 2944 : i32
      %add3A_549 = arith.addi %mul3A_2, %add3A_548 : i32
      %dma_start3A_550 = arith.constant 0 : i32
      %dma_start3A_551 = tpu.memref_slice %arg6[%add3A_549, %dma_start3A_550] : memref<131072x64xf32, #tpu.memory_space<hbm>> -> memref<128x64xf32, #tpu.memory_space<hbm>>
      %dma_start3A_552 = arith.constant 0 : i32
      %dma_start3A_553 = tpu.memref_slice %arg6[%add3A_549, %dma_start3A_552] : memref<131072x64xf32, #tpu.memory_space<hbm>> -> memref<128x64xf32, #tpu.memory_space<hbm>>
      tpu.enqueue_dma source(%arg16 : memref<128x64xf32, #tpu.memory_space<vmem>>) target(%dma_start3A_553 : memref<128x64xf32, #tpu.memory_space<hbm>>) target_semaphore(%arg28 : memref<!tpu.dma_semaphore, #tpu.memory_space<semaphore_mem>>)
      %dma_wait3A_554 = arith.constant 0 : i32
      %dma_wait3A_555 = tpu.memref_slice %arg6[%add3A_529, %dma_wait3A_554] : memref<131072x64xf32, #tpu.memory_space<hbm>> -> memref<128x64xf32, #tpu.memory_space<hbm>>
      %dma_wait3A_556 = arith.constant 0 : i32
      %dma_wait3A_557 = tpu.memref_slice %arg6[%add3A_529, %dma_wait3A_556] : memref<131072x64xf32, #tpu.memory_space<hbm>> -> memref<128x64xf32, #tpu.memory_space<hbm>>
      tpu.wait_dma2 semaphore(%arg27 : memref<!tpu.dma_semaphore, #tpu.memory_space<semaphore_mem>>) src(%arg15 : memref<128x64xf32, #tpu.memory_space<vmem>>) dst(%dma_wait3A_557 : memref<128x64xf32, #tpu.memory_space<hbm>>)
      %add3A_558 = arith.constant 3584 : i32
      %add3A_559 = arith.addi %mul3A_2, %add3A_558 : i32
      %dma_start3A_560 = arith.constant 0 : i32
      %dma_start3A_561 = tpu.memref_slice %arg2[%add3A_559, %dma_start3A_560] : memref<131072x64xf32, #tpu.memory_space<hbm>> -> memref<128x64xf32, #tpu.memory_space<hbm>>
      %dma_start3A_562 = arith.constant 0 : i32
      %dma_start3A_563 = tpu.memref_slice %arg2[%add3A_559, %dma_start3A_562] : memref<131072x64xf32, #tpu.memory_space<hbm>> -> memref<128x64xf32, #tpu.memory_space<hbm>>
      tpu.enqueue_dma source(%dma_start3A_563 : memref<128x64xf32, #tpu.memory_space<hbm>>) target(%arg15 : memref<128x64xf32, #tpu.memory_space<vmem>>) target_semaphore(%arg21 : memref<!tpu.dma_semaphore, #tpu.memory_space<semaphore_mem>>)
      %dma_wait3A_564 = arith.constant 0 : i32
      %dma_wait3A_565 = tpu.memref_slice %arg2[%add3A_479, %dma_wait3A_564] : memref<131072x64xf32, #tpu.memory_space<hbm>> -> memref<128x64xf32, #tpu.memory_space<hbm>>
      %dma_wait3A_566 = arith.constant 0 : i32
      %dma_wait3A_567 = tpu.memref_slice %arg2[%add3A_479, %dma_wait3A_566] : memref<131072x64xf32, #tpu.memory_space<hbm>> -> memref<128x64xf32, #tpu.memory_space<hbm>>
      tpu.wait_dma2 semaphore(%arg17 : memref<!tpu.dma_semaphore, #tpu.memory_space<semaphore_mem>>) src(%dma_wait3A_567 : memref<128x64xf32, #tpu.memory_space<hbm>>) dst(%arg11 : memref<128x64xf32, #tpu.memory_space<vmem>>)
      %add3A_568 = arith.constant 3072 : i32
      %add3A_569 = arith.addi %mul3A_2, %add3A_568 : i32
      %dma_start3A_570 = arith.constant 0 : i32
      %dma_start3A_571 = tpu.memref_slice %arg6[%add3A_569, %dma_start3A_570] : memref<131072x64xf32, #tpu.memory_space<hbm>> -> memref<128x64xf32, #tpu.memory_space<hbm>>
      %dma_start3A_572 = arith.constant 0 : i32
      %dma_start3A_573 = tpu.memref_slice %arg6[%add3A_569, %dma_start3A_572] : memref<131072x64xf32, #tpu.memory_space<hbm>> -> memref<128x64xf32, #tpu.memory_space<hbm>>
      tpu.enqueue_dma source(%arg11 : memref<128x64xf32, #tpu.memory_space<vmem>>) target(%dma_start3A_573 : memref<128x64xf32, #tpu.memory_space<hbm>>) target_semaphore(%arg23 : memref<!tpu.dma_semaphore, #tpu.memory_space<semaphore_mem>>)
      %dma_wait3A_574 = arith.constant 0 : i32
      %dma_wait3A_575 = tpu.memref_slice %arg6[%add3A_549, %dma_wait3A_574] : memref<131072x64xf32, #tpu.memory_space<hbm>> -> memref<128x64xf32, #tpu.memory_space<hbm>>
      %dma_wait3A_576 = arith.constant 0 : i32
      %dma_wait3A_577 = tpu.memref_slice %arg6[%add3A_549, %dma_wait3A_576] : memref<131072x64xf32, #tpu.memory_space<hbm>> -> memref<128x64xf32, #tpu.memory_space<hbm>>
      tpu.wait_dma2 semaphore(%arg28 : memref<!tpu.dma_semaphore, #tpu.memory_space<semaphore_mem>>) src(%arg16 : memref<128x64xf32, #tpu.memory_space<vmem>>) dst(%dma_wait3A_577 : memref<128x64xf32, #tpu.memory_space<hbm>>)
      %add3A_578 = arith.constant 3712 : i32
      %add3A_579 = arith.addi %mul3A_2, %add3A_578 : i32
      %dma_start3A_580 = arith.constant 0 : i32
      %dma_start3A_581 = tpu.memref_slice %arg2[%add3A_579, %dma_start3A_580] : memref<131072x64xf32, #tpu.memory_space<hbm>> -> memref<128x64xf32, #tpu.memory_space<hbm>>
      %dma_start3A_582 = arith.constant 0 : i32
      %dma_start3A_583 = tpu.memref_slice %arg2[%add3A_579, %dma_start3A_582] : memref<131072x64xf32, #tpu.memory_space<hbm>> -> memref<128x64xf32, #tpu.memory_space<hbm>>
      tpu.enqueue_dma source(%dma_start3A_583 : memref<128x64xf32, #tpu.memory_space<hbm>>) target(%arg16 : memref<128x64xf32, #tpu.memory_space<vmem>>) target_semaphore(%arg22 : memref<!tpu.dma_semaphore, #tpu.memory_space<semaphore_mem>>)
      %dma_wait3A_584 = arith.constant 0 : i32
      %dma_wait3A_585 = tpu.memref_slice %arg2[%add3A_499, %dma_wait3A_584] : memref<131072x64xf32, #tpu.memory_space<hbm>> -> memref<128x64xf32, #tpu.memory_space<hbm>>
      %dma_wait3A_586 = arith.constant 0 : i32
      %dma_wait3A_587 = tpu.memref_slice %arg2[%add3A_499, %dma_wait3A_586] : memref<131072x64xf32, #tpu.memory_space<hbm>> -> memref<128x64xf32, #tpu.memory_space<hbm>>
      tpu.wait_dma2 semaphore(%arg18 : memref<!tpu.dma_semaphore, #tpu.memory_space<semaphore_mem>>) src(%dma_wait3A_587 : memref<128x64xf32, #tpu.memory_space<hbm>>) dst(%arg12 : memref<128x64xf32, #tpu.memory_space<vmem>>)
      %add3A_588 = arith.constant 3200 : i32
      %add3A_589 = arith.addi %mul3A_2, %add3A_588 : i32
      %dma_start3A_590 = arith.constant 0 : i32
      %dma_start3A_591 = tpu.memref_slice %arg6[%add3A_589, %dma_start3A_590] : memref<131072x64xf32, #tpu.memory_space<hbm>> -> memref<128x64xf32, #tpu.memory_space<hbm>>
      %dma_start3A_592 = arith.constant 0 : i32
      %dma_start3A_593 = tpu.memref_slice %arg6[%add3A_589, %dma_start3A_592] : memref<131072x64xf32, #tpu.memory_space<hbm>> -> memref<128x64xf32, #tpu.memory_space<hbm>>
      tpu.enqueue_dma source(%arg12 : memref<128x64xf32, #tpu.memory_space<vmem>>) target(%dma_start3A_593 : memref<128x64xf32, #tpu.memory_space<hbm>>) target_semaphore(%arg24 : memref<!tpu.dma_semaphore, #tpu.memory_space<semaphore_mem>>)
      %dma_wait3A_594 = arith.constant 0 : i32
      %dma_wait3A_595 = tpu.memref_slice %arg6[%add3A_569, %dma_wait3A_594] : memref<131072x64xf32, #tpu.memory_space<hbm>> -> memref<128x64xf32, #tpu.memory_space<hbm>>
      %dma_wait3A_596 = arith.constant 0 : i32
      %dma_wait3A_597 = tpu.memref_slice %arg6[%add3A_569, %dma_wait3A_596] : memref<131072x64xf32, #tpu.memory_space<hbm>> -> memref<128x64xf32, #tpu.memory_space<hbm>>
      tpu.wait_dma2 semaphore(%arg23 : memref<!tpu.dma_semaphore, #tpu.memory_space<semaphore_mem>>) src(%arg11 : memref<128x64xf32, #tpu.memory_space<vmem>>) dst(%dma_wait3A_597 : memref<128x64xf32, #tpu.memory_space<hbm>>)
      %add3A_598 = arith.constant 3840 : i32
      %add3A_599 = arith.addi %mul3A_2, %add3A_598 : i32
      %dma_start3A_600 = arith.constant 0 : i32
      %dma_start3A_601 = tpu.memref_slice %arg2[%add3A_599, %dma_start3A_600] : memref<131072x64xf32, #tpu.memory_space<hbm>> -> memref<128x64xf32, #tpu.memory_space<hbm>>
      %dma_start3A_602 = arith.constant 0 : i32
      %dma_start3A_603 = tpu.memref_slice %arg2[%add3A_599, %dma_start3A_602] : memref<131072x64xf32, #tpu.memory_space<hbm>> -> memref<128x64xf32, #tpu.memory_space<hbm>>
      tpu.enqueue_dma source(%dma_start3A_603 : memref<128x64xf32, #tpu.memory_space<hbm>>) target(%arg11 : memref<128x64xf32, #tpu.memory_space<vmem>>) target_semaphore(%arg17 : memref<!tpu.dma_semaphore, #tpu.memory_space<semaphore_mem>>)
      %dma_wait3A_604 = arith.constant 0 : i32
      %dma_wait3A_605 = tpu.memref_slice %arg2[%add3A_519, %dma_wait3A_604] : memref<131072x64xf32, #tpu.memory_space<hbm>> -> memref<128x64xf32, #tpu.memory_space<hbm>>
      %dma_wait3A_606 = arith.constant 0 : i32
      %dma_wait3A_607 = tpu.memref_slice %arg2[%add3A_519, %dma_wait3A_606] : memref<131072x64xf32, #tpu.memory_space<hbm>> -> memref<128x64xf32, #tpu.memory_space<hbm>>
      tpu.wait_dma2 semaphore(%arg19 : memref<!tpu.dma_semaphore, #tpu.memory_space<semaphore_mem>>) src(%dma_wait3A_607 : memref<128x64xf32, #tpu.memory_space<hbm>>) dst(%arg13 : memref<128x64xf32, #tpu.memory_space<vmem>>)
      %add3A_608 = arith.constant 3328 : i32
      %add3A_609 = arith.addi %mul3A_2, %add3A_608 : i32
      %dma_start3A_610 = arith.constant 0 : i32
      %dma_start3A_611 = tpu.memref_slice %arg6[%add3A_609, %dma_start3A_610] : memref<131072x64xf32, #tpu.memory_space<hbm>> -> memref<128x64xf32, #tpu.memory_space<hbm>>
      %dma_start3A_612 = arith.constant 0 : i32
      %dma_start3A_613 = tpu.memref_slice %arg6[%add3A_609, %dma_start3A_612] : memref<131072x64xf32, #tpu.memory_space<hbm>> -> memref<128x64xf32, #tpu.memory_space<hbm>>
      tpu.enqueue_dma source(%arg13 : memref<128x64xf32, #tpu.memory_space<vmem>>) target(%dma_start3A_613 : memref<128x64xf32, #tpu.memory_space<hbm>>) target_semaphore(%arg25 : memref<!tpu.dma_semaphore, #tpu.memory_space<semaphore_mem>>)
      %dma_wait3A_614 = arith.constant 0 : i32
      %dma_wait3A_615 = tpu.memref_slice %arg6[%add3A_589, %dma_wait3A_614] : memref<131072x64xf32, #tpu.memory_space<hbm>> -> memref<128x64xf32, #tpu.memory_space<hbm>>
      %dma_wait3A_616 = arith.constant 0 : i32
      %dma_wait3A_617 = tpu.memref_slice %arg6[%add3A_589, %dma_wait3A_616] : memref<131072x64xf32, #tpu.memory_space<hbm>> -> memref<128x64xf32, #tpu.memory_space<hbm>>
      tpu.wait_dma2 semaphore(%arg24 : memref<!tpu.dma_semaphore, #tpu.memory_space<semaphore_mem>>) src(%arg12 : memref<128x64xf32, #tpu.memory_space<vmem>>) dst(%dma_wait3A_617 : memref<128x64xf32, #tpu.memory_space<hbm>>)
      %add3A_618 = arith.constant 3968 : i32
      %add3A_619 = arith.addi %mul3A_2, %add3A_618 : i32
      %dma_start3A_620 = arith.constant 0 : i32
      %dma_start3A_621 = tpu.memref_slice %arg2[%add3A_619, %dma_start3A_620] : memref<131072x64xf32, #tpu.memory_space<hbm>> -> memref<128x64xf32, #tpu.memory_space<hbm>>
      %dma_start3A_622 = arith.constant 0 : i32
      %dma_start3A_623 = tpu.memref_slice %arg2[%add3A_619, %dma_start3A_622] : memref<131072x64xf32, #tpu.memory_space<hbm>> -> memref<128x64xf32, #tpu.memory_space<hbm>>
      tpu.enqueue_dma source(%dma_start3A_623 : memref<128x64xf32, #tpu.memory_space<hbm>>) target(%arg12 : memref<128x64xf32, #tpu.memory_space<vmem>>) target_semaphore(%arg18 : memref<!tpu.dma_semaphore, #tpu.memory_space<semaphore_mem>>)
      %dma_wait3A_624 = arith.constant 0 : i32
      %dma_wait3A_625 = tpu.memref_slice %arg2[%add3A_539, %dma_wait3A_624] : memref<131072x64xf32, #tpu.memory_space<hbm>> -> memref<128x64xf32, #tpu.memory_space<hbm>>
      %dma_wait3A_626 = arith.constant 0 : i32
      %dma_wait3A_627 = tpu.memref_slice %arg2[%add3A_539, %dma_wait3A_626] : memref<131072x64xf32, #tpu.memory_space<hbm>> -> memref<128x64xf32, #tpu.memory_space<hbm>>
      tpu.wait_dma2 semaphore(%arg20 : memref<!tpu.dma_semaphore, #tpu.memory_space<semaphore_mem>>) src(%dma_wait3A_627 : memref<128x64xf32, #tpu.memory_space<hbm>>) dst(%arg14 : memref<128x64xf32, #tpu.memory_space<vmem>>)
      %add3A_628 = arith.constant 3456 : i32
      %add3A_629 = arith.addi %mul3A_2, %add3A_628 : i32
      %dma_start3A_630 = arith.constant 0 : i32
      %dma_start3A_631 = tpu.memref_slice %arg6[%add3A_629, %dma_start3A_630] : memref<131072x64xf32, #tpu.memory_space<hbm>> -> memref<128x64xf32, #tpu.memory_space<hbm>>
      %dma_start3A_632 = arith.constant 0 : i32
      %dma_start3A_633 = tpu.memref_slice %arg6[%add3A_629, %dma_start3A_632] : memref<131072x64xf32, #tpu.memory_space<hbm>> -> memref<128x64xf32, #tpu.memory_space<hbm>>
      tpu.enqueue_dma source(%arg14 : memref<128x64xf32, #tpu.memory_space<vmem>>) target(%dma_start3A_633 : memref<128x64xf32, #tpu.memory_space<hbm>>) target_semaphore(%arg26 : memref<!tpu.dma_semaphore, #tpu.memory_space<semaphore_mem>>)
      %dma_wait3A_634 = arith.constant 0 : i32
      %dma_wait3A_635 = tpu.memref_slice %arg2[%add3A_559, %dma_wait3A_634] : memref<131072x64xf32, #tpu.memory_space<hbm>> -> memref<128x64xf32, #tpu.memory_space<hbm>>
      %dma_wait3A_636 = arith.constant 0 : i32
      %dma_wait3A_637 = tpu.memref_slice %arg2[%add3A_559, %dma_wait3A_636] : memref<131072x64xf32, #tpu.memory_space<hbm>> -> memref<128x64xf32, #tpu.memory_space<hbm>>
      tpu.wait_dma2 semaphore(%arg21 : memref<!tpu.dma_semaphore, #tpu.memory_space<semaphore_mem>>) src(%dma_wait3A_637 : memref<128x64xf32, #tpu.memory_space<hbm>>) dst(%arg15 : memref<128x64xf32, #tpu.memory_space<vmem>>)
      %add3A_638 = arith.constant 3584 : i32
      %add3A_639 = arith.addi %mul3A_2, %add3A_638 : i32
      %dma_start3A_640 = arith.constant 0 : i32
      %dma_start3A_641 = tpu.memref_slice %arg6[%add3A_639, %dma_start3A_640] : memref<131072x64xf32, #tpu.memory_space<hbm>> -> memref<128x64xf32, #tpu.memory_space<hbm>>
      %dma_start3A_642 = arith.constant 0 : i32
      %dma_start3A_643 = tpu.memref_slice %arg6[%add3A_639, %dma_start3A_642] : memref<131072x64xf32, #tpu.memory_space<hbm>> -> memref<128x64xf32, #tpu.memory_space<hbm>>
      tpu.enqueue_dma source(%arg15 : memref<128x64xf32, #tpu.memory_space<vmem>>) target(%dma_start3A_643 : memref<128x64xf32, #tpu.memory_space<hbm>>) target_semaphore(%arg27 : memref<!tpu.dma_semaphore, #tpu.memory_space<semaphore_mem>>)
      %dma_wait3A_644 = arith.constant 0 : i32
      %dma_wait3A_645 = tpu.memref_slice %arg2[%add3A_579, %dma_wait3A_644] : memref<131072x64xf32, #tpu.memory_space<hbm>> -> memref<128x64xf32, #tpu.memory_space<hbm>>
      %dma_wait3A_646 = arith.constant 0 : i32
      %dma_wait3A_647 = tpu.memref_slice %arg2[%add3A_579, %dma_wait3A_646] : memref<131072x64xf32, #tpu.memory_space<hbm>> -> memref<128x64xf32, #tpu.memory_space<hbm>>
      tpu.wait_dma2 semaphore(%arg22 : memref<!tpu.dma_semaphore, #tpu.memory_space<semaphore_mem>>) src(%dma_wait3A_647 : memref<128x64xf32, #tpu.memory_space<hbm>>) dst(%arg16 : memref<128x64xf32, #tpu.memory_space<vmem>>)
      %add3A_648 = arith.constant 3712 : i32
      %add3A_649 = arith.addi %mul3A_2, %add3A_648 : i32
      %dma_start3A_650 = arith.constant 0 : i32
      %dma_start3A_651 = tpu.memref_slice %arg6[%add3A_649, %dma_start3A_650] : memref<131072x64xf32, #tpu.memory_space<hbm>> -> memref<128x64xf32, #tpu.memory_space<hbm>>
      %dma_start3A_652 = arith.constant 0 : i32
      %dma_start3A_653 = tpu.memref_slice %arg6[%add3A_649, %dma_start3A_652] : memref<131072x64xf32, #tpu.memory_space<hbm>> -> memref<128x64xf32, #tpu.memory_space<hbm>>
      tpu.enqueue_dma source(%arg16 : memref<128x64xf32, #tpu.memory_space<vmem>>) target(%dma_start3A_653 : memref<128x64xf32, #tpu.memory_space<hbm>>) target_semaphore(%arg28 : memref<!tpu.dma_semaphore, #tpu.memory_space<semaphore_mem>>)
      %dma_wait3A_654 = arith.constant 0 : i32
      %dma_wait3A_655 = tpu.memref_slice %arg2[%add3A_599, %dma_wait3A_654] : memref<131072x64xf32, #tpu.memory_space<hbm>> -> memref<128x64xf32, #tpu.memory_space<hbm>>
      %dma_wait3A_656 = arith.constant 0 : i32
      %dma_wait3A_657 = tpu.memref_slice %arg2[%add3A_599, %dma_wait3A_656] : memref<131072x64xf32, #tpu.memory_space<hbm>> -> memref<128x64xf32, #tpu.memory_space<hbm>>
      tpu.wait_dma2 semaphore(%arg17 : memref<!tpu.dma_semaphore, #tpu.memory_space<semaphore_mem>>) src(%dma_wait3A_657 : memref<128x64xf32, #tpu.memory_space<hbm>>) dst(%arg11 : memref<128x64xf32, #tpu.memory_space<vmem>>)
      %add3A_658 = arith.constant 3840 : i32
      %add3A_659 = arith.addi %mul3A_2, %add3A_658 : i32
      %dma_start3A_660 = arith.constant 0 : i32
      %dma_start3A_661 = tpu.memref_slice %arg6[%add3A_659, %dma_start3A_660] : memref<131072x64xf32, #tpu.memory_space<hbm>> -> memref<128x64xf32, #tpu.memory_space<hbm>>
      %dma_start3A_662 = arith.constant 0 : i32
      %dma_start3A_663 = tpu.memref_slice %arg6[%add3A_659, %dma_start3A_662] : memref<131072x64xf32, #tpu.memory_space<hbm>> -> memref<128x64xf32, #tpu.memory_space<hbm>>
      tpu.enqueue_dma source(%arg11 : memref<128x64xf32, #tpu.memory_space<vmem>>) target(%dma_start3A_663 : memref<128x64xf32, #tpu.memory_space<hbm>>) target_semaphore(%arg23 : memref<!tpu.dma_semaphore, #tpu.memory_space<semaphore_mem>>)
      %dma_wait3A_664 = arith.constant 0 : i32
      %dma_wait3A_665 = tpu.memref_slice %arg2[%add3A_619, %dma_wait3A_664] : memref<131072x64xf32, #tpu.memory_space<hbm>> -> memref<128x64xf32, #tpu.memory_space<hbm>>
      %dma_wait3A_666 = arith.constant 0 : i32
      %dma_wait3A_667 = tpu.memref_slice %arg2[%add3A_619, %dma_wait3A_666] : memref<131072x64xf32, #tpu.memory_space<hbm>> -> memref<128x64xf32, #tpu.memory_space<hbm>>
      tpu.wait_dma2 semaphore(%arg18 : memref<!tpu.dma_semaphore, #tpu.memory_space<semaphore_mem>>) src(%dma_wait3A_667 : memref<128x64xf32, #tpu.memory_space<hbm>>) dst(%arg12 : memref<128x64xf32, #tpu.memory_space<vmem>>)
      %add3A_668 = arith.constant 3968 : i32
      %add3A_669 = arith.addi %mul3A_2, %add3A_668 : i32
      %dma_start3A_670 = arith.constant 0 : i32
      %dma_start3A_671 = tpu.memref_slice %arg6[%add3A_669, %dma_start3A_670] : memref<131072x64xf32, #tpu.memory_space<hbm>> -> memref<128x64xf32, #tpu.memory_space<hbm>>
      %dma_start3A_672 = arith.constant 0 : i32
      %dma_start3A_673 = tpu.memref_slice %arg6[%add3A_669, %dma_start3A_672] : memref<131072x64xf32, #tpu.memory_space<hbm>> -> memref<128x64xf32, #tpu.memory_space<hbm>>
      tpu.enqueue_dma source(%arg12 : memref<128x64xf32, #tpu.memory_space<vmem>>) target(%dma_start3A_673 : memref<128x64xf32, #tpu.memory_space<hbm>>) target_semaphore(%arg24 : memref<!tpu.dma_semaphore, #tpu.memory_space<semaphore_mem>>)
      %dma_wait3A_674 = arith.constant 0 : i32
      %dma_wait3A_675 = tpu.memref_slice %arg6[%add3A_609, %dma_wait3A_674] : memref<131072x64xf32, #tpu.memory_space<hbm>> -> memref<128x64xf32, #tpu.memory_space<hbm>>
      %dma_wait3A_676 = arith.constant 0 : i32
      %dma_wait3A_677 = tpu.memref_slice %arg6[%add3A_609, %dma_wait3A_676] : memref<131072x64xf32, #tpu.memory_space<hbm>> -> memref<128x64xf32, #tpu.memory_space<hbm>>
      tpu.wait_dma2 semaphore(%arg25 : memref<!tpu.dma_semaphore, #tpu.memory_space<semaphore_mem>>) src(%arg13 : memref<128x64xf32, #tpu.memory_space<vmem>>) dst(%dma_wait3A_677 : memref<128x64xf32, #tpu.memory_space<hbm>>)
      %dma_wait3A_678 = arith.constant 0 : i32
      %dma_wait3A_679 = tpu.memref_slice %arg6[%add3A_629, %dma_wait3A_678] : memref<131072x64xf32, #tpu.memory_space<hbm>> -> memref<128x64xf32, #tpu.memory_space<hbm>>
      %dma_wait3A_680 = arith.constant 0 : i32
      %dma_wait3A_681 = tpu.memref_slice %arg6[%add3A_629, %dma_wait3A_680] : memref<131072x64xf32, #tpu.memory_space<hbm>> -> memref<128x64xf32, #tpu.memory_space<hbm>>
      tpu.wait_dma2 semaphore(%arg26 : memref<!tpu.dma_semaphore, #tpu.memory_space<semaphore_mem>>) src(%arg14 : memref<128x64xf32, #tpu.memory_space<vmem>>) dst(%dma_wait3A_681 : memref<128x64xf32, #tpu.memory_space<hbm>>)
      %dma_wait3A_682 = arith.constant 0 : i32
      %dma_wait3A_683 = tpu.memref_slice %arg6[%add3A_639, %dma_wait3A_682] : memref<131072x64xf32, #tpu.memory_space<hbm>> -> memref<128x64xf32, #tpu.memory_space<hbm>>
      %dma_wait3A_684 = arith.constant 0 : i32
      %dma_wait3A_685 = tpu.memref_slice %arg6[%add3A_639, %dma_wait3A_684] : memref<131072x64xf32, #tpu.memory_space<hbm>> -> memref<128x64xf32, #tpu.memory_space<hbm>>
      tpu.wait_dma2 semaphore(%arg27 : memref<!tpu.dma_semaphore, #tpu.memory_space<semaphore_mem>>) src(%arg15 : memref<128x64xf32, #tpu.memory_space<vmem>>) dst(%dma_wait3A_685 : memref<128x64xf32, #tpu.memory_space<hbm>>)
      %dma_wait3A_686 = arith.constant 0 : i32
      %dma_wait3A_687 = tpu.memref_slice %arg6[%add3A_649, %dma_wait3A_686] : memref<131072x64xf32, #tpu.memory_space<hbm>> -> memref<128x64xf32, #tpu.memory_space<hbm>>
      %dma_wait3A_688 = arith.constant 0 : i32
      %dma_wait3A_689 = tpu.memref_slice %arg6[%add3A_649, %dma_wait3A_688] : memref<131072x64xf32, #tpu.memory_space<hbm>> -> memref<128x64xf32, #tpu.memory_space<hbm>>
      tpu.wait_dma2 semaphore(%arg28 : memref<!tpu.dma_semaphore, #tpu.memory_space<semaphore_mem>>) src(%arg16 : memref<128x64xf32, #tpu.memory_space<vmem>>) dst(%dma_wait3A_689 : memref<128x64xf32, #tpu.memory_space<hbm>>)
      %dma_wait3A_690 = arith.constant 0 : i32
      %dma_wait3A_691 = tpu.memref_slice %arg6[%add3A_659, %dma_wait3A_690] : memref<131072x64xf32, #tpu.memory_space<hbm>> -> memref<128x64xf32, #tpu.memory_space<hbm>>
      %dma_wait3A_692 = arith.constant 0 : i32
      %dma_wait3A_693 = tpu.memref_slice %arg6[%add3A_659, %dma_wait3A_692] : memref<131072x64xf32, #tpu.memory_space<hbm>> -> memref<128x64xf32, #tpu.memory_space<hbm>>
      tpu.wait_dma2 semaphore(%arg23 : memref<!tpu.dma_semaphore, #tpu.memory_space<semaphore_mem>>) src(%arg11 : memref<128x64xf32, #tpu.memory_space<vmem>>) dst(%dma_wait3A_693 : memref<128x64xf32, #tpu.memory_space<hbm>>)
      %dma_wait3A_694 = arith.constant 0 : i32
      %dma_wait3A_695 = tpu.memref_slice %arg6[%add3A_669, %dma_wait3A_694] : memref<131072x64xf32, #tpu.memory_space<hbm>> -> memref<128x64xf32, #tpu.memory_space<hbm>>
      %dma_wait3A_696 = arith.constant 0 : i32
      %dma_wait3A_697 = tpu.memref_slice %arg6[%add3A_669, %dma_wait3A_696] : memref<131072x64xf32, #tpu.memory_space<hbm>> -> memref<128x64xf32, #tpu.memory_space<hbm>>
      tpu.wait_dma2 semaphore(%arg24 : memref<!tpu.dma_semaphore, #tpu.memory_space<semaphore_mem>>) src(%arg12 : memref<128x64xf32, #tpu.memory_space<vmem>>) dst(%dma_wait3A_697 : memref<128x64xf32, #tpu.memory_space<hbm>>)
    } else {
    }
    %not3A = arith.constant true
    %not3A_91 = arith.xori %eq3A_89, %not3A : i1
    %convert_element_type3A_92 = arith.extui %not3A_91 : i1 to i32
    %cond3A_93 = arith.constant 0 : i32
    %cond3A_94 = arith.cmpi ne, %convert_element_type3A_92, %cond3A_93 : i32
    scf.if %cond3A_94 {
      %dma_wait3A = arith.constant 0 : i32
      %dma_wait3A_95 = tpu.memref_slice %arg2[%add3A_4, %dma_wait3A] : memref<131072x64xf32, #tpu.memory_space<hbm>> -> memref<128x64xf32, #tpu.memory_space<hbm>>
      %dma_wait3A_96 = arith.constant 0 : i32
      %dma_wait3A_97 = tpu.memref_slice %arg2[%add3A_4, %dma_wait3A_96] : memref<131072x64xf32, #tpu.memory_space<hbm>> -> memref<128x64xf32, #tpu.memory_space<hbm>>
      tpu.wait_dma2 semaphore(%arg17 : memref<!tpu.dma_semaphore, #tpu.memory_space<semaphore_mem>>) src(%dma_wait3A_97 : memref<128x64xf32, #tpu.memory_space<hbm>>) dst(%arg11 : memref<128x64xf32, #tpu.memory_space<vmem>>)
      %dma_wait3A_98 = arith.constant 0 : i32
      %dma_wait3A_99 = tpu.memref_slice %arg2[%add3A_9, %dma_wait3A_98] : memref<131072x64xf32, #tpu.memory_space<hbm>> -> memref<128x64xf32, #tpu.memory_space<hbm>>
      %dma_wait3A_100 = arith.constant 0 : i32
      %dma_wait3A_101 = tpu.memref_slice %arg2[%add3A_9, %dma_wait3A_100] : memref<131072x64xf32, #tpu.memory_space<hbm>> -> memref<128x64xf32, #tpu.memory_space<hbm>>
      tpu.wait_dma2 semaphore(%arg18 : memref<!tpu.dma_semaphore, #tpu.memory_space<semaphore_mem>>) src(%dma_wait3A_101 : memref<128x64xf32, #tpu.memory_space<hbm>>) dst(%arg12 : memref<128x64xf32, #tpu.memory_space<vmem>>)
      %dma_wait3A_102 = arith.constant 0 : i32
      %dma_wait3A_103 = tpu.memref_slice %arg2[%add3A_15, %dma_wait3A_102] : memref<131072x64xf32, #tpu.memory_space<hbm>> -> memref<128x64xf32, #tpu.memory_space<hbm>>
      %dma_wait3A_104 = arith.constant 0 : i32
      %dma_wait3A_105 = tpu.memref_slice %arg2[%add3A_15, %dma_wait3A_104] : memref<131072x64xf32, #tpu.memory_space<hbm>> -> memref<128x64xf32, #tpu.memory_space<hbm>>
      tpu.wait_dma2 semaphore(%arg19 : memref<!tpu.dma_semaphore, #tpu.memory_space<semaphore_mem>>) src(%dma_wait3A_105 : memref<128x64xf32, #tpu.memory_space<hbm>>) dst(%arg13 : memref<128x64xf32, #tpu.memory_space<vmem>>)
      %dma_wait3A_106 = arith.constant 0 : i32
      %dma_wait3A_107 = tpu.memref_slice %arg2[%add3A_21, %dma_wait3A_106] : memref<131072x64xf32, #tpu.memory_space<hbm>> -> memref<128x64xf32, #tpu.memory_space<hbm>>
      %dma_wait3A_108 = arith.constant 0 : i32
      %dma_wait3A_109 = tpu.memref_slice %arg2[%add3A_21, %dma_wait3A_108] : memref<131072x64xf32, #tpu.memory_space<hbm>> -> memref<128x64xf32, #tpu.memory_space<hbm>>
      tpu.wait_dma2 semaphore(%arg20 : memref<!tpu.dma_semaphore, #tpu.memory_space<semaphore_mem>>) src(%dma_wait3A_109 : memref<128x64xf32, #tpu.memory_space<hbm>>) dst(%arg14 : memref<128x64xf32, #tpu.memory_space<vmem>>)
      %dma_wait3A_110 = arith.constant 0 : i32
      %dma_wait3A_111 = tpu.memref_slice %arg2[%add3A_27, %dma_wait3A_110] : memref<131072x64xf32, #tpu.memory_space<hbm>> -> memref<128x64xf32, #tpu.memory_space<hbm>>
      %dma_wait3A_112 = arith.constant 0 : i32
      %dma_wait3A_113 = tpu.memref_slice %arg2[%add3A_27, %dma_wait3A_112] : memref<131072x64xf32, #tpu.memory_space<hbm>> -> memref<128x64xf32, #tpu.memory_space<hbm>>
      tpu.wait_dma2 semaphore(%arg21 : memref<!tpu.dma_semaphore, #tpu.memory_space<semaphore_mem>>) src(%dma_wait3A_113 : memref<128x64xf32, #tpu.memory_space<hbm>>) dst(%arg15 : memref<128x64xf32, #tpu.memory_space<vmem>>)
      %dma_wait3A_114 = arith.constant 0 : i32
      %dma_wait3A_115 = tpu.memref_slice %arg2[%add3A_33, %dma_wait3A_114] : memref<131072x64xf32, #tpu.memory_space<hbm>> -> memref<128x64xf32, #tpu.memory_space<hbm>>
      %dma_wait3A_116 = arith.constant 0 : i32
      %dma_wait3A_117 = tpu.memref_slice %arg2[%add3A_33, %dma_wait3A_116] : memref<131072x64xf32, #tpu.memory_space<hbm>> -> memref<128x64xf32, #tpu.memory_space<hbm>>
      tpu.wait_dma2 semaphore(%arg22 : memref<!tpu.dma_semaphore, #tpu.memory_space<semaphore_mem>>) src(%dma_wait3A_117 : memref<128x64xf32, #tpu.memory_space<hbm>>) dst(%arg16 : memref<128x64xf32, #tpu.memory_space<vmem>>)
      %scan3A_118 = arith.constant 0 : i32
      %scan3A_119 = arith.constant 0 : i32
      %scan3A_120 = arith.constant 32 : i32
      %scan3A_121 = arith.addi %scan3A_119, %scan3A_120 : i32
      %scan3A_122 = arith.constant 1 : i32
      %scan3A_123 = scf.for %scan3A_125 = %scan3A_119 to %scan3A_121 step %scan3A_122 iter_args(%scan3A_126 = %scan3A_118) -> (i32)  : i32 {
        %mul3A_127 = arith.constant 128 : i32
        %mul3A_128 = arith.muli %scan3A_125, %mul3A_127 : i32
        %add3A_129 = arith.addi %mul3A_2, %mul3A_128 : i32
        "tpu.region"() ({
          %run_scoped3A = tpu.sem_alloc : memref<!tpu.dma_semaphore, #tpu.memory_space<semaphore_mem>>
          %dma_start3A_138 = arith.constant 0 : i32
          %dma_start3A_139 = tpu.memref_slice %arg2[%add3A_129, %dma_start3A_138] : memref<131072x64xf32, #tpu.memory_space<hbm>> -> memref<128x64xf32, #tpu.memory_space<hbm>>
          %dma_start3A_140 = arith.constant 0 : i32
          %dma_start3A_141 = tpu.memref_slice %arg2[%add3A_129, %dma_start3A_140] : memref<131072x64xf32, #tpu.memory_space<hbm>> -> memref<128x64xf32, #tpu.memory_space<hbm>>
          tpu.enqueue_dma source(%dma_start3A_141 : memref<128x64xf32, #tpu.memory_space<hbm>>) target(%arg8 : memref<128x64xf32, #tpu.memory_space<vmem>>) target_semaphore(%run_scoped3A : memref<!tpu.dma_semaphore, #tpu.memory_space<semaphore_mem>>)
          %dma_wait3A_142 = arith.constant 0 : i32
          %dma_wait3A_143 = tpu.memref_slice %arg2[%add3A_129, %dma_wait3A_142] : memref<131072x64xf32, #tpu.memory_space<hbm>> -> memref<128x64xf32, #tpu.memory_space<hbm>>
          %dma_wait3A_144 = arith.constant 0 : i32
          %dma_wait3A_145 = tpu.memref_slice %arg2[%add3A_129, %dma_wait3A_144] : memref<131072x64xf32, #tpu.memory_space<hbm>> -> memref<128x64xf32, #tpu.memory_space<hbm>>
          tpu.wait_dma2 semaphore(%run_scoped3A : memref<!tpu.dma_semaphore, #tpu.memory_space<semaphore_mem>>) src(%dma_wait3A_145 : memref<128x64xf32, #tpu.memory_space<hbm>>) dst(%arg8 : memref<128x64xf32, #tpu.memory_space<vmem>>)
          tpu.yield
        }) : () -> ()
        "tpu.region"() ({
          %run_scoped3A = tpu.sem_alloc : memref<!tpu.dma_semaphore, #tpu.memory_space<semaphore_mem>>
          %dma_start3A_138 = tpu.memref_slice %arg5[%add3A_129] : memref<131072xi32, #tpu.memory_space<hbm>> -> memref<128xi32, #tpu.memory_space<hbm>>
          %dma_start3A_139 = tpu.memref_slice %arg5[%add3A_129] : memref<131072xi32, #tpu.memory_space<hbm>> -> memref<128xi32, #tpu.memory_space<hbm>>
          tpu.enqueue_dma source(%dma_start3A_139 : memref<128xi32, #tpu.memory_space<hbm>>) target(%arg10 : memref<128xi32, #tpu.memory_space<vmem>>) target_semaphore(%run_scoped3A : memref<!tpu.dma_semaphore, #tpu.memory_space<semaphore_mem>>)
          %dma_wait3A_140 = tpu.memref_slice %arg5[%add3A_129] : memref<131072xi32, #tpu.memory_space<hbm>> -> memref<128xi32, #tpu.memory_space<hbm>>
          %dma_wait3A_141 = tpu.memref_slice %arg5[%add3A_129] : memref<131072xi32, #tpu.memory_space<hbm>> -> memref<128xi32, #tpu.memory_space<hbm>>
          tpu.wait_dma2 semaphore(%run_scoped3A : memref<!tpu.dma_semaphore, #tpu.memory_space<semaphore_mem>>) src(%dma_wait3A_141 : memref<128xi32, #tpu.memory_space<hbm>>) dst(%arg10 : memref<128xi32, #tpu.memory_space<vmem>>)
          tpu.yield
        }) : () -> ()
        %scan3A_130 = arith.constant 0 : i32
        %scan3A_131 = arith.constant 0 : i32
        %scan3A_132 = arith.constant 8 : i32
        %scan3A_133 = arith.addi %scan3A_131, %scan3A_132 : i32
        %scan3A_134 = arith.constant 1 : i32
        %scan3A_135 = scf.for %scan3A_138 = %scan3A_131 to %scan3A_133 step %scan3A_134 iter_args(%scan3A_139 = %scan3A_130) -> (i32)  : i32 {
          %mul3A_140 = arith.constant 128 : i32
          %mul3A_141 = arith.muli %scan3A_125, %mul3A_140 : i32
          %mul3A_142 = arith.constant 16 : i32
          %mul3A_143 = arith.muli %scan3A_138, %mul3A_142 : i32
          %add3A_144 = arith.addi %mul3A_141, %mul3A_143 : i32
          %get3A = arith.index_cast %add3A_144 : i32 to index
          %get3A_145 = tpu.vector_load %arg7[%get3A] {strides = array<i32>} : memref<4096xi32, #tpu.memory_space<vmem>>, vector<16xi32>,
          %get3A_146 = vector.shape_cast %get3A_145 : vector<16xi32> to vector<16xi32>
          %mul3A_147 = arith.constant 16 : i32
          %mul3A_148 = arith.muli %scan3A_138, %mul3A_147 : i32
          %get3A_149 = arith.index_cast %mul3A_148 : i32 to index
          %get3A_150 = tpu.vector_load %arg10[%get3A_149] {strides = array<i32>} : memref<128xi32, #tpu.memory_space<vmem>>, vector<16xi32>,
          %get3A_151 = vector.shape_cast %get3A_150 : vector<16xi32> to vector<16xi32>
          %slice3A_152 = vector.extract_strided_slice %get3A_146 {offsets = [0], sizes = [1], strides = [1]} : vector<16xi32> to vector<1xi32>
          %squeeze3A_153 = vector.extract %slice3A_152[0] : i32 from vector<1xi32>
          %eq3A_154 = arith.constant 0 : i32
          %eq3A_155 = arith.cmpi eq, %squeeze3A_153, %eq3A_154 : i32
          %mul3A_156 = arith.constant 16 : i32
          %mul3A_157 = arith.muli %scan3A_138, %mul3A_156 : i32
          %add3A_158 = arith.constant 0 : i32
          %add3A_159 = arith.addi %mul3A_157, %add3A_158 : i32
          %slice3A_160 = vector.extract_strided_slice %get3A_151 {offsets = [0], sizes = [1], strides = [1]} : vector<16xi32> to vector<1xi32>
          %squeeze3A_161 = vector.extract %slice3A_160[0] : i32 from vector<1xi32>
          %convert_element_type3A_162 = arith.extui %eq3A_155 : i1 to i32
          %cond3A_163 = arith.constant 0 : i32
          %cond3A_164 = arith.cmpi ne, %convert_element_type3A_162, %cond3A_163 : i32
          scf.if %cond3A_164 {
            %jit3A = arith.constant 8 : i32
            %div3A = arith.divsi %squeeze3A_161, %jit3A : i32
            %sign3A = arith.constant 0 : i32
            %sign3A_361 = arith.cmpi sgt, %squeeze3A_161, %sign3A : i32
            %sign3A_362 = arith.extui %sign3A_361 : i1 to i32
            %sign3A_363 = arith.constant 0 : i32
            %sign3A_364 = arith.cmpi slt, %squeeze3A_161, %sign3A_363 : i32
            %sign3A_365 = arith.extui %sign3A_364 : i1 to i32
            %sign3A_366 = arith.subi %sign3A_362, %sign3A_365 : i32
            %sign3A_367 = arith.constant 0 : i32
            %sign3A_368 = arith.cmpi sgt, %jit3A, %sign3A_367 : i32
            %sign3A_369 = arith.extui %sign3A_368 : i1 to i32
            %sign3A_370 = arith.constant 0 : i32
            %sign3A_371 = arith.cmpi slt, %jit3A, %sign3A_370 : i32
            %sign3A_372 = arith.extui %sign3A_371 : i1 to i32
            %sign3A_373 = arith.subi %sign3A_369, %sign3A_372 : i32
            %ne3A = arith.cmpi ne, %sign3A_366, %sign3A_373 : i32
            %rem3A = arith.remsi %squeeze3A_161, %jit3A : i32
            %ne3A_374 = arith.constant 0 : i32
            %ne3A_375 = arith.cmpi ne, %rem3A, %ne3A_374 : i32
            %and3A = arith.andi %ne3A, %ne3A_375 : i1
            %sub3A = arith.constant 1 : i32
            %sub3A_376 = arith.subi %div3A, %sub3A : i32
            %select_n3A = arith.select %and3A, %sub3A_376, %div3A : i32
            %mul3A_377 = arith.constant 8 : i32
            %mul3A_378 = arith.muli %select_n3A, %mul3A_377 : i32
            "tpu.region"() ({
              %run_scoped3A = tpu.sem_alloc : memref<!tpu.dma_semaphore, #tpu.memory_space<semaphore_mem>>
              %dma_start3A_415 = arith.constant 0 : i32
              %dma_start3A_416 = tpu.memref_slice %arg4[%mul3A_378, %dma_start3A_415] : memref<8192x64xf32, #tpu.memory_space<hbm>> -> memref<8x64xf32, #tpu.memory_space<hbm>>
              %dma_start3A_417 = arith.constant 0 : i32
              %dma_start3A_418 = tpu.memref_slice %arg4[%mul3A_378, %dma_start3A_417] : memref<8192x64xf32, #tpu.memory_space<hbm>> -> memref<8x64xf32, #tpu.memory_space<hbm>>
              tpu.enqueue_dma source(%dma_start3A_418 : memref<8x64xf32, #tpu.memory_space<hbm>>) target(%arg9 : memref<8x64xf32, #tpu.memory_space<vmem>>) target_semaphore(%run_scoped3A : memref<!tpu.dma_semaphore, #tpu.memory_space<semaphore_mem>>)
              %dma_wait3A_419 = arith.constant 0 : i32
              %dma_wait3A_420 = tpu.memref_slice %arg4[%mul3A_378, %dma_wait3A_419] : memref<8192x64xf32, #tpu.memory_space<hbm>> -> memref<8x64xf32, #tpu.memory_space<hbm>>
              %dma_wait3A_421 = arith.constant 0 : i32
              %dma_wait3A_422 = tpu.memref_slice %arg4[%mul3A_378, %dma_wait3A_421] : memref<8192x64xf32, #tpu.memory_space<hbm>> -> memref<8x64xf32, #tpu.memory_space<hbm>>
              tpu.wait_dma2 semaphore(%run_scoped3A : memref<!tpu.dma_semaphore, #tpu.memory_space<semaphore_mem>>) src(%dma_wait3A_422 : memref<8x64xf32, #tpu.memory_space<hbm>>) dst(%arg9 : memref<8x64xf32, #tpu.memory_space<vmem>>)
              tpu.yield
            }) : () -> ()
            %sub3A_379 = arith.subi %squeeze3A_161, %mul3A_378 : i32
            %get3A_380 = arith.index_cast %sub3A_379 : i32 to index
            %get3A_381 = arith.constant 0 : index
            %get3A_382 = tpu.vector_load %arg9[%get3A_380, %get3A_381] {strides = array<i32>} : memref<8x64xf32, #tpu.memory_space<vmem>>, vector<1x16xf32>,
            %get3A_383 = vector.shape_cast %get3A_382 : vector<1x16xf32> to vector<16xf32>
            %swap3A = arith.index_cast %add3A_159 : i32 to index
            %swap3A_384 = arith.constant 0 : index
            %swap3A_385 = tpu.vector_load %arg8[%swap3A, %swap3A_384] {strides = array<i32>} : memref<128x64xf32, #tpu.memory_space<vmem>>, vector<1x16xf32>,
            %swap3A_386 = vector.shape_cast %swap3A_385 : vector<1x16xf32> to vector<16xf32>
            %swap3A_387 = vector.shape_cast %get3A_383 : vector<16xf32> to vector<1x16xf32>
            tpu.vector_store %arg8[%swap3A, %swap3A_384], %swap3A_387 {strides = array<i32>} : memref<128x64xf32, #tpu.memory_space<vmem>>, vector<1x16xf32>,
            %get3A_388 = arith.index_cast %sub3A_379 : i32 to index
            %get3A_389 = arith.constant 16 : index
            %get3A_390 = tpu.vector_load %arg9[%get3A_388, %get3A_389] {strides = array<i32>} : memref<8x64xf32, #tpu.memory_space<vmem>>, vector<1x16xf32>,
            %get3A_391 = vector.shape_cast %get3A_390 : vector<1x16xf32> to vector<16xf32>
            %swap3A_392 = arith.index_cast %add3A_159 : i32 to index
            %swap3A_393 = arith.constant 16 : index
            %swap3A_394 = tpu.vector_load %arg8[%swap3A_392, %swap3A_393] {strides = array<i32>} : memref<128x64xf32, #tpu.memory_space<vmem>>, vector<1x16xf32>,
            %swap3A_395 = vector.shape_cast %swap3A_394 : vector<1x16xf32> to vector<16xf32>
            %swap3A_396 = vector.shape_cast %get3A_391 : vector<16xf32> to vector<1x16xf32>
            tpu.vector_store %arg8[%swap3A_392, %swap3A_393], %swap3A_396 {strides = array<i32>} : memref<128x64xf32, #tpu.memory_space<vmem>>, vector<1x16xf32>,
            %get3A_397 = arith.index_cast %sub3A_379 : i32 to index
            %get3A_398 = arith.constant 32 : index
            %get3A_399 = tpu.vector_load %arg9[%get3A_397, %get3A_398] {strides = array<i32>} : memref<8x64xf32, #tpu.memory_space<vmem>>, vector<1x16xf32>,
            %get3A_400 = vector.shape_cast %get3A_399 : vector<1x16xf32> to vector<16xf32>
            %swap3A_401 = arith.index_cast %add3A_159 : i32 to index
            %swap3A_402 = arith.constant 32 : index
            %swap3A_403 = tpu.vector_load %arg8[%swap3A_401, %swap3A_402] {strides = array<i32>} : memref<128x64xf32, #tpu.memory_space<vmem>>, vector<1x16xf32>,
            %swap3A_404 = vector.shape_cast %swap3A_403 : vector<1x16xf32> to vector<16xf32>
            %swap3A_405 = vector.shape_cast %get3A_400 : vector<16xf32> to vector<1x16xf32>
            tpu.vector_store %arg8[%swap3A_401, %swap3A_402], %swap3A_405 {strides = array<i32>} : memref<128x64xf32, #tpu.memory_space<vmem>>, vector<1x16xf32>,
            %get3A_406 = arith.index_cast %sub3A_379 : i32 to index
            %get3A_407 = arith.constant 48 : index
            %get3A_408 = tpu.vector_load %arg9[%get3A_406, %get3A_407] {strides = array<i32>} : memref<8x64xf32, #tpu.memory_space<vmem>>, vector<1x16xf32>,
            %get3A_409 = vector.shape_cast %get3A_408 : vector<1x16xf32> to vector<16xf32>
            %swap3A_410 = arith.index_cast %add3A_159 : i32 to index
            %swap3A_411 = arith.constant 48 : index
            %swap3A_412 = tpu.vector_load %arg8[%swap3A_410, %swap3A_411] {strides = array<i32>} : memref<128x64xf32, #tpu.memory_space<vmem>>, vector<1x16xf32>,
            %swap3A_413 = vector.shape_cast %swap3A_412 : vector<1x16xf32> to vector<16xf32>
            %swap3A_414 = vector.shape_cast %get3A_409 : vector<16xf32> to vector<1x16xf32>
            tpu.vector_store %arg8[%swap3A_410, %swap3A_411], %swap3A_414 {strides = array<i32>} : memref<128x64xf32, #tpu.memory_space<vmem>>, vector<1x16xf32>,
          } else {
          }
          %slice3A_165 = vector.extract_strided_slice %get3A_146 {offsets = [1], sizes = [1], strides = [1]} : vector<16xi32> to vector<1xi32>
          %squeeze3A_166 = vector.extract %slice3A_165[0] : i32 from vector<1xi32>
          %eq3A_167 = arith.constant 0 : i32
          %eq3A_168 = arith.cmpi eq, %squeeze3A_166, %eq3A_167 : i32
          %mul3A_169 = arith.constant 16 : i32
          %mul3A_170 = arith.muli %scan3A_138, %mul3A_169 : i32
          %add3A_171 = arith.constant 1 : i32
          %add3A_172 = arith.addi %mul3A_170, %add3A_171 : i32
          %slice3A_173 = vector.extract_strided_slice %get3A_151 {offsets = [1], sizes = [1], strides = [1]} : vector<16xi32> to vector<1xi32>
          %squeeze3A_174 = vector.extract %slice3A_173[0] : i32 from vector<1xi32>
          %convert_element_type3A_175 = arith.extui %eq3A_168 : i1 to i32
          %cond3A_176 = arith.constant 0 : i32
          %cond3A_177 = arith.cmpi ne, %convert_element_type3A_175, %cond3A_176 : i32
          scf.if %cond3A_177 {
            %jit3A = arith.constant 8 : i32
            %div3A = arith.divsi %squeeze3A_174, %jit3A : i32
            %sign3A = arith.constant 0 : i32
            %sign3A_361 = arith.cmpi sgt, %squeeze3A_174, %sign3A : i32
            %sign3A_362 = arith.extui %sign3A_361 : i1 to i32
            %sign3A_363 = arith.constant 0 : i32
            %sign3A_364 = arith.cmpi slt, %squeeze3A_174, %sign3A_363 : i32
            %sign3A_365 = arith.extui %sign3A_364 : i1 to i32
            %sign3A_366 = arith.subi %sign3A_362, %sign3A_365 : i32
            %sign3A_367 = arith.constant 0 : i32
            %sign3A_368 = arith.cmpi sgt, %jit3A, %sign3A_367 : i32
            %sign3A_369 = arith.extui %sign3A_368 : i1 to i32
            %sign3A_370 = arith.constant 0 : i32
            %sign3A_371 = arith.cmpi slt, %jit3A, %sign3A_370 : i32
            %sign3A_372 = arith.extui %sign3A_371 : i1 to i32
            %sign3A_373 = arith.subi %sign3A_369, %sign3A_372 : i32
            %ne3A = arith.cmpi ne, %sign3A_366, %sign3A_373 : i32
            %rem3A = arith.remsi %squeeze3A_174, %jit3A : i32
            %ne3A_374 = arith.constant 0 : i32
            %ne3A_375 = arith.cmpi ne, %rem3A, %ne3A_374 : i32
            %and3A = arith.andi %ne3A, %ne3A_375 : i1
            %sub3A = arith.constant 1 : i32
            %sub3A_376 = arith.subi %div3A, %sub3A : i32
            %select_n3A = arith.select %and3A, %sub3A_376, %div3A : i32
            %mul3A_377 = arith.constant 8 : i32
            %mul3A_378 = arith.muli %select_n3A, %mul3A_377 : i32
            "tpu.region"() ({
              %run_scoped3A = tpu.sem_alloc : memref<!tpu.dma_semaphore, #tpu.memory_space<semaphore_mem>>
              %dma_start3A_415 = arith.constant 0 : i32
              %dma_start3A_416 = tpu.memref_slice %arg4[%mul3A_378, %dma_start3A_415] : memref<8192x64xf32, #tpu.memory_space<hbm>> -> memref<8x64xf32, #tpu.memory_space<hbm>>
              %dma_start3A_417 = arith.constant 0 : i32
              %dma_start3A_418 = tpu.memref_slice %arg4[%mul3A_378, %dma_start3A_417] : memref<8192x64xf32, #tpu.memory_space<hbm>> -> memref<8x64xf32, #tpu.memory_space<hbm>>
              tpu.enqueue_dma source(%dma_start3A_418 : memref<8x64xf32, #tpu.memory_space<hbm>>) target(%arg9 : memref<8x64xf32, #tpu.memory_space<vmem>>) target_semaphore(%run_scoped3A : memref<!tpu.dma_semaphore, #tpu.memory_space<semaphore_mem>>)
              %dma_wait3A_419 = arith.constant 0 : i32
              %dma_wait3A_420 = tpu.memref_slice %arg4[%mul3A_378, %dma_wait3A_419] : memref<8192x64xf32, #tpu.memory_space<hbm>> -> memref<8x64xf32, #tpu.memory_space<hbm>>
              %dma_wait3A_421 = arith.constant 0 : i32
              %dma_wait3A_422 = tpu.memref_slice %arg4[%mul3A_378, %dma_wait3A_421] : memref<8192x64xf32, #tpu.memory_space<hbm>> -> memref<8x64xf32, #tpu.memory_space<hbm>>
              tpu.wait_dma2 semaphore(%run_scoped3A : memref<!tpu.dma_semaphore, #tpu.memory_space<semaphore_mem>>) src(%dma_wait3A_422 : memref<8x64xf32, #tpu.memory_space<hbm>>) dst(%arg9 : memref<8x64xf32, #tpu.memory_space<vmem>>)
              tpu.yield
            }) : () -> ()
            %sub3A_379 = arith.subi %squeeze3A_174, %mul3A_378 : i32
            %get3A_380 = arith.index_cast %sub3A_379 : i32 to index
            %get3A_381 = arith.constant 0 : index
            %get3A_382 = tpu.vector_load %arg9[%get3A_380, %get3A_381] {strides = array<i32>} : memref<8x64xf32, #tpu.memory_space<vmem>>, vector<1x16xf32>,
            %get3A_383 = vector.shape_cast %get3A_382 : vector<1x16xf32> to vector<16xf32>
            %swap3A = arith.index_cast %add3A_172 : i32 to index
            %swap3A_384 = arith.constant 0 : index
            %swap3A_385 = tpu.vector_load %arg8[%swap3A, %swap3A_384] {strides = array<i32>} : memref<128x64xf32, #tpu.memory_space<vmem>>, vector<1x16xf32>,
            %swap3A_386 = vector.shape_cast %swap3A_385 : vector<1x16xf32> to vector<16xf32>
            %swap3A_387 = vector.shape_cast %get3A_383 : vector<16xf32> to vector<1x16xf32>
            tpu.vector_store %arg8[%swap3A, %swap3A_384], %swap3A_387 {strides = array<i32>} : memref<128x64xf32, #tpu.memory_space<vmem>>, vector<1x16xf32>,
            %get3A_388 = arith.index_cast %sub3A_379 : i32 to index
            %get3A_389 = arith.constant 16 : index
            %get3A_390 = tpu.vector_load %arg9[%get3A_388, %get3A_389] {strides = array<i32>} : memref<8x64xf32, #tpu.memory_space<vmem>>, vector<1x16xf32>,
            %get3A_391 = vector.shape_cast %get3A_390 : vector<1x16xf32> to vector<16xf32>
            %swap3A_392 = arith.index_cast %add3A_172 : i32 to index
            %swap3A_393 = arith.constant 16 : index
            %swap3A_394 = tpu.vector_load %arg8[%swap3A_392, %swap3A_393] {strides = array<i32>} : memref<128x64xf32, #tpu.memory_space<vmem>>, vector<1x16xf32>,
            %swap3A_395 = vector.shape_cast %swap3A_394 : vector<1x16xf32> to vector<16xf32>
            %swap3A_396 = vector.shape_cast %get3A_391 : vector<16xf32> to vector<1x16xf32>
            tpu.vector_store %arg8[%swap3A_392, %swap3A_393], %swap3A_396 {strides = array<i32>} : memref<128x64xf32, #tpu.memory_space<vmem>>, vector<1x16xf32>,
            %get3A_397 = arith.index_cast %sub3A_379 : i32 to index
            %get3A_398 = arith.constant 32 : index
            %get3A_399 = tpu.vector_load %arg9[%get3A_397, %get3A_398] {strides = array<i32>} : memref<8x64xf32, #tpu.memory_space<vmem>>, vector<1x16xf32>,
            %get3A_400 = vector.shape_cast %get3A_399 : vector<1x16xf32> to vector<16xf32>
            %swap3A_401 = arith.index_cast %add3A_172 : i32 to index
            %swap3A_402 = arith.constant 32 : index
            %swap3A_403 = tpu.vector_load %arg8[%swap3A_401, %swap3A_402] {strides = array<i32>} : memref<128x64xf32, #tpu.memory_space<vmem>>, vector<1x16xf32>,
            %swap3A_404 = vector.shape_cast %swap3A_403 : vector<1x16xf32> to vector<16xf32>
            %swap3A_405 = vector.shape_cast %get3A_400 : vector<16xf32> to vector<1x16xf32>
            tpu.vector_store %arg8[%swap3A_401, %swap3A_402], %swap3A_405 {strides = array<i32>} : memref<128x64xf32, #tpu.memory_space<vmem>>, vector<1x16xf32>,
            %get3A_406 = arith.index_cast %sub3A_379 : i32 to index
            %get3A_407 = arith.constant 48 : index
            %get3A_408 = tpu.vector_load %arg9[%get3A_406, %get3A_407] {strides = array<i32>} : memref<8x64xf32, #tpu.memory_space<vmem>>, vector<1x16xf32>,
            %get3A_409 = vector.shape_cast %get3A_408 : vector<1x16xf32> to vector<16xf32>
            %swap3A_410 = arith.index_cast %add3A_172 : i32 to index
            %swap3A_411 = arith.constant 48 : index
            %swap3A_412 = tpu.vector_load %arg8[%swap3A_410, %swap3A_411] {strides = array<i32>} : memref<128x64xf32, #tpu.memory_space<vmem>>, vector<1x16xf32>,
            %swap3A_413 = vector.shape_cast %swap3A_412 : vector<1x16xf32> to vector<16xf32>
            %swap3A_414 = vector.shape_cast %get3A_409 : vector<16xf32> to vector<1x16xf32>
            tpu.vector_store %arg8[%swap3A_410, %swap3A_411], %swap3A_414 {strides = array<i32>} : memref<128x64xf32, #tpu.memory_space<vmem>>, vector<1x16xf32>,
          } else {
          }
          %slice3A_178 = vector.extract_strided_slice %get3A_146 {offsets = [2], sizes = [1], strides = [1]} : vector<16xi32> to vector<1xi32>
          %squeeze3A_179 = vector.extract %slice3A_178[0] : i32 from vector<1xi32>
          %eq3A_180 = arith.constant 0 : i32
          %eq3A_181 = arith.cmpi eq, %squeeze3A_179, %eq3A_180 : i32
          %mul3A_182 = arith.constant 16 : i32
          %mul3A_183 = arith.muli %scan3A_138, %mul3A_182 : i32
          %add3A_184 = arith.constant 2 : i32
          %add3A_185 = arith.addi %mul3A_183, %add3A_184 : i32
          %slice3A_186 = vector.extract_strided_slice %get3A_151 {offsets = [2], sizes = [1], strides = [1]} : vector<16xi32> to vector<1xi32>
          %squeeze3A_187 = vector.extract %slice3A_186[0] : i32 from vector<1xi32>
          %convert_element_type3A_188 = arith.extui %eq3A_181 : i1 to i32
          %cond3A_189 = arith.constant 0 : i32
          %cond3A_190 = arith.cmpi ne, %convert_element_type3A_188, %cond3A_189 : i32
          scf.if %cond3A_190 {
            %jit3A = arith.constant 8 : i32
            %div3A = arith.divsi %squeeze3A_187, %jit3A : i32
            %sign3A = arith.constant 0 : i32
            %sign3A_361 = arith.cmpi sgt, %squeeze3A_187, %sign3A : i32
            %sign3A_362 = arith.extui %sign3A_361 : i1 to i32
            %sign3A_363 = arith.constant 0 : i32
            %sign3A_364 = arith.cmpi slt, %squeeze3A_187, %sign3A_363 : i32
            %sign3A_365 = arith.extui %sign3A_364 : i1 to i32
            %sign3A_366 = arith.subi %sign3A_362, %sign3A_365 : i32
            %sign3A_367 = arith.constant 0 : i32
            %sign3A_368 = arith.cmpi sgt, %jit3A, %sign3A_367 : i32
            %sign3A_369 = arith.extui %sign3A_368 : i1 to i32
            %sign3A_370 = arith.constant 0 : i32
            %sign3A_371 = arith.cmpi slt, %jit3A, %sign3A_370 : i32
            %sign3A_372 = arith.extui %sign3A_371 : i1 to i32
            %sign3A_373 = arith.subi %sign3A_369, %sign3A_372 : i32
            %ne3A = arith.cmpi ne, %sign3A_366, %sign3A_373 : i32
            %rem3A = arith.remsi %squeeze3A_187, %jit3A : i32
            %ne3A_374 = arith.constant 0 : i32
            %ne3A_375 = arith.cmpi ne, %rem3A, %ne3A_374 : i32
            %and3A = arith.andi %ne3A, %ne3A_375 : i1
            %sub3A = arith.constant 1 : i32
            %sub3A_376 = arith.subi %div3A, %sub3A : i32
            %select_n3A = arith.select %and3A, %sub3A_376, %div3A : i32
            %mul3A_377 = arith.constant 8 : i32
            %mul3A_378 = arith.muli %select_n3A, %mul3A_377 : i32
            "tpu.region"() ({
              %run_scoped3A = tpu.sem_alloc : memref<!tpu.dma_semaphore, #tpu.memory_space<semaphore_mem>>
              %dma_start3A_415 = arith.constant 0 : i32
              %dma_start3A_416 = tpu.memref_slice %arg4[%mul3A_378, %dma_start3A_415] : memref<8192x64xf32, #tpu.memory_space<hbm>> -> memref<8x64xf32, #tpu.memory_space<hbm>>
              %dma_start3A_417 = arith.constant 0 : i32
              %dma_start3A_418 = tpu.memref_slice %arg4[%mul3A_378, %dma_start3A_417] : memref<8192x64xf32, #tpu.memory_space<hbm>> -> memref<8x64xf32, #tpu.memory_space<hbm>>
              tpu.enqueue_dma source(%dma_start3A_418 : memref<8x64xf32, #tpu.memory_space<hbm>>) target(%arg9 : memref<8x64xf32, #tpu.memory_space<vmem>>) target_semaphore(%run_scoped3A : memref<!tpu.dma_semaphore, #tpu.memory_space<semaphore_mem>>)
              %dma_wait3A_419 = arith.constant 0 : i32
              %dma_wait3A_420 = tpu.memref_slice %arg4[%mul3A_378, %dma_wait3A_419] : memref<8192x64xf32, #tpu.memory_space<hbm>> -> memref<8x64xf32, #tpu.memory_space<hbm>>
              %dma_wait3A_421 = arith.constant 0 : i32
              %dma_wait3A_422 = tpu.memref_slice %arg4[%mul3A_378, %dma_wait3A_421] : memref<8192x64xf32, #tpu.memory_space<hbm>> -> memref<8x64xf32, #tpu.memory_space<hbm>>
              tpu.wait_dma2 semaphore(%run_scoped3A : memref<!tpu.dma_semaphore, #tpu.memory_space<semaphore_mem>>) src(%dma_wait3A_422 : memref<8x64xf32, #tpu.memory_space<hbm>>) dst(%arg9 : memref<8x64xf32, #tpu.memory_space<vmem>>)
              tpu.yield
            }) : () -> ()
            %sub3A_379 = arith.subi %squeeze3A_187, %mul3A_378 : i32
            %get3A_380 = arith.index_cast %sub3A_379 : i32 to index
            %get3A_381 = arith.constant 0 : index
            %get3A_382 = tpu.vector_load %arg9[%get3A_380, %get3A_381] {strides = array<i32>} : memref<8x64xf32, #tpu.memory_space<vmem>>, vector<1x16xf32>,
            %get3A_383 = vector.shape_cast %get3A_382 : vector<1x16xf32> to vector<16xf32>
            %swap3A = arith.index_cast %add3A_185 : i32 to index
            %swap3A_384 = arith.constant 0 : index
            %swap3A_385 = tpu.vector_load %arg8[%swap3A, %swap3A_384] {strides = array<i32>} : memref<128x64xf32, #tpu.memory_space<vmem>>, vector<1x16xf32>,
            %swap3A_386 = vector.shape_cast %swap3A_385 : vector<1x16xf32> to vector<16xf32>
            %swap3A_387 = vector.shape_cast %get3A_383 : vector<16xf32> to vector<1x16xf32>
            tpu.vector_store %arg8[%swap3A, %swap3A_384], %swap3A_387 {strides = array<i32>} : memref<128x64xf32, #tpu.memory_space<vmem>>, vector<1x16xf32>,
            %get3A_388 = arith.index_cast %sub3A_379 : i32 to index
            %get3A_389 = arith.constant 16 : index
            %get3A_390 = tpu.vector_load %arg9[%get3A_388, %get3A_389] {strides = array<i32>} : memref<8x64xf32, #tpu.memory_space<vmem>>, vector<1x16xf32>,
            %get3A_391 = vector.shape_cast %get3A_390 : vector<1x16xf32> to vector<16xf32>
            %swap3A_392 = arith.index_cast %add3A_185 : i32 to index
            %swap3A_393 = arith.constant 16 : index
            %swap3A_394 = tpu.vector_load %arg8[%swap3A_392, %swap3A_393] {strides = array<i32>} : memref<128x64xf32, #tpu.memory_space<vmem>>, vector<1x16xf32>,
            %swap3A_395 = vector.shape_cast %swap3A_394 : vector<1x16xf32> to vector<16xf32>
            %swap3A_396 = vector.shape_cast %get3A_391 : vector<16xf32> to vector<1x16xf32>
            tpu.vector_store %arg8[%swap3A_392, %swap3A_393], %swap3A_396 {strides = array<i32>} : memref<128x64xf32, #tpu.memory_space<vmem>>, vector<1x16xf32>,
            %get3A_397 = arith.index_cast %sub3A_379 : i32 to index
            %get3A_398 = arith.constant 32 : index
            %get3A_399 = tpu.vector_load %arg9[%get3A_397, %get3A_398] {strides = array<i32>} : memref<8x64xf32, #tpu.memory_space<vmem>>, vector<1x16xf32>,
            %get3A_400 = vector.shape_cast %get3A_399 : vector<1x16xf32> to vector<16xf32>
            %swap3A_401 = arith.index_cast %add3A_185 : i32 to index
            %swap3A_402 = arith.constant 32 : index
            %swap3A_403 = tpu.vector_load %arg8[%swap3A_401, %swap3A_402] {strides = array<i32>} : memref<128x64xf32, #tpu.memory_space<vmem>>, vector<1x16xf32>,
            %swap3A_404 = vector.shape_cast %swap3A_403 : vector<1x16xf32> to vector<16xf32>
            %swap3A_405 = vector.shape_cast %get3A_400 : vector<16xf32> to vector<1x16xf32>
            tpu.vector_store %arg8[%swap3A_401, %swap3A_402], %swap3A_405 {strides = array<i32>} : memref<128x64xf32, #tpu.memory_space<vmem>>, vector<1x16xf32>,
            %get3A_406 = arith.index_cast %sub3A_379 : i32 to index
            %get3A_407 = arith.constant 48 : index
            %get3A_408 = tpu.vector_load %arg9[%get3A_406, %get3A_407] {strides = array<i32>} : memref<8x64xf32, #tpu.memory_space<vmem>>, vector<1x16xf32>,
            %get3A_409 = vector.shape_cast %get3A_408 : vector<1x16xf32> to vector<16xf32>
            %swap3A_410 = arith.index_cast %add3A_185 : i32 to index
            %swap3A_411 = arith.constant 48 : index
            %swap3A_412 = tpu.vector_load %arg8[%swap3A_410, %swap3A_411] {strides = array<i32>} : memref<128x64xf32, #tpu.memory_space<vmem>>, vector<1x16xf32>,
            %swap3A_413 = vector.shape_cast %swap3A_412 : vector<1x16xf32> to vector<16xf32>
            %swap3A_414 = vector.shape_cast %get3A_409 : vector<16xf32> to vector<1x16xf32>
            tpu.vector_store %arg8[%swap3A_410, %swap3A_411], %swap3A_414 {strides = array<i32>} : memref<128x64xf32, #tpu.memory_space<vmem>>, vector<1x16xf32>,
          } else {
          }
          %slice3A_191 = vector.extract_strided_slice %get3A_146 {offsets = [3], sizes = [1], strides = [1]} : vector<16xi32> to vector<1xi32>
          %squeeze3A_192 = vector.extract %slice3A_191[0] : i32 from vector<1xi32>
          %eq3A_193 = arith.constant 0 : i32
          %eq3A_194 = arith.cmpi eq, %squeeze3A_192, %eq3A_193 : i32
          %mul3A_195 = arith.constant 16 : i32
          %mul3A_196 = arith.muli %scan3A_138, %mul3A_195 : i32
          %add3A_197 = arith.constant 3 : i32
          %add3A_198 = arith.addi %mul3A_196, %add3A_197 : i32
          %slice3A_199 = vector.extract_strided_slice %get3A_151 {offsets = [3], sizes = [1], strides = [1]} : vector<16xi32> to vector<1xi32>
          %squeeze3A_200 = vector.extract %slice3A_199[0] : i32 from vector<1xi32>
          %convert_element_type3A_201 = arith.extui %eq3A_194 : i1 to i32
          %cond3A_202 = arith.constant 0 : i32
          %cond3A_203 = arith.cmpi ne, %convert_element_type3A_201, %cond3A_202 : i32
          scf.if %cond3A_203 {
            %jit3A = arith.constant 8 : i32
            %div3A = arith.divsi %squeeze3A_200, %jit3A : i32
            %sign3A = arith.constant 0 : i32
            %sign3A_361 = arith.cmpi sgt, %squeeze3A_200, %sign3A : i32
            %sign3A_362 = arith.extui %sign3A_361 : i1 to i32
            %sign3A_363 = arith.constant 0 : i32
            %sign3A_364 = arith.cmpi slt, %squeeze3A_200, %sign3A_363 : i32
            %sign3A_365 = arith.extui %sign3A_364 : i1 to i32
            %sign3A_366 = arith.subi %sign3A_362, %sign3A_365 : i32
            %sign3A_367 = arith.constant 0 : i32
            %sign3A_368 = arith.cmpi sgt, %jit3A, %sign3A_367 : i32
            %sign3A_369 = arith.extui %sign3A_368 : i1 to i32
            %sign3A_370 = arith.constant 0 : i32
            %sign3A_371 = arith.cmpi slt, %jit3A, %sign3A_370 : i32
            %sign3A_372 = arith.extui %sign3A_371 : i1 to i32
            %sign3A_373 = arith.subi %sign3A_369, %sign3A_372 : i32
            %ne3A = arith.cmpi ne, %sign3A_366, %sign3A_373 : i32
            %rem3A = arith.remsi %squeeze3A_200, %jit3A : i32
            %ne3A_374 = arith.constant 0 : i32
            %ne3A_375 = arith.cmpi ne, %rem3A, %ne3A_374 : i32
            %and3A = arith.andi %ne3A, %ne3A_375 : i1
            %sub3A = arith.constant 1 : i32
            %sub3A_376 = arith.subi %div3A, %sub3A : i32
            %select_n3A = arith.select %and3A, %sub3A_376, %div3A : i32
            %mul3A_377 = arith.constant 8 : i32
            %mul3A_378 = arith.muli %select_n3A, %mul3A_377 : i32
            "tpu.region"() ({
              %run_scoped3A = tpu.sem_alloc : memref<!tpu.dma_semaphore, #tpu.memory_space<semaphore_mem>>
              %dma_start3A_415 = arith.constant 0 : i32
              %dma_start3A_416 = tpu.memref_slice %arg4[%mul3A_378, %dma_start3A_415] : memref<8192x64xf32, #tpu.memory_space<hbm>> -> memref<8x64xf32, #tpu.memory_space<hbm>>
              %dma_start3A_417 = arith.constant 0 : i32
              %dma_start3A_418 = tpu.memref_slice %arg4[%mul3A_378, %dma_start3A_417] : memref<8192x64xf32, #tpu.memory_space<hbm>> -> memref<8x64xf32, #tpu.memory_space<hbm>>
              tpu.enqueue_dma source(%dma_start3A_418 : memref<8x64xf32, #tpu.memory_space<hbm>>) target(%arg9 : memref<8x64xf32, #tpu.memory_space<vmem>>) target_semaphore(%run_scoped3A : memref<!tpu.dma_semaphore, #tpu.memory_space<semaphore_mem>>)
              %dma_wait3A_419 = arith.constant 0 : i32
              %dma_wait3A_420 = tpu.memref_slice %arg4[%mul3A_378, %dma_wait3A_419] : memref<8192x64xf32, #tpu.memory_space<hbm>> -> memref<8x64xf32, #tpu.memory_space<hbm>>
              %dma_wait3A_421 = arith.constant 0 : i32
              %dma_wait3A_422 = tpu.memref_slice %arg4[%mul3A_378, %dma_wait3A_421] : memref<8192x64xf32, #tpu.memory_space<hbm>> -> memref<8x64xf32, #tpu.memory_space<hbm>>
              tpu.wait_dma2 semaphore(%run_scoped3A : memref<!tpu.dma_semaphore, #tpu.memory_space<semaphore_mem>>) src(%dma_wait3A_422 : memref<8x64xf32, #tpu.memory_space<hbm>>) dst(%arg9 : memref<8x64xf32, #tpu.memory_space<vmem>>)
              tpu.yield
            }) : () -> ()
            %sub3A_379 = arith.subi %squeeze3A_200, %mul3A_378 : i32
            %get3A_380 = arith.index_cast %sub3A_379 : i32 to index
            %get3A_381 = arith.constant 0 : index
            %get3A_382 = tpu.vector_load %arg9[%get3A_380, %get3A_381] {strides = array<i32>} : memref<8x64xf32, #tpu.memory_space<vmem>>, vector<1x16xf32>,
            %get3A_383 = vector.shape_cast %get3A_382 : vector<1x16xf32> to vector<16xf32>
            %swap3A = arith.index_cast %add3A_198 : i32 to index
            %swap3A_384 = arith.constant 0 : index
            %swap3A_385 = tpu.vector_load %arg8[%swap3A, %swap3A_384] {strides = array<i32>} : memref<128x64xf32, #tpu.memory_space<vmem>>, vector<1x16xf32>,
            %swap3A_386 = vector.shape_cast %swap3A_385 : vector<1x16xf32> to vector<16xf32>
            %swap3A_387 = vector.shape_cast %get3A_383 : vector<16xf32> to vector<1x16xf32>
            tpu.vector_store %arg8[%swap3A, %swap3A_384], %swap3A_387 {strides = array<i32>} : memref<128x64xf32, #tpu.memory_space<vmem>>, vector<1x16xf32>,
            %get3A_388 = arith.index_cast %sub3A_379 : i32 to index
            %get3A_389 = arith.constant 16 : index
            %get3A_390 = tpu.vector_load %arg9[%get3A_388, %get3A_389] {strides = array<i32>} : memref<8x64xf32, #tpu.memory_space<vmem>>, vector<1x16xf32>,
            %get3A_391 = vector.shape_cast %get3A_390 : vector<1x16xf32> to vector<16xf32>
            %swap3A_392 = arith.index_cast %add3A_198 : i32 to index
            %swap3A_393 = arith.constant 16 : index
            %swap3A_394 = tpu.vector_load %arg8[%swap3A_392, %swap3A_393] {strides = array<i32>} : memref<128x64xf32, #tpu.memory_space<vmem>>, vector<1x16xf32>,
            %swap3A_395 = vector.shape_cast %swap3A_394 : vector<1x16xf32> to vector<16xf32>
            %swap3A_396 = vector.shape_cast %get3A_391 : vector<16xf32> to vector<1x16xf32>
            tpu.vector_store %arg8[%swap3A_392, %swap3A_393], %swap3A_396 {strides = array<i32>} : memref<128x64xf32, #tpu.memory_space<vmem>>, vector<1x16xf32>,
            %get3A_397 = arith.index_cast %sub3A_379 : i32 to index
            %get3A_398 = arith.constant 32 : index
            %get3A_399 = tpu.vector_load %arg9[%get3A_397, %get3A_398] {strides = array<i32>} : memref<8x64xf32, #tpu.memory_space<vmem>>, vector<1x16xf32>,
            %get3A_400 = vector.shape_cast %get3A_399 : vector<1x16xf32> to vector<16xf32>
            %swap3A_401 = arith.index_cast %add3A_198 : i32 to index
            %swap3A_402 = arith.constant 32 : index
            %swap3A_403 = tpu.vector_load %arg8[%swap3A_401, %swap3A_402] {strides = array<i32>} : memref<128x64xf32, #tpu.memory_space<vmem>>, vector<1x16xf32>,
            %swap3A_404 = vector.shape_cast %swap3A_403 : vector<1x16xf32> to vector<16xf32>
            %swap3A_405 = vector.shape_cast %get3A_400 : vector<16xf32> to vector<1x16xf32>
            tpu.vector_store %arg8[%swap3A_401, %swap3A_402], %swap3A_405 {strides = array<i32>} : memref<128x64xf32, #tpu.memory_space<vmem>>, vector<1x16xf32>,
            %get3A_406 = arith.index_cast %sub3A_379 : i32 to index
            %get3A_407 = arith.constant 48 : index
            %get3A_408 = tpu.vector_load %arg9[%get3A_406, %get3A_407] {strides = array<i32>} : memref<8x64xf32, #tpu.memory_space<vmem>>, vector<1x16xf32>,
            %get3A_409 = vector.shape_cast %get3A_408 : vector<1x16xf32> to vector<16xf32>
            %swap3A_410 = arith.index_cast %add3A_198 : i32 to index
            %swap3A_411 = arith.constant 48 : index
            %swap3A_412 = tpu.vector_load %arg8[%swap3A_410, %swap3A_411] {strides = array<i32>} : memref<128x64xf32, #tpu.memory_space<vmem>>, vector<1x16xf32>,
            %swap3A_413 = vector.shape_cast %swap3A_412 : vector<1x16xf32> to vector<16xf32>
            %swap3A_414 = vector.shape_cast %get3A_409 : vector<16xf32> to vector<1x16xf32>
            tpu.vector_store %arg8[%swap3A_410, %swap3A_411], %swap3A_414 {strides = array<i32>} : memref<128x64xf32, #tpu.memory_space<vmem>>, vector<1x16xf32>,
          } else {
          }
          %slice3A_204 = vector.extract_strided_slice %get3A_146 {offsets = [4], sizes = [1], strides = [1]} : vector<16xi32> to vector<1xi32>
          %squeeze3A_205 = vector.extract %slice3A_204[0] : i32 from vector<1xi32>
          %eq3A_206 = arith.constant 0 : i32
          %eq3A_207 = arith.cmpi eq, %squeeze3A_205, %eq3A_206 : i32
          %mul3A_208 = arith.constant 16 : i32
          %mul3A_209 = arith.muli %scan3A_138, %mul3A_208 : i32
          %add3A_210 = arith.constant 4 : i32
          %add3A_211 = arith.addi %mul3A_209, %add3A_210 : i32
          %slice3A_212 = vector.extract_strided_slice %get3A_151 {offsets = [4], sizes = [1], strides = [1]} : vector<16xi32> to vector<1xi32>
          %squeeze3A_213 = vector.extract %slice3A_212[0] : i32 from vector<1xi32>
          %convert_element_type3A_214 = arith.extui %eq3A_207 : i1 to i32
          %cond3A_215 = arith.constant 0 : i32
          %cond3A_216 = arith.cmpi ne, %convert_element_type3A_214, %cond3A_215 : i32
          scf.if %cond3A_216 {
            %jit3A = arith.constant 8 : i32
            %div3A = arith.divsi %squeeze3A_213, %jit3A : i32
            %sign3A = arith.constant 0 : i32
            %sign3A_361 = arith.cmpi sgt, %squeeze3A_213, %sign3A : i32
            %sign3A_362 = arith.extui %sign3A_361 : i1 to i32
            %sign3A_363 = arith.constant 0 : i32
            %sign3A_364 = arith.cmpi slt, %squeeze3A_213, %sign3A_363 : i32
            %sign3A_365 = arith.extui %sign3A_364 : i1 to i32
            %sign3A_366 = arith.subi %sign3A_362, %sign3A_365 : i32
            %sign3A_367 = arith.constant 0 : i32
            %sign3A_368 = arith.cmpi sgt, %jit3A, %sign3A_367 : i32
            %sign3A_369 = arith.extui %sign3A_368 : i1 to i32
            %sign3A_370 = arith.constant 0 : i32
            %sign3A_371 = arith.cmpi slt, %jit3A, %sign3A_370 : i32
            %sign3A_372 = arith.extui %sign3A_371 : i1 to i32
            %sign3A_373 = arith.subi %sign3A_369, %sign3A_372 : i32
            %ne3A = arith.cmpi ne, %sign3A_366, %sign3A_373 : i32
            %rem3A = arith.remsi %squeeze3A_213, %jit3A : i32
            %ne3A_374 = arith.constant 0 : i32
            %ne3A_375 = arith.cmpi ne, %rem3A, %ne3A_374 : i32
            %and3A = arith.andi %ne3A, %ne3A_375 : i1
            %sub3A = arith.constant 1 : i32
            %sub3A_376 = arith.subi %div3A, %sub3A : i32
            %select_n3A = arith.select %and3A, %sub3A_376, %div3A : i32
            %mul3A_377 = arith.constant 8 : i32
            %mul3A_378 = arith.muli %select_n3A, %mul3A_377 : i32
            "tpu.region"() ({
              %run_scoped3A = tpu.sem_alloc : memref<!tpu.dma_semaphore, #tpu.memory_space<semaphore_mem>>
              %dma_start3A_415 = arith.constant 0 : i32
              %dma_start3A_416 = tpu.memref_slice %arg4[%mul3A_378, %dma_start3A_415] : memref<8192x64xf32, #tpu.memory_space<hbm>> -> memref<8x64xf32, #tpu.memory_space<hbm>>
              %dma_start3A_417 = arith.constant 0 : i32
              %dma_start3A_418 = tpu.memref_slice %arg4[%mul3A_378, %dma_start3A_417] : memref<8192x64xf32, #tpu.memory_space<hbm>> -> memref<8x64xf32, #tpu.memory_space<hbm>>
              tpu.enqueue_dma source(%dma_start3A_418 : memref<8x64xf32, #tpu.memory_space<hbm>>) target(%arg9 : memref<8x64xf32, #tpu.memory_space<vmem>>) target_semaphore(%run_scoped3A : memref<!tpu.dma_semaphore, #tpu.memory_space<semaphore_mem>>)
              %dma_wait3A_419 = arith.constant 0 : i32
              %dma_wait3A_420 = tpu.memref_slice %arg4[%mul3A_378, %dma_wait3A_419] : memref<8192x64xf32, #tpu.memory_space<hbm>> -> memref<8x64xf32, #tpu.memory_space<hbm>>
              %dma_wait3A_421 = arith.constant 0 : i32
              %dma_wait3A_422 = tpu.memref_slice %arg4[%mul3A_378, %dma_wait3A_421] : memref<8192x64xf32, #tpu.memory_space<hbm>> -> memref<8x64xf32, #tpu.memory_space<hbm>>
              tpu.wait_dma2 semaphore(%run_scoped3A : memref<!tpu.dma_semaphore, #tpu.memory_space<semaphore_mem>>) src(%dma_wait3A_422 : memref<8x64xf32, #tpu.memory_space<hbm>>) dst(%arg9 : memref<8x64xf32, #tpu.memory_space<vmem>>)
              tpu.yield
            }) : () -> ()
            %sub3A_379 = arith.subi %squeeze3A_213, %mul3A_378 : i32
            %get3A_380 = arith.index_cast %sub3A_379 : i32 to index
            %get3A_381 = arith.constant 0 : index
            %get3A_382 = tpu.vector_load %arg9[%get3A_380, %get3A_381] {strides = array<i32>} : memref<8x64xf32, #tpu.memory_space<vmem>>, vector<1x16xf32>,
            %get3A_383 = vector.shape_cast %get3A_382 : vector<1x16xf32> to vector<16xf32>
            %swap3A = arith.index_cast %add3A_211 : i32 to index
            %swap3A_384 = arith.constant 0 : index
            %swap3A_385 = tpu.vector_load %arg8[%swap3A, %swap3A_384] {strides = array<i32>} : memref<128x64xf32, #tpu.memory_space<vmem>>, vector<1x16xf32>,
            %swap3A_386 = vector.shape_cast %swap3A_385 : vector<1x16xf32> to vector<16xf32>
            %swap3A_387 = vector.shape_cast %get3A_383 : vector<16xf32> to vector<1x16xf32>
            tpu.vector_store %arg8[%swap3A, %swap3A_384], %swap3A_387 {strides = array<i32>} : memref<128x64xf32, #tpu.memory_space<vmem>>, vector<1x16xf32>,
            %get3A_388 = arith.index_cast %sub3A_379 : i32 to index
            %get3A_389 = arith.constant 16 : index
            %get3A_390 = tpu.vector_load %arg9[%get3A_388, %get3A_389] {strides = array<i32>} : memref<8x64xf32, #tpu.memory_space<vmem>>, vector<1x16xf32>,
            %get3A_391 = vector.shape_cast %get3A_390 : vector<1x16xf32> to vector<16xf32>
            %swap3A_392 = arith.index_cast %add3A_211 : i32 to index
            %swap3A_393 = arith.constant 16 : index
            %swap3A_394 = tpu.vector_load %arg8[%swap3A_392, %swap3A_393] {strides = array<i32>} : memref<128x64xf32, #tpu.memory_space<vmem>>, vector<1x16xf32>,
            %swap3A_395 = vector.shape_cast %swap3A_394 : vector<1x16xf32> to vector<16xf32>
            %swap3A_396 = vector.shape_cast %get3A_391 : vector<16xf32> to vector<1x16xf32>
            tpu.vector_store %arg8[%swap3A_392, %swap3A_393], %swap3A_396 {strides = array<i32>} : memref<128x64xf32, #tpu.memory_space<vmem>>, vector<1x16xf32>,
            %get3A_397 = arith.index_cast %sub3A_379 : i32 to index
            %get3A_398 = arith.constant 32 : index
            %get3A_399 = tpu.vector_load %arg9[%get3A_397, %get3A_398] {strides = array<i32>} : memref<8x64xf32, #tpu.memory_space<vmem>>, vector<1x16xf32>,
            %get3A_400 = vector.shape_cast %get3A_399 : vector<1x16xf32> to vector<16xf32>
            %swap3A_401 = arith.index_cast %add3A_211 : i32 to index
            %swap3A_402 = arith.constant 32 : index
            %swap3A_403 = tpu.vector_load %arg8[%swap3A_401, %swap3A_402] {strides = array<i32>} : memref<128x64xf32, #tpu.memory_space<vmem>>, vector<1x16xf32>,
            %swap3A_404 = vector.shape_cast %swap3A_403 : vector<1x16xf32> to vector<16xf32>
            %swap3A_405 = vector.shape_cast %get3A_400 : vector<16xf32> to vector<1x16xf32>
            tpu.vector_store %arg8[%swap3A_401, %swap3A_402], %swap3A_405 {strides = array<i32>} : memref<128x64xf32, #tpu.memory_space<vmem>>, vector<1x16xf32>,
            %get3A_406 = arith.index_cast %sub3A_379 : i32 to index
            %get3A_407 = arith.constant 48 : index
            %get3A_408 = tpu.vector_load %arg9[%get3A_406, %get3A_407] {strides = array<i32>} : memref<8x64xf32, #tpu.memory_space<vmem>>, vector<1x16xf32>,
            %get3A_409 = vector.shape_cast %get3A_408 : vector<1x16xf32> to vector<16xf32>
            %swap3A_410 = arith.index_cast %add3A_211 : i32 to index
            %swap3A_411 = arith.constant 48 : index
            %swap3A_412 = tpu.vector_load %arg8[%swap3A_410, %swap3A_411] {strides = array<i32>} : memref<128x64xf32, #tpu.memory_space<vmem>>, vector<1x16xf32>,
            %swap3A_413 = vector.shape_cast %swap3A_412 : vector<1x16xf32> to vector<16xf32>
            %swap3A_414 = vector.shape_cast %get3A_409 : vector<16xf32> to vector<1x16xf32>
            tpu.vector_store %arg8[%swap3A_410, %swap3A_411], %swap3A_414 {strides = array<i32>} : memref<128x64xf32, #tpu.memory_space<vmem>>, vector<1x16xf32>,
          } else {
          }
          %slice3A_217 = vector.extract_strided_slice %get3A_146 {offsets = [5], sizes = [1], strides = [1]} : vector<16xi32> to vector<1xi32>
          %squeeze3A_218 = vector.extract %slice3A_217[0] : i32 from vector<1xi32>
          %eq3A_219 = arith.constant 0 : i32
          %eq3A_220 = arith.cmpi eq, %squeeze3A_218, %eq3A_219 : i32
          %mul3A_221 = arith.constant 16 : i32
          %mul3A_222 = arith.muli %scan3A_138, %mul3A_221 : i32
          %add3A_223 = arith.constant 5 : i32
          %add3A_224 = arith.addi %mul3A_222, %add3A_223 : i32
          %slice3A_225 = vector.extract_strided_slice %get3A_151 {offsets = [5], sizes = [1], strides = [1]} : vector<16xi32> to vector<1xi32>
          %squeeze3A_226 = vector.extract %slice3A_225[0] : i32 from vector<1xi32>
          %convert_element_type3A_227 = arith.extui %eq3A_220 : i1 to i32
          %cond3A_228 = arith.constant 0 : i32
          %cond3A_229 = arith.cmpi ne, %convert_element_type3A_227, %cond3A_228 : i32
          scf.if %cond3A_229 {
            %jit3A = arith.constant 8 : i32
            %div3A = arith.divsi %squeeze3A_226, %jit3A : i32
            %sign3A = arith.constant 0 : i32
            %sign3A_361 = arith.cmpi sgt, %squeeze3A_226, %sign3A : i32
            %sign3A_362 = arith.extui %sign3A_361 : i1 to i32
            %sign3A_363 = arith.constant 0 : i32
            %sign3A_364 = arith.cmpi slt, %squeeze3A_226, %sign3A_363 : i32
            %sign3A_365 = arith.extui %sign3A_364 : i1 to i32
            %sign3A_366 = arith.subi %sign3A_362, %sign3A_365 : i32
            %sign3A_367 = arith.constant 0 : i32
            %sign3A_368 = arith.cmpi sgt, %jit3A, %sign3A_367 : i32
            %sign3A_369 = arith.extui %sign3A_368 : i1 to i32
            %sign3A_370 = arith.constant 0 : i32
            %sign3A_371 = arith.cmpi slt, %jit3A, %sign3A_370 : i32
            %sign3A_372 = arith.extui %sign3A_371 : i1 to i32
            %sign3A_373 = arith.subi %sign3A_369, %sign3A_372 : i32
            %ne3A = arith.cmpi ne, %sign3A_366, %sign3A_373 : i32
            %rem3A = arith.remsi %squeeze3A_226, %jit3A : i32
            %ne3A_374 = arith.constant 0 : i32
            %ne3A_375 = arith.cmpi ne, %rem3A, %ne3A_374 : i32
            %and3A = arith.andi %ne3A, %ne3A_375 : i1
            %sub3A = arith.constant 1 : i32
            %sub3A_376 = arith.subi %div3A, %sub3A : i32
            %select_n3A = arith.select %and3A, %sub3A_376, %div3A : i32
            %mul3A_377 = arith.constant 8 : i32
            %mul3A_378 = arith.muli %select_n3A, %mul3A_377 : i32
            "tpu.region"() ({
              %run_scoped3A = tpu.sem_alloc : memref<!tpu.dma_semaphore, #tpu.memory_space<semaphore_mem>>
              %dma_start3A_415 = arith.constant 0 : i32
              %dma_start3A_416 = tpu.memref_slice %arg4[%mul3A_378, %dma_start3A_415] : memref<8192x64xf32, #tpu.memory_space<hbm>> -> memref<8x64xf32, #tpu.memory_space<hbm>>
              %dma_start3A_417 = arith.constant 0 : i32
              %dma_start3A_418 = tpu.memref_slice %arg4[%mul3A_378, %dma_start3A_417] : memref<8192x64xf32, #tpu.memory_space<hbm>> -> memref<8x64xf32, #tpu.memory_space<hbm>>
              tpu.enqueue_dma source(%dma_start3A_418 : memref<8x64xf32, #tpu.memory_space<hbm>>) target(%arg9 : memref<8x64xf32, #tpu.memory_space<vmem>>) target_semaphore(%run_scoped3A : memref<!tpu.dma_semaphore, #tpu.memory_space<semaphore_mem>>)
              %dma_wait3A_419 = arith.constant 0 : i32
              %dma_wait3A_420 = tpu.memref_slice %arg4[%mul3A_378, %dma_wait3A_419] : memref<8192x64xf32, #tpu.memory_space<hbm>> -> memref<8x64xf32, #tpu.memory_space<hbm>>
              %dma_wait3A_421 = arith.constant 0 : i32
              %dma_wait3A_422 = tpu.memref_slice %arg4[%mul3A_378, %dma_wait3A_421] : memref<8192x64xf32, #tpu.memory_space<hbm>> -> memref<8x64xf32, #tpu.memory_space<hbm>>
              tpu.wait_dma2 semaphore(%run_scoped3A : memref<!tpu.dma_semaphore, #tpu.memory_space<semaphore_mem>>) src(%dma_wait3A_422 : memref<8x64xf32, #tpu.memory_space<hbm>>) dst(%arg9 : memref<8x64xf32, #tpu.memory_space<vmem>>)
              tpu.yield
            }) : () -> ()
            %sub3A_379 = arith.subi %squeeze3A_226, %mul3A_378 : i32
            %get3A_380 = arith.index_cast %sub3A_379 : i32 to index
            %get3A_381 = arith.constant 0 : index
            %get3A_382 = tpu.vector_load %arg9[%get3A_380, %get3A_381] {strides = array<i32>} : memref<8x64xf32, #tpu.memory_space<vmem>>, vector<1x16xf32>,
            %get3A_383 = vector.shape_cast %get3A_382 : vector<1x16xf32> to vector<16xf32>
            %swap3A = arith.index_cast %add3A_224 : i32 to index
            %swap3A_384 = arith.constant 0 : index
            %swap3A_385 = tpu.vector_load %arg8[%swap3A, %swap3A_384] {strides = array<i32>} : memref<128x64xf32, #tpu.memory_space<vmem>>, vector<1x16xf32>,
            %swap3A_386 = vector.shape_cast %swap3A_385 : vector<1x16xf32> to vector<16xf32>
            %swap3A_387 = vector.shape_cast %get3A_383 : vector<16xf32> to vector<1x16xf32>
            tpu.vector_store %arg8[%swap3A, %swap3A_384], %swap3A_387 {strides = array<i32>} : memref<128x64xf32, #tpu.memory_space<vmem>>, vector<1x16xf32>,
            %get3A_388 = arith.index_cast %sub3A_379 : i32 to index
            %get3A_389 = arith.constant 16 : index
            %get3A_390 = tpu.vector_load %arg9[%get3A_388, %get3A_389] {strides = array<i32>} : memref<8x64xf32, #tpu.memory_space<vmem>>, vector<1x16xf32>,
            %get3A_391 = vector.shape_cast %get3A_390 : vector<1x16xf32> to vector<16xf32>
            %swap3A_392 = arith.index_cast %add3A_224 : i32 to index
            %swap3A_393 = arith.constant 16 : index
            %swap3A_394 = tpu.vector_load %arg8[%swap3A_392, %swap3A_393] {strides = array<i32>} : memref<128x64xf32, #tpu.memory_space<vmem>>, vector<1x16xf32>,
            %swap3A_395 = vector.shape_cast %swap3A_394 : vector<1x16xf32> to vector<16xf32>
            %swap3A_396 = vector.shape_cast %get3A_391 : vector<16xf32> to vector<1x16xf32>
            tpu.vector_store %arg8[%swap3A_392, %swap3A_393], %swap3A_396 {strides = array<i32>} : memref<128x64xf32, #tpu.memory_space<vmem>>, vector<1x16xf32>,
            %get3A_397 = arith.index_cast %sub3A_379 : i32 to index
            %get3A_398 = arith.constant 32 : index
            %get3A_399 = tpu.vector_load %arg9[%get3A_397, %get3A_398] {strides = array<i32>} : memref<8x64xf32, #tpu.memory_space<vmem>>, vector<1x16xf32>,
            %get3A_400 = vector.shape_cast %get3A_399 : vector<1x16xf32> to vector<16xf32>
            %swap3A_401 = arith.index_cast %add3A_224 : i32 to index
            %swap3A_402 = arith.constant 32 : index
            %swap3A_403 = tpu.vector_load %arg8[%swap3A_401, %swap3A_402] {strides = array<i32>} : memref<128x64xf32, #tpu.memory_space<vmem>>, vector<1x16xf32>,
            %swap3A_404 = vector.shape_cast %swap3A_403 : vector<1x16xf32> to vector<16xf32>
            %swap3A_405 = vector.shape_cast %get3A_400 : vector<16xf32> to vector<1x16xf32>
            tpu.vector_store %arg8[%swap3A_401, %swap3A_402], %swap3A_405 {strides = array<i32>} : memref<128x64xf32, #tpu.memory_space<vmem>>, vector<1x16xf32>,
            %get3A_406 = arith.index_cast %sub3A_379 : i32 to index
            %get3A_407 = arith.constant 48 : index
            %get3A_408 = tpu.vector_load %arg9[%get3A_406, %get3A_407] {strides = array<i32>} : memref<8x64xf32, #tpu.memory_space<vmem>>, vector<1x16xf32>,
            %get3A_409 = vector.shape_cast %get3A_408 : vector<1x16xf32> to vector<16xf32>
            %swap3A_410 = arith.index_cast %add3A_224 : i32 to index
            %swap3A_411 = arith.constant 48 : index
            %swap3A_412 = tpu.vector_load %arg8[%swap3A_410, %swap3A_411] {strides = array<i32>} : memref<128x64xf32, #tpu.memory_space<vmem>>, vector<1x16xf32>,
            %swap3A_413 = vector.shape_cast %swap3A_412 : vector<1x16xf32> to vector<16xf32>
            %swap3A_414 = vector.shape_cast %get3A_409 : vector<16xf32> to vector<1x16xf32>
            tpu.vector_store %arg8[%swap3A_410, %swap3A_411], %swap3A_414 {strides = array<i32>} : memref<128x64xf32, #tpu.memory_space<vmem>>, vector<1x16xf32>,
          } else {
          }
          %slice3A_230 = vector.extract_strided_slice %get3A_146 {offsets = [6], sizes = [1], strides = [1]} : vector<16xi32> to vector<1xi32>
          %squeeze3A_231 = vector.extract %slice3A_230[0] : i32 from vector<1xi32>
          %eq3A_232 = arith.constant 0 : i32
          %eq3A_233 = arith.cmpi eq, %squeeze3A_231, %eq3A_232 : i32
          %mul3A_234 = arith.constant 16 : i32
          %mul3A_235 = arith.muli %scan3A_138, %mul3A_234 : i32
          %add3A_236 = arith.constant 6 : i32
          %add3A_237 = arith.addi %mul3A_235, %add3A_236 : i32
          %slice3A_238 = vector.extract_strided_slice %get3A_151 {offsets = [6], sizes = [1], strides = [1]} : vector<16xi32> to vector<1xi32>
          %squeeze3A_239 = vector.extract %slice3A_238[0] : i32 from vector<1xi32>
          %convert_element_type3A_240 = arith.extui %eq3A_233 : i1 to i32
          %cond3A_241 = arith.constant 0 : i32
          %cond3A_242 = arith.cmpi ne, %convert_element_type3A_240, %cond3A_241 : i32
          scf.if %cond3A_242 {
            %jit3A = arith.constant 8 : i32
            %div3A = arith.divsi %squeeze3A_239, %jit3A : i32
            %sign3A = arith.constant 0 : i32
            %sign3A_361 = arith.cmpi sgt, %squeeze3A_239, %sign3A : i32
            %sign3A_362 = arith.extui %sign3A_361 : i1 to i32
            %sign3A_363 = arith.constant 0 : i32
            %sign3A_364 = arith.cmpi slt, %squeeze3A_239, %sign3A_363 : i32
            %sign3A_365 = arith.extui %sign3A_364 : i1 to i32
            %sign3A_366 = arith.subi %sign3A_362, %sign3A_365 : i32
            %sign3A_367 = arith.constant 0 : i32
            %sign3A_368 = arith.cmpi sgt, %jit3A, %sign3A_367 : i32
            %sign3A_369 = arith.extui %sign3A_368 : i1 to i32
            %sign3A_370 = arith.constant 0 : i32
            %sign3A_371 = arith.cmpi slt, %jit3A, %sign3A_370 : i32
            %sign3A_372 = arith.extui %sign3A_371 : i1 to i32
            %sign3A_373 = arith.subi %sign3A_369, %sign3A_372 : i32
            %ne3A = arith.cmpi ne, %sign3A_366, %sign3A_373 : i32
            %rem3A = arith.remsi %squeeze3A_239, %jit3A : i32
            %ne3A_374 = arith.constant 0 : i32
            %ne3A_375 = arith.cmpi ne, %rem3A, %ne3A_374 : i32
            %and3A = arith.andi %ne3A, %ne3A_375 : i1
            %sub3A = arith.constant 1 : i32
            %sub3A_376 = arith.subi %div3A, %sub3A : i32
            %select_n3A = arith.select %and3A, %sub3A_376, %div3A : i32
            %mul3A_377 = arith.constant 8 : i32
            %mul3A_378 = arith.muli %select_n3A, %mul3A_377 : i32
            "tpu.region"() ({
              %run_scoped3A = tpu.sem_alloc : memref<!tpu.dma_semaphore, #tpu.memory_space<semaphore_mem>>
              %dma_start3A_415 = arith.constant 0 : i32
              %dma_start3A_416 = tpu.memref_slice %arg4[%mul3A_378, %dma_start3A_415] : memref<8192x64xf32, #tpu.memory_space<hbm>> -> memref<8x64xf32, #tpu.memory_space<hbm>>
              %dma_start3A_417 = arith.constant 0 : i32
              %dma_start3A_418 = tpu.memref_slice %arg4[%mul3A_378, %dma_start3A_417] : memref<8192x64xf32, #tpu.memory_space<hbm>> -> memref<8x64xf32, #tpu.memory_space<hbm>>
              tpu.enqueue_dma source(%dma_start3A_418 : memref<8x64xf32, #tpu.memory_space<hbm>>) target(%arg9 : memref<8x64xf32, #tpu.memory_space<vmem>>) target_semaphore(%run_scoped3A : memref<!tpu.dma_semaphore, #tpu.memory_space<semaphore_mem>>)
              %dma_wait3A_419 = arith.constant 0 : i32
              %dma_wait3A_420 = tpu.memref_slice %arg4[%mul3A_378, %dma_wait3A_419] : memref<8192x64xf32, #tpu.memory_space<hbm>> -> memref<8x64xf32, #tpu.memory_space<hbm>>
              %dma_wait3A_421 = arith.constant 0 : i32
              %dma_wait3A_422 = tpu.memref_slice %arg4[%mul3A_378, %dma_wait3A_421] : memref<8192x64xf32, #tpu.memory_space<hbm>> -> memref<8x64xf32, #tpu.memory_space<hbm>>
              tpu.wait_dma2 semaphore(%run_scoped3A : memref<!tpu.dma_semaphore, #tpu.memory_space<semaphore_mem>>) src(%dma_wait3A_422 : memref<8x64xf32, #tpu.memory_space<hbm>>) dst(%arg9 : memref<8x64xf32, #tpu.memory_space<vmem>>)
              tpu.yield
            }) : () -> ()
            %sub3A_379 = arith.subi %squeeze3A_239, %mul3A_378 : i32
            %get3A_380 = arith.index_cast %sub3A_379 : i32 to index
            %get3A_381 = arith.constant 0 : index
            %get3A_382 = tpu.vector_load %arg9[%get3A_380, %get3A_381] {strides = array<i32>} : memref<8x64xf32, #tpu.memory_space<vmem>>, vector<1x16xf32>,
            %get3A_383 = vector.shape_cast %get3A_382 : vector<1x16xf32> to vector<16xf32>
            %swap3A = arith.index_cast %add3A_237 : i32 to index
            %swap3A_384 = arith.constant 0 : index
            %swap3A_385 = tpu.vector_load %arg8[%swap3A, %swap3A_384] {strides = array<i32>} : memref<128x64xf32, #tpu.memory_space<vmem>>, vector<1x16xf32>,
            %swap3A_386 = vector.shape_cast %swap3A_385 : vector<1x16xf32> to vector<16xf32>
            %swap3A_387 = vector.shape_cast %get3A_383 : vector<16xf32> to vector<1x16xf32>
            tpu.vector_store %arg8[%swap3A, %swap3A_384], %swap3A_387 {strides = array<i32>} : memref<128x64xf32, #tpu.memory_space<vmem>>, vector<1x16xf32>,
            %get3A_388 = arith.index_cast %sub3A_379 : i32 to index
            %get3A_389 = arith.constant 16 : index
            %get3A_390 = tpu.vector_load %arg9[%get3A_388, %get3A_389] {strides = array<i32>} : memref<8x64xf32, #tpu.memory_space<vmem>>, vector<1x16xf32>,
            %get3A_391 = vector.shape_cast %get3A_390 : vector<1x16xf32> to vector<16xf32>
            %swap3A_392 = arith.index_cast %add3A_237 : i32 to index
            %swap3A_393 = arith.constant 16 : index
            %swap3A_394 = tpu.vector_load %arg8[%swap3A_392, %swap3A_393] {strides = array<i32>} : memref<128x64xf32, #tpu.memory_space<vmem>>, vector<1x16xf32>,
            %swap3A_395 = vector.shape_cast %swap3A_394 : vector<1x16xf32> to vector<16xf32>
            %swap3A_396 = vector.shape_cast %get3A_391 : vector<16xf32> to vector<1x16xf32>
            tpu.vector_store %arg8[%swap3A_392, %swap3A_393], %swap3A_396 {strides = array<i32>} : memref<128x64xf32, #tpu.memory_space<vmem>>, vector<1x16xf32>,
            %get3A_397 = arith.index_cast %sub3A_379 : i32 to index
            %get3A_398 = arith.constant 32 : index
            %get3A_399 = tpu.vector_load %arg9[%get3A_397, %get3A_398] {strides = array<i32>} : memref<8x64xf32, #tpu.memory_space<vmem>>, vector<1x16xf32>,
            %get3A_400 = vector.shape_cast %get3A_399 : vector<1x16xf32> to vector<16xf32>
            %swap3A_401 = arith.index_cast %add3A_237 : i32 to index
            %swap3A_402 = arith.constant 32 : index
            %swap3A_403 = tpu.vector_load %arg8[%swap3A_401, %swap3A_402] {strides = array<i32>} : memref<128x64xf32, #tpu.memory_space<vmem>>, vector<1x16xf32>,
            %swap3A_404 = vector.shape_cast %swap3A_403 : vector<1x16xf32> to vector<16xf32>
            %swap3A_405 = vector.shape_cast %get3A_400 : vector<16xf32> to vector<1x16xf32>
            tpu.vector_store %arg8[%swap3A_401, %swap3A_402], %swap3A_405 {strides = array<i32>} : memref<128x64xf32, #tpu.memory_space<vmem>>, vector<1x16xf32>,
            %get3A_406 = arith.index_cast %sub3A_379 : i32 to index
            %get3A_407 = arith.constant 48 : index
            %get3A_408 = tpu.vector_load %arg9[%get3A_406, %get3A_407] {strides = array<i32>} : memref<8x64xf32, #tpu.memory_space<vmem>>, vector<1x16xf32>,
            %get3A_409 = vector.shape_cast %get3A_408 : vector<1x16xf32> to vector<16xf32>
            %swap3A_410 = arith.index_cast %add3A_237 : i32 to index
            %swap3A_411 = arith.constant 48 : index
            %swap3A_412 = tpu.vector_load %arg8[%swap3A_410, %swap3A_411] {strides = array<i32>} : memref<128x64xf32, #tpu.memory_space<vmem>>, vector<1x16xf32>,
            %swap3A_413 = vector.shape_cast %swap3A_412 : vector<1x16xf32> to vector<16xf32>
            %swap3A_414 = vector.shape_cast %get3A_409 : vector<16xf32> to vector<1x16xf32>
            tpu.vector_store %arg8[%swap3A_410, %swap3A_411], %swap3A_414 {strides = array<i32>} : memref<128x64xf32, #tpu.memory_space<vmem>>, vector<1x16xf32>,
          } else {
          }
          %slice3A_243 = vector.extract_strided_slice %get3A_146 {offsets = [7], sizes = [1], strides = [1]} : vector<16xi32> to vector<1xi32>
          %squeeze3A_244 = vector.extract %slice3A_243[0] : i32 from vector<1xi32>
          %eq3A_245 = arith.constant 0 : i32
          %eq3A_246 = arith.cmpi eq, %squeeze3A_244, %eq3A_245 : i32
          %mul3A_247 = arith.constant 16 : i32
          %mul3A_248 = arith.muli %scan3A_138, %mul3A_247 : i32
          %add3A_249 = arith.constant 7 : i32
          %add3A_250 = arith.addi %mul3A_248, %add3A_249 : i32
          %slice3A_251 = vector.extract_strided_slice %get3A_151 {offsets = [7], sizes = [1], strides = [1]} : vector<16xi32> to vector<1xi32>
          %squeeze3A_252 = vector.extract %slice3A_251[0] : i32 from vector<1xi32>
          %convert_element_type3A_253 = arith.extui %eq3A_246 : i1 to i32
          %cond3A_254 = arith.constant 0 : i32
          %cond3A_255 = arith.cmpi ne, %convert_element_type3A_253, %cond3A_254 : i32
          scf.if %cond3A_255 {
            %jit3A = arith.constant 8 : i32
            %div3A = arith.divsi %squeeze3A_252, %jit3A : i32
            %sign3A = arith.constant 0 : i32
            %sign3A_361 = arith.cmpi sgt, %squeeze3A_252, %sign3A : i32
            %sign3A_362 = arith.extui %sign3A_361 : i1 to i32
            %sign3A_363 = arith.constant 0 : i32
            %sign3A_364 = arith.cmpi slt, %squeeze3A_252, %sign3A_363 : i32
            %sign3A_365 = arith.extui %sign3A_364 : i1 to i32
            %sign3A_366 = arith.subi %sign3A_362, %sign3A_365 : i32
            %sign3A_367 = arith.constant 0 : i32
            %sign3A_368 = arith.cmpi sgt, %jit3A, %sign3A_367 : i32
            %sign3A_369 = arith.extui %sign3A_368 : i1 to i32
            %sign3A_370 = arith.constant 0 : i32
            %sign3A_371 = arith.cmpi slt, %jit3A, %sign3A_370 : i32
            %sign3A_372 = arith.extui %sign3A_371 : i1 to i32
            %sign3A_373 = arith.subi %sign3A_369, %sign3A_372 : i32
            %ne3A = arith.cmpi ne, %sign3A_366, %sign3A_373 : i32
            %rem3A = arith.remsi %squeeze3A_252, %jit3A : i32
            %ne3A_374 = arith.constant 0 : i32
            %ne3A_375 = arith.cmpi ne, %rem3A, %ne3A_374 : i32
            %and3A = arith.andi %ne3A, %ne3A_375 : i1
            %sub3A = arith.constant 1 : i32
            %sub3A_376 = arith.subi %div3A, %sub3A : i32
            %select_n3A = arith.select %and3A, %sub3A_376, %div3A : i32
            %mul3A_377 = arith.constant 8 : i32
            %mul3A_378 = arith.muli %select_n3A, %mul3A_377 : i32
            "tpu.region"() ({
              %run_scoped3A = tpu.sem_alloc : memref<!tpu.dma_semaphore, #tpu.memory_space<semaphore_mem>>
              %dma_start3A_415 = arith.constant 0 : i32
              %dma_start3A_416 = tpu.memref_slice %arg4[%mul3A_378, %dma_start3A_415] : memref<8192x64xf32, #tpu.memory_space<hbm>> -> memref<8x64xf32, #tpu.memory_space<hbm>>
              %dma_start3A_417 = arith.constant 0 : i32
              %dma_start3A_418 = tpu.memref_slice %arg4[%mul3A_378, %dma_start3A_417] : memref<8192x64xf32, #tpu.memory_space<hbm>> -> memref<8x64xf32, #tpu.memory_space<hbm>>
              tpu.enqueue_dma source(%dma_start3A_418 : memref<8x64xf32, #tpu.memory_space<hbm>>) target(%arg9 : memref<8x64xf32, #tpu.memory_space<vmem>>) target_semaphore(%run_scoped3A : memref<!tpu.dma_semaphore, #tpu.memory_space<semaphore_mem>>)
              %dma_wait3A_419 = arith.constant 0 : i32
              %dma_wait3A_420 = tpu.memref_slice %arg4[%mul3A_378, %dma_wait3A_419] : memref<8192x64xf32, #tpu.memory_space<hbm>> -> memref<8x64xf32, #tpu.memory_space<hbm>>
              %dma_wait3A_421 = arith.constant 0 : i32
              %dma_wait3A_422 = tpu.memref_slice %arg4[%mul3A_378, %dma_wait3A_421] : memref<8192x64xf32, #tpu.memory_space<hbm>> -> memref<8x64xf32, #tpu.memory_space<hbm>>
              tpu.wait_dma2 semaphore(%run_scoped3A : memref<!tpu.dma_semaphore, #tpu.memory_space<semaphore_mem>>) src(%dma_wait3A_422 : memref<8x64xf32, #tpu.memory_space<hbm>>) dst(%arg9 : memref<8x64xf32, #tpu.memory_space<vmem>>)
              tpu.yield
            }) : () -> ()
            %sub3A_379 = arith.subi %squeeze3A_252, %mul3A_378 : i32
            %get3A_380 = arith.index_cast %sub3A_379 : i32 to index
            %get3A_381 = arith.constant 0 : index
            %get3A_382 = tpu.vector_load %arg9[%get3A_380, %get3A_381] {strides = array<i32>} : memref<8x64xf32, #tpu.memory_space<vmem>>, vector<1x16xf32>,
            %get3A_383 = vector.shape_cast %get3A_382 : vector<1x16xf32> to vector<16xf32>
            %swap3A = arith.index_cast %add3A_250 : i32 to index
            %swap3A_384 = arith.constant 0 : index
            %swap3A_385 = tpu.vector_load %arg8[%swap3A, %swap3A_384] {strides = array<i32>} : memref<128x64xf32, #tpu.memory_space<vmem>>, vector<1x16xf32>,
            %swap3A_386 = vector.shape_cast %swap3A_385 : vector<1x16xf32> to vector<16xf32>
            %swap3A_387 = vector.shape_cast %get3A_383 : vector<16xf32> to vector<1x16xf32>
            tpu.vector_store %arg8[%swap3A, %swap3A_384], %swap3A_387 {strides = array<i32>} : memref<128x64xf32, #tpu.memory_space<vmem>>, vector<1x16xf32>,
            %get3A_388 = arith.index_cast %sub3A_379 : i32 to index
            %get3A_389 = arith.constant 16 : index
            %get3A_390 = tpu.vector_load %arg9[%get3A_388, %get3A_389] {strides = array<i32>} : memref<8x64xf32, #tpu.memory_space<vmem>>, vector<1x16xf32>,
            %get3A_391 = vector.shape_cast %get3A_390 : vector<1x16xf32> to vector<16xf32>
            %swap3A_392 = arith.index_cast %add3A_250 : i32 to index
            %swap3A_393 = arith.constant 16 : index
            %swap3A_394 = tpu.vector_load %arg8[%swap3A_392, %swap3A_393] {strides = array<i32>} : memref<128x64xf32, #tpu.memory_space<vmem>>, vector<1x16xf32>,
            %swap3A_395 = vector.shape_cast %swap3A_394 : vector<1x16xf32> to vector<16xf32>
            %swap3A_396 = vector.shape_cast %get3A_391 : vector<16xf32> to vector<1x16xf32>
            tpu.vector_store %arg8[%swap3A_392, %swap3A_393], %swap3A_396 {strides = array<i32>} : memref<128x64xf32, #tpu.memory_space<vmem>>, vector<1x16xf32>,
            %get3A_397 = arith.index_cast %sub3A_379 : i32 to index
            %get3A_398 = arith.constant 32 : index
            %get3A_399 = tpu.vector_load %arg9[%get3A_397, %get3A_398] {strides = array<i32>} : memref<8x64xf32, #tpu.memory_space<vmem>>, vector<1x16xf32>,
            %get3A_400 = vector.shape_cast %get3A_399 : vector<1x16xf32> to vector<16xf32>
            %swap3A_401 = arith.index_cast %add3A_250 : i32 to index
            %swap3A_402 = arith.constant 32 : index
            %swap3A_403 = tpu.vector_load %arg8[%swap3A_401, %swap3A_402] {strides = array<i32>} : memref<128x64xf32, #tpu.memory_space<vmem>>, vector<1x16xf32>,
            %swap3A_404 = vector.shape_cast %swap3A_403 : vector<1x16xf32> to vector<16xf32>
            %swap3A_405 = vector.shape_cast %get3A_400 : vector<16xf32> to vector<1x16xf32>
            tpu.vector_store %arg8[%swap3A_401, %swap3A_402], %swap3A_405 {strides = array<i32>} : memref<128x64xf32, #tpu.memory_space<vmem>>, vector<1x16xf32>,
            %get3A_406 = arith.index_cast %sub3A_379 : i32 to index
            %get3A_407 = arith.constant 48 : index
            %get3A_408 = tpu.vector_load %arg9[%get3A_406, %get3A_407] {strides = array<i32>} : memref<8x64xf32, #tpu.memory_space<vmem>>, vector<1x16xf32>,
            %get3A_409 = vector.shape_cast %get3A_408 : vector<1x16xf32> to vector<16xf32>
            %swap3A_410 = arith.index_cast %add3A_250 : i32 to index
            %swap3A_411 = arith.constant 48 : index
            %swap3A_412 = tpu.vector_load %arg8[%swap3A_410, %swap3A_411] {strides = array<i32>} : memref<128x64xf32, #tpu.memory_space<vmem>>, vector<1x16xf32>,
            %swap3A_413 = vector.shape_cast %swap3A_412 : vector<1x16xf32> to vector<16xf32>
            %swap3A_414 = vector.shape_cast %get3A_409 : vector<16xf32> to vector<1x16xf32>
            tpu.vector_store %arg8[%swap3A_410, %swap3A_411], %swap3A_414 {strides = array<i32>} : memref<128x64xf32, #tpu.memory_space<vmem>>, vector<1x16xf32>,
          } else {
          }
          %slice3A_256 = vector.extract_strided_slice %get3A_146 {offsets = [8], sizes = [1], strides = [1]} : vector<16xi32> to vector<1xi32>
          %squeeze3A_257 = vector.extract %slice3A_256[0] : i32 from vector<1xi32>
          %eq3A_258 = arith.constant 0 : i32
          %eq3A_259 = arith.cmpi eq, %squeeze3A_257, %eq3A_258 : i32
          %mul3A_260 = arith.constant 16 : i32
          %mul3A_261 = arith.muli %scan3A_138, %mul3A_260 : i32
          %add3A_262 = arith.constant 8 : i32
          %add3A_263 = arith.addi %mul3A_261, %add3A_262 : i32
          %slice3A_264 = vector.extract_strided_slice %get3A_151 {offsets = [8], sizes = [1], strides = [1]} : vector<16xi32> to vector<1xi32>
          %squeeze3A_265 = vector.extract %slice3A_264[0] : i32 from vector<1xi32>
          %convert_element_type3A_266 = arith.extui %eq3A_259 : i1 to i32
          %cond3A_267 = arith.constant 0 : i32
          %cond3A_268 = arith.cmpi ne, %convert_element_type3A_266, %cond3A_267 : i32
          scf.if %cond3A_268 {
            %jit3A = arith.constant 8 : i32
            %div3A = arith.divsi %squeeze3A_265, %jit3A : i32
            %sign3A = arith.constant 0 : i32
            %sign3A_361 = arith.cmpi sgt, %squeeze3A_265, %sign3A : i32
            %sign3A_362 = arith.extui %sign3A_361 : i1 to i32
            %sign3A_363 = arith.constant 0 : i32
            %sign3A_364 = arith.cmpi slt, %squeeze3A_265, %sign3A_363 : i32
            %sign3A_365 = arith.extui %sign3A_364 : i1 to i32
            %sign3A_366 = arith.subi %sign3A_362, %sign3A_365 : i32
            %sign3A_367 = arith.constant 0 : i32
            %sign3A_368 = arith.cmpi sgt, %jit3A, %sign3A_367 : i32
            %sign3A_369 = arith.extui %sign3A_368 : i1 to i32
            %sign3A_370 = arith.constant 0 : i32
            %sign3A_371 = arith.cmpi slt, %jit3A, %sign3A_370 : i32
            %sign3A_372 = arith.extui %sign3A_371 : i1 to i32
            %sign3A_373 = arith.subi %sign3A_369, %sign3A_372 : i32
            %ne3A = arith.cmpi ne, %sign3A_366, %sign3A_373 : i32
            %rem3A = arith.remsi %squeeze3A_265, %jit3A : i32
            %ne3A_374 = arith.constant 0 : i32
            %ne3A_375 = arith.cmpi ne, %rem3A, %ne3A_374 : i32
            %and3A = arith.andi %ne3A, %ne3A_375 : i1
            %sub3A = arith.constant 1 : i32
            %sub3A_376 = arith.subi %div3A, %sub3A : i32
            %select_n3A = arith.select %and3A, %sub3A_376, %div3A : i32
            %mul3A_377 = arith.constant 8 : i32
            %mul3A_378 = arith.muli %select_n3A, %mul3A_377 : i32
            "tpu.region"() ({
              %run_scoped3A = tpu.sem_alloc : memref<!tpu.dma_semaphore, #tpu.memory_space<semaphore_mem>>
              %dma_start3A_415 = arith.constant 0 : i32
              %dma_start3A_416 = tpu.memref_slice %arg4[%mul3A_378, %dma_start3A_415] : memref<8192x64xf32, #tpu.memory_space<hbm>> -> memref<8x64xf32, #tpu.memory_space<hbm>>
              %dma_start3A_417 = arith.constant 0 : i32
              %dma_start3A_418 = tpu.memref_slice %arg4[%mul3A_378, %dma_start3A_417] : memref<8192x64xf32, #tpu.memory_space<hbm>> -> memref<8x64xf32, #tpu.memory_space<hbm>>
              tpu.enqueue_dma source(%dma_start3A_418 : memref<8x64xf32, #tpu.memory_space<hbm>>) target(%arg9 : memref<8x64xf32, #tpu.memory_space<vmem>>) target_semaphore(%run_scoped3A : memref<!tpu.dma_semaphore, #tpu.memory_space<semaphore_mem>>)
              %dma_wait3A_419 = arith.constant 0 : i32
              %dma_wait3A_420 = tpu.memref_slice %arg4[%mul3A_378, %dma_wait3A_419] : memref<8192x64xf32, #tpu.memory_space<hbm>> -> memref<8x64xf32, #tpu.memory_space<hbm>>
              %dma_wait3A_421 = arith.constant 0 : i32
              %dma_wait3A_422 = tpu.memref_slice %arg4[%mul3A_378, %dma_wait3A_421] : memref<8192x64xf32, #tpu.memory_space<hbm>> -> memref<8x64xf32, #tpu.memory_space<hbm>>
              tpu.wait_dma2 semaphore(%run_scoped3A : memref<!tpu.dma_semaphore, #tpu.memory_space<semaphore_mem>>) src(%dma_wait3A_422 : memref<8x64xf32, #tpu.memory_space<hbm>>) dst(%arg9 : memref<8x64xf32, #tpu.memory_space<vmem>>)
              tpu.yield
            }) : () -> ()
            %sub3A_379 = arith.subi %squeeze3A_265, %mul3A_378 : i32
            %get3A_380 = arith.index_cast %sub3A_379 : i32 to index
            %get3A_381 = arith.constant 0 : index
            %get3A_382 = tpu.vector_load %arg9[%get3A_380, %get3A_381] {strides = array<i32>} : memref<8x64xf32, #tpu.memory_space<vmem>>, vector<1x16xf32>,
            %get3A_383 = vector.shape_cast %get3A_382 : vector<1x16xf32> to vector<16xf32>
            %swap3A = arith.index_cast %add3A_263 : i32 to index
            %swap3A_384 = arith.constant 0 : index
            %swap3A_385 = tpu.vector_load %arg8[%swap3A, %swap3A_384] {strides = array<i32>} : memref<128x64xf32, #tpu.memory_space<vmem>>, vector<1x16xf32>,
            %swap3A_386 = vector.shape_cast %swap3A_385 : vector<1x16xf32> to vector<16xf32>
            %swap3A_387 = vector.shape_cast %get3A_383 : vector<16xf32> to vector<1x16xf32>
            tpu.vector_store %arg8[%swap3A, %swap3A_384], %swap3A_387 {strides = array<i32>} : memref<128x64xf32, #tpu.memory_space<vmem>>, vector<1x16xf32>,
            %get3A_388 = arith.index_cast %sub3A_379 : i32 to index
            %get3A_389 = arith.constant 16 : index
            %get3A_390 = tpu.vector_load %arg9[%get3A_388, %get3A_389] {strides = array<i32>} : memref<8x64xf32, #tpu.memory_space<vmem>>, vector<1x16xf32>,
            %get3A_391 = vector.shape_cast %get3A_390 : vector<1x16xf32> to vector<16xf32>
            %swap3A_392 = arith.index_cast %add3A_263 : i32 to index
            %swap3A_393 = arith.constant 16 : index
            %swap3A_394 = tpu.vector_load %arg8[%swap3A_392, %swap3A_393] {strides = array<i32>} : memref<128x64xf32, #tpu.memory_space<vmem>>, vector<1x16xf32>,
            %swap3A_395 = vector.shape_cast %swap3A_394 : vector<1x16xf32> to vector<16xf32>
            %swap3A_396 = vector.shape_cast %get3A_391 : vector<16xf32> to vector<1x16xf32>
            tpu.vector_store %arg8[%swap3A_392, %swap3A_393], %swap3A_396 {strides = array<i32>} : memref<128x64xf32, #tpu.memory_space<vmem>>, vector<1x16xf32>,
            %get3A_397 = arith.index_cast %sub3A_379 : i32 to index
            %get3A_398 = arith.constant 32 : index
            %get3A_399 = tpu.vector_load %arg9[%get3A_397, %get3A_398] {strides = array<i32>} : memref<8x64xf32, #tpu.memory_space<vmem>>, vector<1x16xf32>,
            %get3A_400 = vector.shape_cast %get3A_399 : vector<1x16xf32> to vector<16xf32>
            %swap3A_401 = arith.index_cast %add3A_263 : i32 to index
            %swap3A_402 = arith.constant 32 : index
            %swap3A_403 = tpu.vector_load %arg8[%swap3A_401, %swap3A_402] {strides = array<i32>} : memref<128x64xf32, #tpu.memory_space<vmem>>, vector<1x16xf32>,
            %swap3A_404 = vector.shape_cast %swap3A_403 : vector<1x16xf32> to vector<16xf32>
            %swap3A_405 = vector.shape_cast %get3A_400 : vector<16xf32> to vector<1x16xf32>
            tpu.vector_store %arg8[%swap3A_401, %swap3A_402], %swap3A_405 {strides = array<i32>} : memref<128x64xf32, #tpu.memory_space<vmem>>, vector<1x16xf32>,
            %get3A_406 = arith.index_cast %sub3A_379 : i32 to index
            %get3A_407 = arith.constant 48 : index
            %get3A_408 = tpu.vector_load %arg9[%get3A_406, %get3A_407] {strides = array<i32>} : memref<8x64xf32, #tpu.memory_space<vmem>>, vector<1x16xf32>,
            %get3A_409 = vector.shape_cast %get3A_408 : vector<1x16xf32> to vector<16xf32>
            %swap3A_410 = arith.index_cast %add3A_263 : i32 to index
            %swap3A_411 = arith.constant 48 : index
            %swap3A_412 = tpu.vector_load %arg8[%swap3A_410, %swap3A_411] {strides = array<i32>} : memref<128x64xf32, #tpu.memory_space<vmem>>, vector<1x16xf32>,
            %swap3A_413 = vector.shape_cast %swap3A_412 : vector<1x16xf32> to vector<16xf32>
            %swap3A_414 = vector.shape_cast %get3A_409 : vector<16xf32> to vector<1x16xf32>
            tpu.vector_store %arg8[%swap3A_410, %swap3A_411], %swap3A_414 {strides = array<i32>} : memref<128x64xf32, #tpu.memory_space<vmem>>, vector<1x16xf32>,
          } else {
          }
          %slice3A_269 = vector.extract_strided_slice %get3A_146 {offsets = [9], sizes = [1], strides = [1]} : vector<16xi32> to vector<1xi32>
          %squeeze3A_270 = vector.extract %slice3A_269[0] : i32 from vector<1xi32>
          %eq3A_271 = arith.constant 0 : i32
          %eq3A_272 = arith.cmpi eq, %squeeze3A_270, %eq3A_271 : i32
          %mul3A_273 = arith.constant 16 : i32
          %mul3A_274 = arith.muli %scan3A_138, %mul3A_273 : i32
          %add3A_275 = arith.constant 9 : i32
          %add3A_276 = arith.addi %mul3A_274, %add3A_275 : i32
          %slice3A_277 = vector.extract_strided_slice %get3A_151 {offsets = [9], sizes = [1], strides = [1]} : vector<16xi32> to vector<1xi32>
          %squeeze3A_278 = vector.extract %slice3A_277[0] : i32 from vector<1xi32>
          %convert_element_type3A_279 = arith.extui %eq3A_272 : i1 to i32
          %cond3A_280 = arith.constant 0 : i32
          %cond3A_281 = arith.cmpi ne, %convert_element_type3A_279, %cond3A_280 : i32
          scf.if %cond3A_281 {
            %jit3A = arith.constant 8 : i32
            %div3A = arith.divsi %squeeze3A_278, %jit3A : i32
            %sign3A = arith.constant 0 : i32
            %sign3A_361 = arith.cmpi sgt, %squeeze3A_278, %sign3A : i32
            %sign3A_362 = arith.extui %sign3A_361 : i1 to i32
            %sign3A_363 = arith.constant 0 : i32
            %sign3A_364 = arith.cmpi slt, %squeeze3A_278, %sign3A_363 : i32
            %sign3A_365 = arith.extui %sign3A_364 : i1 to i32
            %sign3A_366 = arith.subi %sign3A_362, %sign3A_365 : i32
            %sign3A_367 = arith.constant 0 : i32
            %sign3A_368 = arith.cmpi sgt, %jit3A, %sign3A_367 : i32
            %sign3A_369 = arith.extui %sign3A_368 : i1 to i32
            %sign3A_370 = arith.constant 0 : i32
            %sign3A_371 = arith.cmpi slt, %jit3A, %sign3A_370 : i32
            %sign3A_372 = arith.extui %sign3A_371 : i1 to i32
            %sign3A_373 = arith.subi %sign3A_369, %sign3A_372 : i32
            %ne3A = arith.cmpi ne, %sign3A_366, %sign3A_373 : i32
            %rem3A = arith.remsi %squeeze3A_278, %jit3A : i32
            %ne3A_374 = arith.constant 0 : i32
            %ne3A_375 = arith.cmpi ne, %rem3A, %ne3A_374 : i32
            %and3A = arith.andi %ne3A, %ne3A_375 : i1
            %sub3A = arith.constant 1 : i32
            %sub3A_376 = arith.subi %div3A, %sub3A : i32
            %select_n3A = arith.select %and3A, %sub3A_376, %div3A : i32
            %mul3A_377 = arith.constant 8 : i32
            %mul3A_378 = arith.muli %select_n3A, %mul3A_377 : i32
            "tpu.region"() ({
              %run_scoped3A = tpu.sem_alloc : memref<!tpu.dma_semaphore, #tpu.memory_space<semaphore_mem>>
              %dma_start3A_415 = arith.constant 0 : i32
              %dma_start3A_416 = tpu.memref_slice %arg4[%mul3A_378, %dma_start3A_415] : memref<8192x64xf32, #tpu.memory_space<hbm>> -> memref<8x64xf32, #tpu.memory_space<hbm>>
              %dma_start3A_417 = arith.constant 0 : i32
              %dma_start3A_418 = tpu.memref_slice %arg4[%mul3A_378, %dma_start3A_417] : memref<8192x64xf32, #tpu.memory_space<hbm>> -> memref<8x64xf32, #tpu.memory_space<hbm>>
              tpu.enqueue_dma source(%dma_start3A_418 : memref<8x64xf32, #tpu.memory_space<hbm>>) target(%arg9 : memref<8x64xf32, #tpu.memory_space<vmem>>) target_semaphore(%run_scoped3A : memref<!tpu.dma_semaphore, #tpu.memory_space<semaphore_mem>>)
              %dma_wait3A_419 = arith.constant 0 : i32
              %dma_wait3A_420 = tpu.memref_slice %arg4[%mul3A_378, %dma_wait3A_419] : memref<8192x64xf32, #tpu.memory_space<hbm>> -> memref<8x64xf32, #tpu.memory_space<hbm>>
              %dma_wait3A_421 = arith.constant 0 : i32
              %dma_wait3A_422 = tpu.memref_slice %arg4[%mul3A_378, %dma_wait3A_421] : memref<8192x64xf32, #tpu.memory_space<hbm>> -> memref<8x64xf32, #tpu.memory_space<hbm>>
              tpu.wait_dma2 semaphore(%run_scoped3A : memref<!tpu.dma_semaphore, #tpu.memory_space<semaphore_mem>>) src(%dma_wait3A_422 : memref<8x64xf32, #tpu.memory_space<hbm>>) dst(%arg9 : memref<8x64xf32, #tpu.memory_space<vmem>>)
              tpu.yield
            }) : () -> ()
            %sub3A_379 = arith.subi %squeeze3A_278, %mul3A_378 : i32
            %get3A_380 = arith.index_cast %sub3A_379 : i32 to index
            %get3A_381 = arith.constant 0 : index
            %get3A_382 = tpu.vector_load %arg9[%get3A_380, %get3A_381] {strides = array<i32>} : memref<8x64xf32, #tpu.memory_space<vmem>>, vector<1x16xf32>,
            %get3A_383 = vector.shape_cast %get3A_382 : vector<1x16xf32> to vector<16xf32>
            %swap3A = arith.index_cast %add3A_276 : i32 to index
            %swap3A_384 = arith.constant 0 : index
            %swap3A_385 = tpu.vector_load %arg8[%swap3A, %swap3A_384] {strides = array<i32>} : memref<128x64xf32, #tpu.memory_space<vmem>>, vector<1x16xf32>,
            %swap3A_386 = vector.shape_cast %swap3A_385 : vector<1x16xf32> to vector<16xf32>
            %swap3A_387 = vector.shape_cast %get3A_383 : vector<16xf32> to vector<1x16xf32>
            tpu.vector_store %arg8[%swap3A, %swap3A_384], %swap3A_387 {strides = array<i32>} : memref<128x64xf32, #tpu.memory_space<vmem>>, vector<1x16xf32>,
            %get3A_388 = arith.index_cast %sub3A_379 : i32 to index
            %get3A_389 = arith.constant 16 : index
            %get3A_390 = tpu.vector_load %arg9[%get3A_388, %get3A_389] {strides = array<i32>} : memref<8x64xf32, #tpu.memory_space<vmem>>, vector<1x16xf32>,
            %get3A_391 = vector.shape_cast %get3A_390 : vector<1x16xf32> to vector<16xf32>
            %swap3A_392 = arith.index_cast %add3A_276 : i32 to index
            %swap3A_393 = arith.constant 16 : index
            %swap3A_394 = tpu.vector_load %arg8[%swap3A_392, %swap3A_393] {strides = array<i32>} : memref<128x64xf32, #tpu.memory_space<vmem>>, vector<1x16xf32>,
            %swap3A_395 = vector.shape_cast %swap3A_394 : vector<1x16xf32> to vector<16xf32>
            %swap3A_396 = vector.shape_cast %get3A_391 : vector<16xf32> to vector<1x16xf32>
            tpu.vector_store %arg8[%swap3A_392, %swap3A_393], %swap3A_396 {strides = array<i32>} : memref<128x64xf32, #tpu.memory_space<vmem>>, vector<1x16xf32>,
            %get3A_397 = arith.index_cast %sub3A_379 : i32 to index
            %get3A_398 = arith.constant 32 : index
            %get3A_399 = tpu.vector_load %arg9[%get3A_397, %get3A_398] {strides = array<i32>} : memref<8x64xf32, #tpu.memory_space<vmem>>, vector<1x16xf32>,
            %get3A_400 = vector.shape_cast %get3A_399 : vector<1x16xf32> to vector<16xf32>
            %swap3A_401 = arith.index_cast %add3A_276 : i32 to index
            %swap3A_402 = arith.constant 32 : index
            %swap3A_403 = tpu.vector_load %arg8[%swap3A_401, %swap3A_402] {strides = array<i32>} : memref<128x64xf32, #tpu.memory_space<vmem>>, vector<1x16xf32>,
            %swap3A_404 = vector.shape_cast %swap3A_403 : vector<1x16xf32> to vector<16xf32>
            %swap3A_405 = vector.shape_cast %get3A_400 : vector<16xf32> to vector<1x16xf32>
            tpu.vector_store %arg8[%swap3A_401, %swap3A_402], %swap3A_405 {strides = array<i32>} : memref<128x64xf32, #tpu.memory_space<vmem>>, vector<1x16xf32>,
            %get3A_406 = arith.index_cast %sub3A_379 : i32 to index
            %get3A_407 = arith.constant 48 : index
            %get3A_408 = tpu.vector_load %arg9[%get3A_406, %get3A_407] {strides = array<i32>} : memref<8x64xf32, #tpu.memory_space<vmem>>, vector<1x16xf32>,
            %get3A_409 = vector.shape_cast %get3A_408 : vector<1x16xf32> to vector<16xf32>
            %swap3A_410 = arith.index_cast %add3A_276 : i32 to index
            %swap3A_411 = arith.constant 48 : index
            %swap3A_412 = tpu.vector_load %arg8[%swap3A_410, %swap3A_411] {strides = array<i32>} : memref<128x64xf32, #tpu.memory_space<vmem>>, vector<1x16xf32>,
            %swap3A_413 = vector.shape_cast %swap3A_412 : vector<1x16xf32> to vector<16xf32>
            %swap3A_414 = vector.shape_cast %get3A_409 : vector<16xf32> to vector<1x16xf32>
            tpu.vector_store %arg8[%swap3A_410, %swap3A_411], %swap3A_414 {strides = array<i32>} : memref<128x64xf32, #tpu.memory_space<vmem>>, vector<1x16xf32>,
          } else {
          }
          %slice3A_282 = vector.extract_strided_slice %get3A_146 {offsets = [10], sizes = [1], strides = [1]} : vector<16xi32> to vector<1xi32>
          %squeeze3A_283 = vector.extract %slice3A_282[0] : i32 from vector<1xi32>
          %eq3A_284 = arith.constant 0 : i32
          %eq3A_285 = arith.cmpi eq, %squeeze3A_283, %eq3A_284 : i32
          %mul3A_286 = arith.constant 16 : i32
          %mul3A_287 = arith.muli %scan3A_138, %mul3A_286 : i32
          %add3A_288 = arith.constant 10 : i32
          %add3A_289 = arith.addi %mul3A_287, %add3A_288 : i32
          %slice3A_290 = vector.extract_strided_slice %get3A_151 {offsets = [10], sizes = [1], strides = [1]} : vector<16xi32> to vector<1xi32>
          %squeeze3A_291 = vector.extract %slice3A_290[0] : i32 from vector<1xi32>
          %convert_element_type3A_292 = arith.extui %eq3A_285 : i1 to i32
          %cond3A_293 = arith.constant 0 : i32
          %cond3A_294 = arith.cmpi ne, %convert_element_type3A_292, %cond3A_293 : i32
          scf.if %cond3A_294 {
            %jit3A = arith.constant 8 : i32
            %div3A = arith.divsi %squeeze3A_291, %jit3A : i32
            %sign3A = arith.constant 0 : i32
            %sign3A_361 = arith.cmpi sgt, %squeeze3A_291, %sign3A : i32
            %sign3A_362 = arith.extui %sign3A_361 : i1 to i32
            %sign3A_363 = arith.constant 0 : i32
            %sign3A_364 = arith.cmpi slt, %squeeze3A_291, %sign3A_363 : i32
            %sign3A_365 = arith.extui %sign3A_364 : i1 to i32
            %sign3A_366 = arith.subi %sign3A_362, %sign3A_365 : i32
            %sign3A_367 = arith.constant 0 : i32
            %sign3A_368 = arith.cmpi sgt, %jit3A, %sign3A_367 : i32
            %sign3A_369 = arith.extui %sign3A_368 : i1 to i32
            %sign3A_370 = arith.constant 0 : i32
            %sign3A_371 = arith.cmpi slt, %jit3A, %sign3A_370 : i32
            %sign3A_372 = arith.extui %sign3A_371 : i1 to i32
            %sign3A_373 = arith.subi %sign3A_369, %sign3A_372 : i32
            %ne3A = arith.cmpi ne, %sign3A_366, %sign3A_373 : i32
            %rem3A = arith.remsi %squeeze3A_291, %jit3A : i32
            %ne3A_374 = arith.constant 0 : i32
            %ne3A_375 = arith.cmpi ne, %rem3A, %ne3A_374 : i32
            %and3A = arith.andi %ne3A, %ne3A_375 : i1
            %sub3A = arith.constant 1 : i32
            %sub3A_376 = arith.subi %div3A, %sub3A : i32
            %select_n3A = arith.select %and3A, %sub3A_376, %div3A : i32
            %mul3A_377 = arith.constant 8 : i32
            %mul3A_378 = arith.muli %select_n3A, %mul3A_377 : i32
            "tpu.region"() ({
              %run_scoped3A = tpu.sem_alloc : memref<!tpu.dma_semaphore, #tpu.memory_space<semaphore_mem>>
              %dma_start3A_415 = arith.constant 0 : i32
              %dma_start3A_416 = tpu.memref_slice %arg4[%mul3A_378, %dma_start3A_415] : memref<8192x64xf32, #tpu.memory_space<hbm>> -> memref<8x64xf32, #tpu.memory_space<hbm>>
              %dma_start3A_417 = arith.constant 0 : i32
              %dma_start3A_418 = tpu.memref_slice %arg4[%mul3A_378, %dma_start3A_417] : memref<8192x64xf32, #tpu.memory_space<hbm>> -> memref<8x64xf32, #tpu.memory_space<hbm>>
              tpu.enqueue_dma source(%dma_start3A_418 : memref<8x64xf32, #tpu.memory_space<hbm>>) target(%arg9 : memref<8x64xf32, #tpu.memory_space<vmem>>) target_semaphore(%run_scoped3A : memref<!tpu.dma_semaphore, #tpu.memory_space<semaphore_mem>>)
              %dma_wait3A_419 = arith.constant 0 : i32
              %dma_wait3A_420 = tpu.memref_slice %arg4[%mul3A_378, %dma_wait3A_419] : memref<8192x64xf32, #tpu.memory_space<hbm>> -> memref<8x64xf32, #tpu.memory_space<hbm>>
              %dma_wait3A_421 = arith.constant 0 : i32
              %dma_wait3A_422 = tpu.memref_slice %arg4[%mul3A_378, %dma_wait3A_421] : memref<8192x64xf32, #tpu.memory_space<hbm>> -> memref<8x64xf32, #tpu.memory_space<hbm>>
              tpu.wait_dma2 semaphore(%run_scoped3A : memref<!tpu.dma_semaphore, #tpu.memory_space<semaphore_mem>>) src(%dma_wait3A_422 : memref<8x64xf32, #tpu.memory_space<hbm>>) dst(%arg9 : memref<8x64xf32, #tpu.memory_space<vmem>>)
              tpu.yield
            }) : () -> ()
            %sub3A_379 = arith.subi %squeeze3A_291, %mul3A_378 : i32
            %get3A_380 = arith.index_cast %sub3A_379 : i32 to index
            %get3A_381 = arith.constant 0 : index
            %get3A_382 = tpu.vector_load %arg9[%get3A_380, %get3A_381] {strides = array<i32>} : memref<8x64xf32, #tpu.memory_space<vmem>>, vector<1x16xf32>,
            %get3A_383 = vector.shape_cast %get3A_382 : vector<1x16xf32> to vector<16xf32>
            %swap3A = arith.index_cast %add3A_289 : i32 to index
            %swap3A_384 = arith.constant 0 : index
            %swap3A_385 = tpu.vector_load %arg8[%swap3A, %swap3A_384] {strides = array<i32>} : memref<128x64xf32, #tpu.memory_space<vmem>>, vector<1x16xf32>,
            %swap3A_386 = vector.shape_cast %swap3A_385 : vector<1x16xf32> to vector<16xf32>
            %swap3A_387 = vector.shape_cast %get3A_383 : vector<16xf32> to vector<1x16xf32>
            tpu.vector_store %arg8[%swap3A, %swap3A_384], %swap3A_387 {strides = array<i32>} : memref<128x64xf32, #tpu.memory_space<vmem>>, vector<1x16xf32>,
            %get3A_388 = arith.index_cast %sub3A_379 : i32 to index
            %get3A_389 = arith.constant 16 : index
            %get3A_390 = tpu.vector_load %arg9[%get3A_388, %get3A_389] {strides = array<i32>} : memref<8x64xf32, #tpu.memory_space<vmem>>, vector<1x16xf32>,
            %get3A_391 = vector.shape_cast %get3A_390 : vector<1x16xf32> to vector<16xf32>
            %swap3A_392 = arith.index_cast %add3A_289 : i32 to index
            %swap3A_393 = arith.constant 16 : index
            %swap3A_394 = tpu.vector_load %arg8[%swap3A_392, %swap3A_393] {strides = array<i32>} : memref<128x64xf32, #tpu.memory_space<vmem>>, vector<1x16xf32>,
            %swap3A_395 = vector.shape_cast %swap3A_394 : vector<1x16xf32> to vector<16xf32>
            %swap3A_396 = vector.shape_cast %get3A_391 : vector<16xf32> to vector<1x16xf32>
            tpu.vector_store %arg8[%swap3A_392, %swap3A_393], %swap3A_396 {strides = array<i32>} : memref<128x64xf32, #tpu.memory_space<vmem>>, vector<1x16xf32>,
            %get3A_397 = arith.index_cast %sub3A_379 : i32 to index
            %get3A_398 = arith.constant 32 : index
            %get3A_399 = tpu.vector_load %arg9[%get3A_397, %get3A_398] {strides = array<i32>} : memref<8x64xf32, #tpu.memory_space<vmem>>, vector<1x16xf32>,
            %get3A_400 = vector.shape_cast %get3A_399 : vector<1x16xf32> to vector<16xf32>
            %swap3A_401 = arith.index_cast %add3A_289 : i32 to index
            %swap3A_402 = arith.constant 32 : index
            %swap3A_403 = tpu.vector_load %arg8[%swap3A_401, %swap3A_402] {strides = array<i32>} : memref<128x64xf32, #tpu.memory_space<vmem>>, vector<1x16xf32>,
            %swap3A_404 = vector.shape_cast %swap3A_403 : vector<1x16xf32> to vector<16xf32>
            %swap3A_405 = vector.shape_cast %get3A_400 : vector<16xf32> to vector<1x16xf32>
            tpu.vector_store %arg8[%swap3A_401, %swap3A_402], %swap3A_405 {strides = array<i32>} : memref<128x64xf32, #tpu.memory_space<vmem>>, vector<1x16xf32>,
            %get3A_406 = arith.index_cast %sub3A_379 : i32 to index
            %get3A_407 = arith.constant 48 : index
            %get3A_408 = tpu.vector_load %arg9[%get3A_406, %get3A_407] {strides = array<i32>} : memref<8x64xf32, #tpu.memory_space<vmem>>, vector<1x16xf32>,
            %get3A_409 = vector.shape_cast %get3A_408 : vector<1x16xf32> to vector<16xf32>
            %swap3A_410 = arith.index_cast %add3A_289 : i32 to index
            %swap3A_411 = arith.constant 48 : index
            %swap3A_412 = tpu.vector_load %arg8[%swap3A_410, %swap3A_411] {strides = array<i32>} : memref<128x64xf32, #tpu.memory_space<vmem>>, vector<1x16xf32>,
            %swap3A_413 = vector.shape_cast %swap3A_412 : vector<1x16xf32> to vector<16xf32>
            %swap3A_414 = vector.shape_cast %get3A_409 : vector<16xf32> to vector<1x16xf32>
            tpu.vector_store %arg8[%swap3A_410, %swap3A_411], %swap3A_414 {strides = array<i32>} : memref<128x64xf32, #tpu.memory_space<vmem>>, vector<1x16xf32>,
          } else {
          }
          %slice3A_295 = vector.extract_strided_slice %get3A_146 {offsets = [11], sizes = [1], strides = [1]} : vector<16xi32> to vector<1xi32>
          %squeeze3A_296 = vector.extract %slice3A_295[0] : i32 from vector<1xi32>
          %eq3A_297 = arith.constant 0 : i32
          %eq3A_298 = arith.cmpi eq, %squeeze3A_296, %eq3A_297 : i32
          %mul3A_299 = arith.constant 16 : i32
          %mul3A_300 = arith.muli %scan3A_138, %mul3A_299 : i32
          %add3A_301 = arith.constant 11 : i32
          %add3A_302 = arith.addi %mul3A_300, %add3A_301 : i32
          %slice3A_303 = vector.extract_strided_slice %get3A_151 {offsets = [11], sizes = [1], strides = [1]} : vector<16xi32> to vector<1xi32>
          %squeeze3A_304 = vector.extract %slice3A_303[0] : i32 from vector<1xi32>
          %convert_element_type3A_305 = arith.extui %eq3A_298 : i1 to i32
          %cond3A_306 = arith.constant 0 : i32
          %cond3A_307 = arith.cmpi ne, %convert_element_type3A_305, %cond3A_306 : i32
          scf.if %cond3A_307 {
            %jit3A = arith.constant 8 : i32
            %div3A = arith.divsi %squeeze3A_304, %jit3A : i32
            %sign3A = arith.constant 0 : i32
            %sign3A_361 = arith.cmpi sgt, %squeeze3A_304, %sign3A : i32
            %sign3A_362 = arith.extui %sign3A_361 : i1 to i32
            %sign3A_363 = arith.constant 0 : i32
            %sign3A_364 = arith.cmpi slt, %squeeze3A_304, %sign3A_363 : i32
            %sign3A_365 = arith.extui %sign3A_364 : i1 to i32
            %sign3A_366 = arith.subi %sign3A_362, %sign3A_365 : i32
            %sign3A_367 = arith.constant 0 : i32
            %sign3A_368 = arith.cmpi sgt, %jit3A, %sign3A_367 : i32
            %sign3A_369 = arith.extui %sign3A_368 : i1 to i32
            %sign3A_370 = arith.constant 0 : i32
            %sign3A_371 = arith.cmpi slt, %jit3A, %sign3A_370 : i32
            %sign3A_372 = arith.extui %sign3A_371 : i1 to i32
            %sign3A_373 = arith.subi %sign3A_369, %sign3A_372 : i32
            %ne3A = arith.cmpi ne, %sign3A_366, %sign3A_373 : i32
            %rem3A = arith.remsi %squeeze3A_304, %jit3A : i32
            %ne3A_374 = arith.constant 0 : i32
            %ne3A_375 = arith.cmpi ne, %rem3A, %ne3A_374 : i32
            %and3A = arith.andi %ne3A, %ne3A_375 : i1
            %sub3A = arith.constant 1 : i32
            %sub3A_376 = arith.subi %div3A, %sub3A : i32
            %select_n3A = arith.select %and3A, %sub3A_376, %div3A : i32
            %mul3A_377 = arith.constant 8 : i32
            %mul3A_378 = arith.muli %select_n3A, %mul3A_377 : i32
            "tpu.region"() ({
              %run_scoped3A = tpu.sem_alloc : memref<!tpu.dma_semaphore, #tpu.memory_space<semaphore_mem>>
              %dma_start3A_415 = arith.constant 0 : i32
              %dma_start3A_416 = tpu.memref_slice %arg4[%mul3A_378, %dma_start3A_415] : memref<8192x64xf32, #tpu.memory_space<hbm>> -> memref<8x64xf32, #tpu.memory_space<hbm>>
              %dma_start3A_417 = arith.constant 0 : i32
              %dma_start3A_418 = tpu.memref_slice %arg4[%mul3A_378, %dma_start3A_417] : memref<8192x64xf32, #tpu.memory_space<hbm>> -> memref<8x64xf32, #tpu.memory_space<hbm>>
              tpu.enqueue_dma source(%dma_start3A_418 : memref<8x64xf32, #tpu.memory_space<hbm>>) target(%arg9 : memref<8x64xf32, #tpu.memory_space<vmem>>) target_semaphore(%run_scoped3A : memref<!tpu.dma_semaphore, #tpu.memory_space<semaphore_mem>>)
              %dma_wait3A_419 = arith.constant 0 : i32
              %dma_wait3A_420 = tpu.memref_slice %arg4[%mul3A_378, %dma_wait3A_419] : memref<8192x64xf32, #tpu.memory_space<hbm>> -> memref<8x64xf32, #tpu.memory_space<hbm>>
              %dma_wait3A_421 = arith.constant 0 : i32
              %dma_wait3A_422 = tpu.memref_slice %arg4[%mul3A_378, %dma_wait3A_421] : memref<8192x64xf32, #tpu.memory_space<hbm>> -> memref<8x64xf32, #tpu.memory_space<hbm>>
              tpu.wait_dma2 semaphore(%run_scoped3A : memref<!tpu.dma_semaphore, #tpu.memory_space<semaphore_mem>>) src(%dma_wait3A_422 : memref<8x64xf32, #tpu.memory_space<hbm>>) dst(%arg9 : memref<8x64xf32, #tpu.memory_space<vmem>>)
              tpu.yield
            }) : () -> ()
            %sub3A_379 = arith.subi %squeeze3A_304, %mul3A_378 : i32
            %get3A_380 = arith.index_cast %sub3A_379 : i32 to index
            %get3A_381 = arith.constant 0 : index
            %get3A_382 = tpu.vector_load %arg9[%get3A_380, %get3A_381] {strides = array<i32>} : memref<8x64xf32, #tpu.memory_space<vmem>>, vector<1x16xf32>,
            %get3A_383 = vector.shape_cast %get3A_382 : vector<1x16xf32> to vector<16xf32>
            %swap3A = arith.index_cast %add3A_302 : i32 to index
            %swap3A_384 = arith.constant 0 : index
            %swap3A_385 = tpu.vector_load %arg8[%swap3A, %swap3A_384] {strides = array<i32>} : memref<128x64xf32, #tpu.memory_space<vmem>>, vector<1x16xf32>,
            %swap3A_386 = vector.shape_cast %swap3A_385 : vector<1x16xf32> to vector<16xf32>
            %swap3A_387 = vector.shape_cast %get3A_383 : vector<16xf32> to vector<1x16xf32>
            tpu.vector_store %arg8[%swap3A, %swap3A_384], %swap3A_387 {strides = array<i32>} : memref<128x64xf32, #tpu.memory_space<vmem>>, vector<1x16xf32>,
            %get3A_388 = arith.index_cast %sub3A_379 : i32 to index
            %get3A_389 = arith.constant 16 : index
            %get3A_390 = tpu.vector_load %arg9[%get3A_388, %get3A_389] {strides = array<i32>} : memref<8x64xf32, #tpu.memory_space<vmem>>, vector<1x16xf32>,
            %get3A_391 = vector.shape_cast %get3A_390 : vector<1x16xf32> to vector<16xf32>
            %swap3A_392 = arith.index_cast %add3A_302 : i32 to index
            %swap3A_393 = arith.constant 16 : index
            %swap3A_394 = tpu.vector_load %arg8[%swap3A_392, %swap3A_393] {strides = array<i32>} : memref<128x64xf32, #tpu.memory_space<vmem>>, vector<1x16xf32>,
            %swap3A_395 = vector.shape_cast %swap3A_394 : vector<1x16xf32> to vector<16xf32>
            %swap3A_396 = vector.shape_cast %get3A_391 : vector<16xf32> to vector<1x16xf32>
            tpu.vector_store %arg8[%swap3A_392, %swap3A_393], %swap3A_396 {strides = array<i32>} : memref<128x64xf32, #tpu.memory_space<vmem>>, vector<1x16xf32>,
            %get3A_397 = arith.index_cast %sub3A_379 : i32 to index
            %get3A_398 = arith.constant 32 : index
            %get3A_399 = tpu.vector_load %arg9[%get3A_397, %get3A_398] {strides = array<i32>} : memref<8x64xf32, #tpu.memory_space<vmem>>, vector<1x16xf32>,
            %get3A_400 = vector.shape_cast %get3A_399 : vector<1x16xf32> to vector<16xf32>
            %swap3A_401 = arith.index_cast %add3A_302 : i32 to index
            %swap3A_402 = arith.constant 32 : index
            %swap3A_403 = tpu.vector_load %arg8[%swap3A_401, %swap3A_402] {strides = array<i32>} : memref<128x64xf32, #tpu.memory_space<vmem>>, vector<1x16xf32>,
            %swap3A_404 = vector.shape_cast %swap3A_403 : vector<1x16xf32> to vector<16xf32>
            %swap3A_405 = vector.shape_cast %get3A_400 : vector<16xf32> to vector<1x16xf32>
            tpu.vector_store %arg8[%swap3A_401, %swap3A_402], %swap3A_405 {strides = array<i32>} : memref<128x64xf32, #tpu.memory_space<vmem>>, vector<1x16xf32>,
            %get3A_406 = arith.index_cast %sub3A_379 : i32 to index
            %get3A_407 = arith.constant 48 : index
            %get3A_408 = tpu.vector_load %arg9[%get3A_406, %get3A_407] {strides = array<i32>} : memref<8x64xf32, #tpu.memory_space<vmem>>, vector<1x16xf32>,
            %get3A_409 = vector.shape_cast %get3A_408 : vector<1x16xf32> to vector<16xf32>
            %swap3A_410 = arith.index_cast %add3A_302 : i32 to index
            %swap3A_411 = arith.constant 48 : index
            %swap3A_412 = tpu.vector_load %arg8[%swap3A_410, %swap3A_411] {strides = array<i32>} : memref<128x64xf32, #tpu.memory_space<vmem>>, vector<1x16xf32>,
            %swap3A_413 = vector.shape_cast %swap3A_412 : vector<1x16xf32> to vector<16xf32>
            %swap3A_414 = vector.shape_cast %get3A_409 : vector<16xf32> to vector<1x16xf32>
            tpu.vector_store %arg8[%swap3A_410, %swap3A_411], %swap3A_414 {strides = array<i32>} : memref<128x64xf32, #tpu.memory_space<vmem>>, vector<1x16xf32>,
          } else {
          }
          %slice3A_308 = vector.extract_strided_slice %get3A_146 {offsets = [12], sizes = [1], strides = [1]} : vector<16xi32> to vector<1xi32>
          %squeeze3A_309 = vector.extract %slice3A_308[0] : i32 from vector<1xi32>
          %eq3A_310 = arith.constant 0 : i32
          %eq3A_311 = arith.cmpi eq, %squeeze3A_309, %eq3A_310 : i32
          %mul3A_312 = arith.constant 16 : i32
          %mul3A_313 = arith.muli %scan3A_138, %mul3A_312 : i32
          %add3A_314 = arith.constant 12 : i32
          %add3A_315 = arith.addi %mul3A_313, %add3A_314 : i32
          %slice3A_316 = vector.extract_strided_slice %get3A_151 {offsets = [12], sizes = [1], strides = [1]} : vector<16xi32> to vector<1xi32>
          %squeeze3A_317 = vector.extract %slice3A_316[0] : i32 from vector<1xi32>
          %convert_element_type3A_318 = arith.extui %eq3A_311 : i1 to i32
          %cond3A_319 = arith.constant 0 : i32
          %cond3A_320 = arith.cmpi ne, %convert_element_type3A_318, %cond3A_319 : i32
          scf.if %cond3A_320 {
            %jit3A = arith.constant 8 : i32
            %div3A = arith.divsi %squeeze3A_317, %jit3A : i32
            %sign3A = arith.constant 0 : i32
            %sign3A_361 = arith.cmpi sgt, %squeeze3A_317, %sign3A : i32
            %sign3A_362 = arith.extui %sign3A_361 : i1 to i32
            %sign3A_363 = arith.constant 0 : i32
            %sign3A_364 = arith.cmpi slt, %squeeze3A_317, %sign3A_363 : i32
            %sign3A_365 = arith.extui %sign3A_364 : i1 to i32
            %sign3A_366 = arith.subi %sign3A_362, %sign3A_365 : i32
            %sign3A_367 = arith.constant 0 : i32
            %sign3A_368 = arith.cmpi sgt, %jit3A, %sign3A_367 : i32
            %sign3A_369 = arith.extui %sign3A_368 : i1 to i32
            %sign3A_370 = arith.constant 0 : i32
            %sign3A_371 = arith.cmpi slt, %jit3A, %sign3A_370 : i32
            %sign3A_372 = arith.extui %sign3A_371 : i1 to i32
            %sign3A_373 = arith.subi %sign3A_369, %sign3A_372 : i32
            %ne3A = arith.cmpi ne, %sign3A_366, %sign3A_373 : i32
            %rem3A = arith.remsi %squeeze3A_317, %jit3A : i32
            %ne3A_374 = arith.constant 0 : i32
            %ne3A_375 = arith.cmpi ne, %rem3A, %ne3A_374 : i32
            %and3A = arith.andi %ne3A, %ne3A_375 : i1
            %sub3A = arith.constant 1 : i32
            %sub3A_376 = arith.subi %div3A, %sub3A : i32
            %select_n3A = arith.select %and3A, %sub3A_376, %div3A : i32
            %mul3A_377 = arith.constant 8 : i32
            %mul3A_378 = arith.muli %select_n3A, %mul3A_377 : i32
            "tpu.region"() ({
              %run_scoped3A = tpu.sem_alloc : memref<!tpu.dma_semaphore, #tpu.memory_space<semaphore_mem>>
              %dma_start3A_415 = arith.constant 0 : i32
              %dma_start3A_416 = tpu.memref_slice %arg4[%mul3A_378, %dma_start3A_415] : memref<8192x64xf32, #tpu.memory_space<hbm>> -> memref<8x64xf32, #tpu.memory_space<hbm>>
              %dma_start3A_417 = arith.constant 0 : i32
              %dma_start3A_418 = tpu.memref_slice %arg4[%mul3A_378, %dma_start3A_417] : memref<8192x64xf32, #tpu.memory_space<hbm>> -> memref<8x64xf32, #tpu.memory_space<hbm>>
              tpu.enqueue_dma source(%dma_start3A_418 : memref<8x64xf32, #tpu.memory_space<hbm>>) target(%arg9 : memref<8x64xf32, #tpu.memory_space<vmem>>) target_semaphore(%run_scoped3A : memref<!tpu.dma_semaphore, #tpu.memory_space<semaphore_mem>>)
              %dma_wait3A_419 = arith.constant 0 : i32
              %dma_wait3A_420 = tpu.memref_slice %arg4[%mul3A_378, %dma_wait3A_419] : memref<8192x64xf32, #tpu.memory_space<hbm>> -> memref<8x64xf32, #tpu.memory_space<hbm>>
              %dma_wait3A_421 = arith.constant 0 : i32
              %dma_wait3A_422 = tpu.memref_slice %arg4[%mul3A_378, %dma_wait3A_421] : memref<8192x64xf32, #tpu.memory_space<hbm>> -> memref<8x64xf32, #tpu.memory_space<hbm>>
              tpu.wait_dma2 semaphore(%run_scoped3A : memref<!tpu.dma_semaphore, #tpu.memory_space<semaphore_mem>>) src(%dma_wait3A_422 : memref<8x64xf32, #tpu.memory_space<hbm>>) dst(%arg9 : memref<8x64xf32, #tpu.memory_space<vmem>>)
              tpu.yield
            }) : () -> ()
            %sub3A_379 = arith.subi %squeeze3A_317, %mul3A_378 : i32
            %get3A_380 = arith.index_cast %sub3A_379 : i32 to index
            %get3A_381 = arith.constant 0 : index
            %get3A_382 = tpu.vector_load %arg9[%get3A_380, %get3A_381] {strides = array<i32>} : memref<8x64xf32, #tpu.memory_space<vmem>>, vector<1x16xf32>,
            %get3A_383 = vector.shape_cast %get3A_382 : vector<1x16xf32> to vector<16xf32>
            %swap3A = arith.index_cast %add3A_315 : i32 to index
            %swap3A_384 = arith.constant 0 : index
            %swap3A_385 = tpu.vector_load %arg8[%swap3A, %swap3A_384] {strides = array<i32>} : memref<128x64xf32, #tpu.memory_space<vmem>>, vector<1x16xf32>,
            %swap3A_386 = vector.shape_cast %swap3A_385 : vector<1x16xf32> to vector<16xf32>
            %swap3A_387 = vector.shape_cast %get3A_383 : vector<16xf32> to vector<1x16xf32>
            tpu.vector_store %arg8[%swap3A, %swap3A_384], %swap3A_387 {strides = array<i32>} : memref<128x64xf32, #tpu.memory_space<vmem>>, vector<1x16xf32>,
            %get3A_388 = arith.index_cast %sub3A_379 : i32 to index
            %get3A_389 = arith.constant 16 : index
            %get3A_390 = tpu.vector_load %arg9[%get3A_388, %get3A_389] {strides = array<i32>} : memref<8x64xf32, #tpu.memory_space<vmem>>, vector<1x16xf32>,
            %get3A_391 = vector.shape_cast %get3A_390 : vector<1x16xf32> to vector<16xf32>
            %swap3A_392 = arith.index_cast %add3A_315 : i32 to index
            %swap3A_393 = arith.constant 16 : index
            %swap3A_394 = tpu.vector_load %arg8[%swap3A_392, %swap3A_393] {strides = array<i32>} : memref<128x64xf32, #tpu.memory_space<vmem>>, vector<1x16xf32>,
            %swap3A_395 = vector.shape_cast %swap3A_394 : vector<1x16xf32> to vector<16xf32>
            %swap3A_396 = vector.shape_cast %get3A_391 : vector<16xf32> to vector<1x16xf32>
            tpu.vector_store %arg8[%swap3A_392, %swap3A_393], %swap3A_396 {strides = array<i32>} : memref<128x64xf32, #tpu.memory_space<vmem>>, vector<1x16xf32>,
            %get3A_397 = arith.index_cast %sub3A_379 : i32 to index
            %get3A_398 = arith.constant 32 : index
            %get3A_399 = tpu.vector_load %arg9[%get3A_397, %get3A_398] {strides = array<i32>} : memref<8x64xf32, #tpu.memory_space<vmem>>, vector<1x16xf32>,
            %get3A_400 = vector.shape_cast %get3A_399 : vector<1x16xf32> to vector<16xf32>
            %swap3A_401 = arith.index_cast %add3A_315 : i32 to index
            %swap3A_402 = arith.constant 32 : index
            %swap3A_403 = tpu.vector_load %arg8[%swap3A_401, %swap3A_402] {strides = array<i32>} : memref<128x64xf32, #tpu.memory_space<vmem>>, vector<1x16xf32>,
            %swap3A_404 = vector.shape_cast %swap3A_403 : vector<1x16xf32> to vector<16xf32>
            %swap3A_405 = vector.shape_cast %get3A_400 : vector<16xf32> to vector<1x16xf32>
            tpu.vector_store %arg8[%swap3A_401, %swap3A_402], %swap3A_405 {strides = array<i32>} : memref<128x64xf32, #tpu.memory_space<vmem>>, vector<1x16xf32>,
            %get3A_406 = arith.index_cast %sub3A_379 : i32 to index
            %get3A_407 = arith.constant 48 : index
            %get3A_408 = tpu.vector_load %arg9[%get3A_406, %get3A_407] {strides = array<i32>} : memref<8x64xf32, #tpu.memory_space<vmem>>, vector<1x16xf32>,
            %get3A_409 = vector.shape_cast %get3A_408 : vector<1x16xf32> to vector<16xf32>
            %swap3A_410 = arith.index_cast %add3A_315 : i32 to index
            %swap3A_411 = arith.constant 48 : index
            %swap3A_412 = tpu.vector_load %arg8[%swap3A_410, %swap3A_411] {strides = array<i32>} : memref<128x64xf32, #tpu.memory_space<vmem>>, vector<1x16xf32>,
            %swap3A_413 = vector.shape_cast %swap3A_412 : vector<1x16xf32> to vector<16xf32>
            %swap3A_414 = vector.shape_cast %get3A_409 : vector<16xf32> to vector<1x16xf32>
            tpu.vector_store %arg8[%swap3A_410, %swap3A_411], %swap3A_414 {strides = array<i32>} : memref<128x64xf32, #tpu.memory_space<vmem>>, vector<1x16xf32>,
          } else {
          }
          %slice3A_321 = vector.extract_strided_slice %get3A_146 {offsets = [13], sizes = [1], strides = [1]} : vector<16xi32> to vector<1xi32>
          %squeeze3A_322 = vector.extract %slice3A_321[0] : i32 from vector<1xi32>
          %eq3A_323 = arith.constant 0 : i32
          %eq3A_324 = arith.cmpi eq, %squeeze3A_322, %eq3A_323 : i32
          %mul3A_325 = arith.constant 16 : i32
          %mul3A_326 = arith.muli %scan3A_138, %mul3A_325 : i32
          %add3A_327 = arith.constant 13 : i32
          %add3A_328 = arith.addi %mul3A_326, %add3A_327 : i32
          %slice3A_329 = vector.extract_strided_slice %get3A_151 {offsets = [13], sizes = [1], strides = [1]} : vector<16xi32> to vector<1xi32>
          %squeeze3A_330 = vector.extract %slice3A_329[0] : i32 from vector<1xi32>
          %convert_element_type3A_331 = arith.extui %eq3A_324 : i1 to i32
          %cond3A_332 = arith.constant 0 : i32
          %cond3A_333 = arith.cmpi ne, %convert_element_type3A_331, %cond3A_332 : i32
          scf.if %cond3A_333 {
            %jit3A = arith.constant 8 : i32
            %div3A = arith.divsi %squeeze3A_330, %jit3A : i32
            %sign3A = arith.constant 0 : i32
            %sign3A_361 = arith.cmpi sgt, %squeeze3A_330, %sign3A : i32
            %sign3A_362 = arith.extui %sign3A_361 : i1 to i32
            %sign3A_363 = arith.constant 0 : i32
            %sign3A_364 = arith.cmpi slt, %squeeze3A_330, %sign3A_363 : i32
            %sign3A_365 = arith.extui %sign3A_364 : i1 to i32
            %sign3A_366 = arith.subi %sign3A_362, %sign3A_365 : i32
            %sign3A_367 = arith.constant 0 : i32
            %sign3A_368 = arith.cmpi sgt, %jit3A, %sign3A_367 : i32
            %sign3A_369 = arith.extui %sign3A_368 : i1 to i32
            %sign3A_370 = arith.constant 0 : i32
            %sign3A_371 = arith.cmpi slt, %jit3A, %sign3A_370 : i32
            %sign3A_372 = arith.extui %sign3A_371 : i1 to i32
            %sign3A_373 = arith.subi %sign3A_369, %sign3A_372 : i32
            %ne3A = arith.cmpi ne, %sign3A_366, %sign3A_373 : i32
            %rem3A = arith.remsi %squeeze3A_330, %jit3A : i32
            %ne3A_374 = arith.constant 0 : i32
            %ne3A_375 = arith.cmpi ne, %rem3A, %ne3A_374 : i32
            %and3A = arith.andi %ne3A, %ne3A_375 : i1
            %sub3A = arith.constant 1 : i32
            %sub3A_376 = arith.subi %div3A, %sub3A : i32
            %select_n3A = arith.select %and3A, %sub3A_376, %div3A : i32
            %mul3A_377 = arith.constant 8 : i32
            %mul3A_378 = arith.muli %select_n3A, %mul3A_377 : i32
            "tpu.region"() ({
              %run_scoped3A = tpu.sem_alloc : memref<!tpu.dma_semaphore, #tpu.memory_space<semaphore_mem>>
              %dma_start3A_415 = arith.constant 0 : i32
              %dma_start3A_416 = tpu.memref_slice %arg4[%mul3A_378, %dma_start3A_415] : memref<8192x64xf32, #tpu.memory_space<hbm>> -> memref<8x64xf32, #tpu.memory_space<hbm>>
              %dma_start3A_417 = arith.constant 0 : i32
              %dma_start3A_418 = tpu.memref_slice %arg4[%mul3A_378, %dma_start3A_417] : memref<8192x64xf32, #tpu.memory_space<hbm>> -> memref<8x64xf32, #tpu.memory_space<hbm>>
              tpu.enqueue_dma source(%dma_start3A_418 : memref<8x64xf32, #tpu.memory_space<hbm>>) target(%arg9 : memref<8x64xf32, #tpu.memory_space<vmem>>) target_semaphore(%run_scoped3A : memref<!tpu.dma_semaphore, #tpu.memory_space<semaphore_mem>>)
              %dma_wait3A_419 = arith.constant 0 : i32
              %dma_wait3A_420 = tpu.memref_slice %arg4[%mul3A_378, %dma_wait3A_419] : memref<8192x64xf32, #tpu.memory_space<hbm>> -> memref<8x64xf32, #tpu.memory_space<hbm>>
              %dma_wait3A_421 = arith.constant 0 : i32
              %dma_wait3A_422 = tpu.memref_slice %arg4[%mul3A_378, %dma_wait3A_421] : memref<8192x64xf32, #tpu.memory_space<hbm>> -> memref<8x64xf32, #tpu.memory_space<hbm>>
              tpu.wait_dma2 semaphore(%run_scoped3A : memref<!tpu.dma_semaphore, #tpu.memory_space<semaphore_mem>>) src(%dma_wait3A_422 : memref<8x64xf32, #tpu.memory_space<hbm>>) dst(%arg9 : memref<8x64xf32, #tpu.memory_space<vmem>>)
              tpu.yield
            }) : () -> ()
            %sub3A_379 = arith.subi %squeeze3A_330, %mul3A_378 : i32
            %get3A_380 = arith.index_cast %sub3A_379 : i32 to index
            %get3A_381 = arith.constant 0 : index
            %get3A_382 = tpu.vector_load %arg9[%get3A_380, %get3A_381] {strides = array<i32>} : memref<8x64xf32, #tpu.memory_space<vmem>>, vector<1x16xf32>,
            %get3A_383 = vector.shape_cast %get3A_382 : vector<1x16xf32> to vector<16xf32>
            %swap3A = arith.index_cast %add3A_328 : i32 to index
            %swap3A_384 = arith.constant 0 : index
            %swap3A_385 = tpu.vector_load %arg8[%swap3A, %swap3A_384] {strides = array<i32>} : memref<128x64xf32, #tpu.memory_space<vmem>>, vector<1x16xf32>,
            %swap3A_386 = vector.shape_cast %swap3A_385 : vector<1x16xf32> to vector<16xf32>
            %swap3A_387 = vector.shape_cast %get3A_383 : vector<16xf32> to vector<1x16xf32>
            tpu.vector_store %arg8[%swap3A, %swap3A_384], %swap3A_387 {strides = array<i32>} : memref<128x64xf32, #tpu.memory_space<vmem>>, vector<1x16xf32>,
            %get3A_388 = arith.index_cast %sub3A_379 : i32 to index
            %get3A_389 = arith.constant 16 : index
            %get3A_390 = tpu.vector_load %arg9[%get3A_388, %get3A_389] {strides = array<i32>} : memref<8x64xf32, #tpu.memory_space<vmem>>, vector<1x16xf32>,
            %get3A_391 = vector.shape_cast %get3A_390 : vector<1x16xf32> to vector<16xf32>
            %swap3A_392 = arith.index_cast %add3A_328 : i32 to index
            %swap3A_393 = arith.constant 16 : index
            %swap3A_394 = tpu.vector_load %arg8[%swap3A_392, %swap3A_393] {strides = array<i32>} : memref<128x64xf32, #tpu.memory_space<vmem>>, vector<1x16xf32>,
            %swap3A_395 = vector.shape_cast %swap3A_394 : vector<1x16xf32> to vector<16xf32>
            %swap3A_396 = vector.shape_cast %get3A_391 : vector<16xf32> to vector<1x16xf32>
            tpu.vector_store %arg8[%swap3A_392, %swap3A_393], %swap3A_396 {strides = array<i32>} : memref<128x64xf32, #tpu.memory_space<vmem>>, vector<1x16xf32>,
            %get3A_397 = arith.index_cast %sub3A_379 : i32 to index
            %get3A_398 = arith.constant 32 : index
            %get3A_399 = tpu.vector_load %arg9[%get3A_397, %get3A_398] {strides = array<i32>} : memref<8x64xf32, #tpu.memory_space<vmem>>, vector<1x16xf32>,
            %get3A_400 = vector.shape_cast %get3A_399 : vector<1x16xf32> to vector<16xf32>
            %swap3A_401 = arith.index_cast %add3A_328 : i32 to index
            %swap3A_402 = arith.constant 32 : index
            %swap3A_403 = tpu.vector_load %arg8[%swap3A_401, %swap3A_402] {strides = array<i32>} : memref<128x64xf32, #tpu.memory_space<vmem>>, vector<1x16xf32>,
            %swap3A_404 = vector.shape_cast %swap3A_403 : vector<1x16xf32> to vector<16xf32>
            %swap3A_405 = vector.shape_cast %get3A_400 : vector<16xf32> to vector<1x16xf32>
            tpu.vector_store %arg8[%swap3A_401, %swap3A_402], %swap3A_405 {strides = array<i32>} : memref<128x64xf32, #tpu.memory_space<vmem>>, vector<1x16xf32>,
            %get3A_406 = arith.index_cast %sub3A_379 : i32 to index
            %get3A_407 = arith.constant 48 : index
            %get3A_408 = tpu.vector_load %arg9[%get3A_406, %get3A_407] {strides = array<i32>} : memref<8x64xf32, #tpu.memory_space<vmem>>, vector<1x16xf32>,
            %get3A_409 = vector.shape_cast %get3A_408 : vector<1x16xf32> to vector<16xf32>
            %swap3A_410 = arith.index_cast %add3A_328 : i32 to index
            %swap3A_411 = arith.constant 48 : index
            %swap3A_412 = tpu.vector_load %arg8[%swap3A_410, %swap3A_411] {strides = array<i32>} : memref<128x64xf32, #tpu.memory_space<vmem>>, vector<1x16xf32>,
            %swap3A_413 = vector.shape_cast %swap3A_412 : vector<1x16xf32> to vector<16xf32>
            %swap3A_414 = vector.shape_cast %get3A_409 : vector<16xf32> to vector<1x16xf32>
            tpu.vector_store %arg8[%swap3A_410, %swap3A_411], %swap3A_414 {strides = array<i32>} : memref<128x64xf32, #tpu.memory_space<vmem>>, vector<1x16xf32>,
          } else {
          }
          %slice3A_334 = vector.extract_strided_slice %get3A_146 {offsets = [14], sizes = [1], strides = [1]} : vector<16xi32> to vector<1xi32>
          %squeeze3A_335 = vector.extract %slice3A_334[0] : i32 from vector<1xi32>
          %eq3A_336 = arith.constant 0 : i32
          %eq3A_337 = arith.cmpi eq, %squeeze3A_335, %eq3A_336 : i32
          %mul3A_338 = arith.constant 16 : i32
          %mul3A_339 = arith.muli %scan3A_138, %mul3A_338 : i32
          %add3A_340 = arith.constant 14 : i32
          %add3A_341 = arith.addi %mul3A_339, %add3A_340 : i32
          %slice3A_342 = vector.extract_strided_slice %get3A_151 {offsets = [14], sizes = [1], strides = [1]} : vector<16xi32> to vector<1xi32>
          %squeeze3A_343 = vector.extract %slice3A_342[0] : i32 from vector<1xi32>
          %convert_element_type3A_344 = arith.extui %eq3A_337 : i1 to i32
          %cond3A_345 = arith.constant 0 : i32
          %cond3A_346 = arith.cmpi ne, %convert_element_type3A_344, %cond3A_345 : i32
          scf.if %cond3A_346 {
            %jit3A = arith.constant 8 : i32
            %div3A = arith.divsi %squeeze3A_343, %jit3A : i32
            %sign3A = arith.constant 0 : i32
            %sign3A_361 = arith.cmpi sgt, %squeeze3A_343, %sign3A : i32
            %sign3A_362 = arith.extui %sign3A_361 : i1 to i32
            %sign3A_363 = arith.constant 0 : i32
            %sign3A_364 = arith.cmpi slt, %squeeze3A_343, %sign3A_363 : i32
            %sign3A_365 = arith.extui %sign3A_364 : i1 to i32
            %sign3A_366 = arith.subi %sign3A_362, %sign3A_365 : i32
            %sign3A_367 = arith.constant 0 : i32
            %sign3A_368 = arith.cmpi sgt, %jit3A, %sign3A_367 : i32
            %sign3A_369 = arith.extui %sign3A_368 : i1 to i32
            %sign3A_370 = arith.constant 0 : i32
            %sign3A_371 = arith.cmpi slt, %jit3A, %sign3A_370 : i32
            %sign3A_372 = arith.extui %sign3A_371 : i1 to i32
            %sign3A_373 = arith.subi %sign3A_369, %sign3A_372 : i32
            %ne3A = arith.cmpi ne, %sign3A_366, %sign3A_373 : i32
            %rem3A = arith.remsi %squeeze3A_343, %jit3A : i32
            %ne3A_374 = arith.constant 0 : i32
            %ne3A_375 = arith.cmpi ne, %rem3A, %ne3A_374 : i32
            %and3A = arith.andi %ne3A, %ne3A_375 : i1
            %sub3A = arith.constant 1 : i32
            %sub3A_376 = arith.subi %div3A, %sub3A : i32
            %select_n3A = arith.select %and3A, %sub3A_376, %div3A : i32
            %mul3A_377 = arith.constant 8 : i32
            %mul3A_378 = arith.muli %select_n3A, %mul3A_377 : i32
            "tpu.region"() ({
              %run_scoped3A = tpu.sem_alloc : memref<!tpu.dma_semaphore, #tpu.memory_space<semaphore_mem>>
              %dma_start3A_415 = arith.constant 0 : i32
              %dma_start3A_416 = tpu.memref_slice %arg4[%mul3A_378, %dma_start3A_415] : memref<8192x64xf32, #tpu.memory_space<hbm>> -> memref<8x64xf32, #tpu.memory_space<hbm>>
              %dma_start3A_417 = arith.constant 0 : i32
              %dma_start3A_418 = tpu.memref_slice %arg4[%mul3A_378, %dma_start3A_417] : memref<8192x64xf32, #tpu.memory_space<hbm>> -> memref<8x64xf32, #tpu.memory_space<hbm>>
              tpu.enqueue_dma source(%dma_start3A_418 : memref<8x64xf32, #tpu.memory_space<hbm>>) target(%arg9 : memref<8x64xf32, #tpu.memory_space<vmem>>) target_semaphore(%run_scoped3A : memref<!tpu.dma_semaphore, #tpu.memory_space<semaphore_mem>>)
              %dma_wait3A_419 = arith.constant 0 : i32
              %dma_wait3A_420 = tpu.memref_slice %arg4[%mul3A_378, %dma_wait3A_419] : memref<8192x64xf32, #tpu.memory_space<hbm>> -> memref<8x64xf32, #tpu.memory_space<hbm>>
              %dma_wait3A_421 = arith.constant 0 : i32
              %dma_wait3A_422 = tpu.memref_slice %arg4[%mul3A_378, %dma_wait3A_421] : memref<8192x64xf32, #tpu.memory_space<hbm>> -> memref<8x64xf32, #tpu.memory_space<hbm>>
              tpu.wait_dma2 semaphore(%run_scoped3A : memref<!tpu.dma_semaphore, #tpu.memory_space<semaphore_mem>>) src(%dma_wait3A_422 : memref<8x64xf32, #tpu.memory_space<hbm>>) dst(%arg9 : memref<8x64xf32, #tpu.memory_space<vmem>>)
              tpu.yield
            }) : () -> ()
            %sub3A_379 = arith.subi %squeeze3A_343, %mul3A_378 : i32
            %get3A_380 = arith.index_cast %sub3A_379 : i32 to index
            %get3A_381 = arith.constant 0 : index
            %get3A_382 = tpu.vector_load %arg9[%get3A_380, %get3A_381] {strides = array<i32>} : memref<8x64xf32, #tpu.memory_space<vmem>>, vector<1x16xf32>,
            %get3A_383 = vector.shape_cast %get3A_382 : vector<1x16xf32> to vector<16xf32>
            %swap3A = arith.index_cast %add3A_341 : i32 to index
            %swap3A_384 = arith.constant 0 : index
            %swap3A_385 = tpu.vector_load %arg8[%swap3A, %swap3A_384] {strides = array<i32>} : memref<128x64xf32, #tpu.memory_space<vmem>>, vector<1x16xf32>,
            %swap3A_386 = vector.shape_cast %swap3A_385 : vector<1x16xf32> to vector<16xf32>
            %swap3A_387 = vector.shape_cast %get3A_383 : vector<16xf32> to vector<1x16xf32>
            tpu.vector_store %arg8[%swap3A, %swap3A_384], %swap3A_387 {strides = array<i32>} : memref<128x64xf32, #tpu.memory_space<vmem>>, vector<1x16xf32>,
            %get3A_388 = arith.index_cast %sub3A_379 : i32 to index
            %get3A_389 = arith.constant 16 : index
            %get3A_390 = tpu.vector_load %arg9[%get3A_388, %get3A_389] {strides = array<i32>} : memref<8x64xf32, #tpu.memory_space<vmem>>, vector<1x16xf32>,
            %get3A_391 = vector.shape_cast %get3A_390 : vector<1x16xf32> to vector<16xf32>
            %swap3A_392 = arith.index_cast %add3A_341 : i32 to index
            %swap3A_393 = arith.constant 16 : index
            %swap3A_394 = tpu.vector_load %arg8[%swap3A_392, %swap3A_393] {strides = array<i32>} : memref<128x64xf32, #tpu.memory_space<vmem>>, vector<1x16xf32>,
            %swap3A_395 = vector.shape_cast %swap3A_394 : vector<1x16xf32> to vector<16xf32>
            %swap3A_396 = vector.shape_cast %get3A_391 : vector<16xf32> to vector<1x16xf32>
            tpu.vector_store %arg8[%swap3A_392, %swap3A_393], %swap3A_396 {strides = array<i32>} : memref<128x64xf32, #tpu.memory_space<vmem>>, vector<1x16xf32>,
            %get3A_397 = arith.index_cast %sub3A_379 : i32 to index
            %get3A_398 = arith.constant 32 : index
            %get3A_399 = tpu.vector_load %arg9[%get3A_397, %get3A_398] {strides = array<i32>} : memref<8x64xf32, #tpu.memory_space<vmem>>, vector<1x16xf32>,
            %get3A_400 = vector.shape_cast %get3A_399 : vector<1x16xf32> to vector<16xf32>
            %swap3A_401 = arith.index_cast %add3A_341 : i32 to index
            %swap3A_402 = arith.constant 32 : index
            %swap3A_403 = tpu.vector_load %arg8[%swap3A_401, %swap3A_402] {strides = array<i32>} : memref<128x64xf32, #tpu.memory_space<vmem>>, vector<1x16xf32>,
            %swap3A_404 = vector.shape_cast %swap3A_403 : vector<1x16xf32> to vector<16xf32>
            %swap3A_405 = vector.shape_cast %get3A_400 : vector<16xf32> to vector<1x16xf32>
            tpu.vector_store %arg8[%swap3A_401, %swap3A_402], %swap3A_405 {strides = array<i32>} : memref<128x64xf32, #tpu.memory_space<vmem>>, vector<1x16xf32>,
            %get3A_406 = arith.index_cast %sub3A_379 : i32 to index
            %get3A_407 = arith.constant 48 : index
            %get3A_408 = tpu.vector_load %arg9[%get3A_406, %get3A_407] {strides = array<i32>} : memref<8x64xf32, #tpu.memory_space<vmem>>, vector<1x16xf32>,
            %get3A_409 = vector.shape_cast %get3A_408 : vector<1x16xf32> to vector<16xf32>
            %swap3A_410 = arith.index_cast %add3A_341 : i32 to index
            %swap3A_411 = arith.constant 48 : index
            %swap3A_412 = tpu.vector_load %arg8[%swap3A_410, %swap3A_411] {strides = array<i32>} : memref<128x64xf32, #tpu.memory_space<vmem>>, vector<1x16xf32>,
            %swap3A_413 = vector.shape_cast %swap3A_412 : vector<1x16xf32> to vector<16xf32>
            %swap3A_414 = vector.shape_cast %get3A_409 : vector<16xf32> to vector<1x16xf32>
            tpu.vector_store %arg8[%swap3A_410, %swap3A_411], %swap3A_414 {strides = array<i32>} : memref<128x64xf32, #tpu.memory_space<vmem>>, vector<1x16xf32>,
          } else {
          }
          %slice3A_347 = vector.extract_strided_slice %get3A_146 {offsets = [15], sizes = [1], strides = [1]} : vector<16xi32> to vector<1xi32>
          %squeeze3A_348 = vector.extract %slice3A_347[0] : i32 from vector<1xi32>
          %eq3A_349 = arith.constant 0 : i32
          %eq3A_350 = arith.cmpi eq, %squeeze3A_348, %eq3A_349 : i32
          %mul3A_351 = arith.constant 16 : i32
          %mul3A_352 = arith.muli %scan3A_138, %mul3A_351 : i32
          %add3A_353 = arith.constant 15 : i32
          %add3A_354 = arith.addi %mul3A_352, %add3A_353 : i32
          %slice3A_355 = vector.extract_strided_slice %get3A_151 {offsets = [15], sizes = [1], strides = [1]} : vector<16xi32> to vector<1xi32>
          %squeeze3A_356 = vector.extract %slice3A_355[0] : i32 from vector<1xi32>
          %convert_element_type3A_357 = arith.extui %eq3A_350 : i1 to i32
          %cond3A_358 = arith.constant 0 : i32
          %cond3A_359 = arith.cmpi ne, %convert_element_type3A_357, %cond3A_358 : i32
          scf.if %cond3A_359 {
            %jit3A = arith.constant 8 : i32
            %div3A = arith.divsi %squeeze3A_356, %jit3A : i32
            %sign3A = arith.constant 0 : i32
            %sign3A_361 = arith.cmpi sgt, %squeeze3A_356, %sign3A : i32
            %sign3A_362 = arith.extui %sign3A_361 : i1 to i32
            %sign3A_363 = arith.constant 0 : i32
            %sign3A_364 = arith.cmpi slt, %squeeze3A_356, %sign3A_363 : i32
            %sign3A_365 = arith.extui %sign3A_364 : i1 to i32
            %sign3A_366 = arith.subi %sign3A_362, %sign3A_365 : i32
            %sign3A_367 = arith.constant 0 : i32
            %sign3A_368 = arith.cmpi sgt, %jit3A, %sign3A_367 : i32
            %sign3A_369 = arith.extui %sign3A_368 : i1 to i32
            %sign3A_370 = arith.constant 0 : i32
            %sign3A_371 = arith.cmpi slt, %jit3A, %sign3A_370 : i32
            %sign3A_372 = arith.extui %sign3A_371 : i1 to i32
            %sign3A_373 = arith.subi %sign3A_369, %sign3A_372 : i32
            %ne3A = arith.cmpi ne, %sign3A_366, %sign3A_373 : i32
            %rem3A = arith.remsi %squeeze3A_356, %jit3A : i32
            %ne3A_374 = arith.constant 0 : i32
            %ne3A_375 = arith.cmpi ne, %rem3A, %ne3A_374 : i32
            %and3A = arith.andi %ne3A, %ne3A_375 : i1
            %sub3A = arith.constant 1 : i32
            %sub3A_376 = arith.subi %div3A, %sub3A : i32
            %select_n3A = arith.select %and3A, %sub3A_376, %div3A : i32
            %mul3A_377 = arith.constant 8 : i32
            %mul3A_378 = arith.muli %select_n3A, %mul3A_377 : i32
            "tpu.region"() ({
              %run_scoped3A = tpu.sem_alloc : memref<!tpu.dma_semaphore, #tpu.memory_space<semaphore_mem>>
              %dma_start3A_415 = arith.constant 0 : i32
              %dma_start3A_416 = tpu.memref_slice %arg4[%mul3A_378, %dma_start3A_415] : memref<8192x64xf32, #tpu.memory_space<hbm>> -> memref<8x64xf32, #tpu.memory_space<hbm>>
              %dma_start3A_417 = arith.constant 0 : i32
              %dma_start3A_418 = tpu.memref_slice %arg4[%mul3A_378, %dma_start3A_417] : memref<8192x64xf32, #tpu.memory_space<hbm>> -> memref<8x64xf32, #tpu.memory_space<hbm>>
              tpu.enqueue_dma source(%dma_start3A_418 : memref<8x64xf32, #tpu.memory_space<hbm>>) target(%arg9 : memref<8x64xf32, #tpu.memory_space<vmem>>) target_semaphore(%run_scoped3A : memref<!tpu.dma_semaphore, #tpu.memory_space<semaphore_mem>>)
              %dma_wait3A_419 = arith.constant 0 : i32
              %dma_wait3A_420 = tpu.memref_slice %arg4[%mul3A_378, %dma_wait3A_419] : memref<8192x64xf32, #tpu.memory_space<hbm>> -> memref<8x64xf32, #tpu.memory_space<hbm>>
              %dma_wait3A_421 = arith.constant 0 : i32
              %dma_wait3A_422 = tpu.memref_slice %arg4[%mul3A_378, %dma_wait3A_421] : memref<8192x64xf32, #tpu.memory_space<hbm>> -> memref<8x64xf32, #tpu.memory_space<hbm>>
              tpu.wait_dma2 semaphore(%run_scoped3A : memref<!tpu.dma_semaphore, #tpu.memory_space<semaphore_mem>>) src(%dma_wait3A_422 : memref<8x64xf32, #tpu.memory_space<hbm>>) dst(%arg9 : memref<8x64xf32, #tpu.memory_space<vmem>>)
              tpu.yield
            }) : () -> ()
            %sub3A_379 = arith.subi %squeeze3A_356, %mul3A_378 : i32
            %get3A_380 = arith.index_cast %sub3A_379 : i32 to index
            %get3A_381 = arith.constant 0 : index
            %get3A_382 = tpu.vector_load %arg9[%get3A_380, %get3A_381] {strides = array<i32>} : memref<8x64xf32, #tpu.memory_space<vmem>>, vector<1x16xf32>,
            %get3A_383 = vector.shape_cast %get3A_382 : vector<1x16xf32> to vector<16xf32>
            %swap3A = arith.index_cast %add3A_354 : i32 to index
            %swap3A_384 = arith.constant 0 : index
            %swap3A_385 = tpu.vector_load %arg8[%swap3A, %swap3A_384] {strides = array<i32>} : memref<128x64xf32, #tpu.memory_space<vmem>>, vector<1x16xf32>,
            %swap3A_386 = vector.shape_cast %swap3A_385 : vector<1x16xf32> to vector<16xf32>
            %swap3A_387 = vector.shape_cast %get3A_383 : vector<16xf32> to vector<1x16xf32>
            tpu.vector_store %arg8[%swap3A, %swap3A_384], %swap3A_387 {strides = array<i32>} : memref<128x64xf32, #tpu.memory_space<vmem>>, vector<1x16xf32>,
            %get3A_388 = arith.index_cast %sub3A_379 : i32 to index
            %get3A_389 = arith.constant 16 : index
            %get3A_390 = tpu.vector_load %arg9[%get3A_388, %get3A_389] {strides = array<i32>} : memref<8x64xf32, #tpu.memory_space<vmem>>, vector<1x16xf32>,
            %get3A_391 = vector.shape_cast %get3A_390 : vector<1x16xf32> to vector<16xf32>
            %swap3A_392 = arith.index_cast %add3A_354 : i32 to index
            %swap3A_393 = arith.constant 16 : index
            %swap3A_394 = tpu.vector_load %arg8[%swap3A_392, %swap3A_393] {strides = array<i32>} : memref<128x64xf32, #tpu.memory_space<vmem>>, vector<1x16xf32>,
            %swap3A_395 = vector.shape_cast %swap3A_394 : vector<1x16xf32> to vector<16xf32>
            %swap3A_396 = vector.shape_cast %get3A_391 : vector<16xf32> to vector<1x16xf32>
            tpu.vector_store %arg8[%swap3A_392, %swap3A_393], %swap3A_396 {strides = array<i32>} : memref<128x64xf32, #tpu.memory_space<vmem>>, vector<1x16xf32>,
            %get3A_397 = arith.index_cast %sub3A_379 : i32 to index
            %get3A_398 = arith.constant 32 : index
            %get3A_399 = tpu.vector_load %arg9[%get3A_397, %get3A_398] {strides = array<i32>} : memref<8x64xf32, #tpu.memory_space<vmem>>, vector<1x16xf32>,
            %get3A_400 = vector.shape_cast %get3A_399 : vector<1x16xf32> to vector<16xf32>
            %swap3A_401 = arith.index_cast %add3A_354 : i32 to index
            %swap3A_402 = arith.constant 32 : index
            %swap3A_403 = tpu.vector_load %arg8[%swap3A_401, %swap3A_402] {strides = array<i32>} : memref<128x64xf32, #tpu.memory_space<vmem>>, vector<1x16xf32>,
            %swap3A_404 = vector.shape_cast %swap3A_403 : vector<1x16xf32> to vector<16xf32>
            %swap3A_405 = vector.shape_cast %get3A_400 : vector<16xf32> to vector<1x16xf32>
            tpu.vector_store %arg8[%swap3A_401, %swap3A_402], %swap3A_405 {strides = array<i32>} : memref<128x64xf32, #tpu.memory_space<vmem>>, vector<1x16xf32>,
            %get3A_406 = arith.index_cast %sub3A_379 : i32 to index
            %get3A_407 = arith.constant 48 : index
            %get3A_408 = tpu.vector_load %arg9[%get3A_406, %get3A_407] {strides = array<i32>} : memref<8x64xf32, #tpu.memory_space<vmem>>, vector<1x16xf32>,
            %get3A_409 = vector.shape_cast %get3A_408 : vector<1x16xf32> to vector<16xf32>
            %swap3A_410 = arith.index_cast %add3A_354 : i32 to index
            %swap3A_411 = arith.constant 48 : index
            %swap3A_412 = tpu.vector_load %arg8[%swap3A_410, %swap3A_411] {strides = array<i32>} : memref<128x64xf32, #tpu.memory_space<vmem>>, vector<1x16xf32>,
            %swap3A_413 = vector.shape_cast %swap3A_412 : vector<1x16xf32> to vector<16xf32>
            %swap3A_414 = vector.shape_cast %get3A_409 : vector<16xf32> to vector<1x16xf32>
            tpu.vector_store %arg8[%swap3A_410, %swap3A_411], %swap3A_414 {strides = array<i32>} : memref<128x64xf32, #tpu.memory_space<vmem>>, vector<1x16xf32>,
          } else {
          }
          %scan3A_360 = arith.constant 0 : i32
          scf.yield %scan3A_360 : i32
        }
        %scan3A_136 = arith.constant 8 : i32
        "tpu.region"() ({
          %run_scoped3A = tpu.sem_alloc : memref<!tpu.dma_semaphore, #tpu.memory_space<semaphore_mem>>
          %dma_start3A_138 = arith.constant 0 : i32
          %dma_start3A_139 = tpu.memref_slice %arg6[%add3A_129, %dma_start3A_138] : memref<131072x64xf32, #tpu.memory_space<hbm>> -> memref<128x64xf32, #tpu.memory_space<hbm>>
          %dma_start3A_140 = arith.constant 0 : i32
          %dma_start3A_141 = tpu.memref_slice %arg6[%add3A_129, %dma_start3A_140] : memref<131072x64xf32, #tpu.memory_space<hbm>> -> memref<128x64xf32, #tpu.memory_space<hbm>>
          tpu.enqueue_dma source(%arg8 : memref<128x64xf32, #tpu.memory_space<vmem>>) target(%dma_start3A_141 : memref<128x64xf32, #tpu.memory_space<hbm>>) target_semaphore(%run_scoped3A : memref<!tpu.dma_semaphore, #tpu.memory_space<semaphore_mem>>)
          %dma_wait3A_142 = arith.constant 0 : i32
          %dma_wait3A_143 = tpu.memref_slice %arg6[%add3A_129, %dma_wait3A_142] : memref<131072x64xf32, #tpu.memory_space<hbm>> -> memref<128x64xf32, #tpu.memory_space<hbm>>
          %dma_wait3A_144 = arith.constant 0 : i32
          %dma_wait3A_145 = tpu.memref_slice %arg6[%add3A_129, %dma_wait3A_144] : memref<131072x64xf32, #tpu.memory_space<hbm>> -> memref<128x64xf32, #tpu.memory_space<hbm>>
          tpu.wait_dma2 semaphore(%run_scoped3A : memref<!tpu.dma_semaphore, #tpu.memory_space<semaphore_mem>>) src(%arg8 : memref<128x64xf32, #tpu.memory_space<vmem>>) dst(%dma_wait3A_145 : memref<128x64xf32, #tpu.memory_space<hbm>>)
          tpu.yield
        }) : () -> ()
        %scan3A_137 = arith.constant 0 : i32
        scf.yield %scan3A_137 : i32
      }
      %scan3A_124 = arith.constant 32 : i32
    } else {
    }
    return
  }
}

</mosaic_0001>

<sc_bundles>
// kernel: kernel.3.cloned.1.call-start
scs
__scs_entry_jumppad:
0x0: {  	(pc) =	sbr.rel $0x88, $3  }
0x1: {  	(tag) =	ssettag $0x0;
	lr =	simm.s32 $0x1  }
0x2: {  	[smem:$0x3F9D] =	sst lr;
	_ =	strace $0xD0000000  }
0x3: {  	_ = 	snop  }
0x4: {  	_ = 	snop  }
0x5: {  	_ = 	snop  }
0x6: {  	_ = 	snop  }
0x7: {  	_ = 	snop  }
__scs_overlays_trampoline_lowered:
0x8: {  	[smem:$0x3FAC] =	sst s0  }
0x9: {  	[smem:$0x3FAD] =	sst s1  }
0xa: {  	[smem:$0x3FAE] =	sst s2  }
0xb: {  	[smem:$0x3FAF] =	sst s3  }
0xc: {  	[smem:$0x3FB0] =	sst s4  }
0xd: {  	[smem:$0x3FB1] =	sst s5  }
0xe: {  	[smem:$0x3FB2] =	sst s6  }
0xf: {  	[smem:$0x3FB3] =	sst s7  }
0x10: {  	[smem:$0x3FB4] =	sst s8  }
0x11: {  	[smem:$0x3FB5] =	sst s9;
	s0 =	simm.s32 @!p0 $0x0  }
0x12: {  	s1 =	sld [smem:$0x3F9B];
	s0 =	simm.s32 @p0 $0x1  }
0x13: {  	[smem:$0x3FB6] =	sst s0;
	s0 =	simm.s32 @!p1 $0x0  }
0x14: {  	s2 =	sld [smem:$0x3F9A];
	s0 =	simm.s32 @p1 $0x1  }
0x15: {  	[smem:$0x3FB7] =	sst s0;
	s0 =	simm.s32 @!p2 $0x0  }
0x16: {  	s3 =	sld [smem:$0x3FDB];
	s0 =	simm.s32 @p2 $0x1  }
0x17: {  	s4 =	simm.s32 $0x1BF5;
	[smem:$0x3FB9] =	sst s0  }
0x18: {  	s0 =	sld [smem:$0x3F9C];
	_ =	swait.ge [sflag:s4], $0x0  }
0x19: {  	s7 =	sld [smem:$0x3F9D]  }
0x1a: {  	s8 =	sadd.s32 $0xFFFFE003, lr  }
0x1b: {  	s9 =	sadd.s32 $0xFFFFFEF7, lr;
	s5 =	simm.s32 $0xFFFFFFFF;
	p2 =	slt.u32 s8, $0xFFFFF086  }
0x1c: {  	p1 =	slt.u32 s9, $0xF7A;
	s5 =	simm.s32 @!p2 $0x0  }
0x1d: {  	s5 =	simm.s32 @p1 $0x1;
	p0 =	seq.s32 s7, s2  }
0x1e: {  	s7 =	smul.u32 @!p0 $0xF7A, s2;
	p2 =	seq.s32 @!p0 s5, $0x0  }
0x1f: {  	s9 =	smul.u32 $0xF7A, s1;
	s8 =	simm.s32 @!p0 $0x1BF5;
	p2 =	por !p2, p0  }
0x20: {  	[sflag:s8] =	ssyncset.s32 @!p0 $0xFFFFF086;
	s6 =	sadd.s32 @!p0 s3, s7;
	s7 =	simm.s32 @!p0 $0x108  }
0x21: {  	s3 =	sadd.s32 s3, s9;
	s6 =	sadd.s32 @!p0 $0x88, s6;
	s7 =	simm.s32 @p2 $0x1082  }
0x22: {  	[simem:s7], [sflag:s8] =	dma.local @!p0 [hbm:s6], $0xF7A  }
0x23: {  	s9 =	sor.u32 $0xD0000000, s2;
	s6 =	simm.s32 $0x108;
	_ =	swait.ge @!p0 [sflag:s8], $0x0  }
0x24: {  	s3 =	sadd.s32 $0x88, s3;
	s6 =	simm.s32 @!p1 $0x1082;
	[sflag:s4] =	ssyncset.s32 $0xFFFFF086  }
0x25: {  	[simem:s6], [sflag:s4] =	dma.local [hbm:s3], $0xF7A  }
0x26: {  	[smem:$0x3F9D] =	sst s1;
	(tag) =	ssettag s2;
	_ =	strace s9  }
0x27: {  	s1 =	sld [smem:$0x3FAD]  }
0x28: {  	s2 =	sld [smem:$0x3FAE]  }
0x29: {  	s4 =	sld [smem:$0x3FB0]  }
0x2a: {  	p0 =	seq.s32 s5, $0x0;
	s5 =	sld [smem:$0x3FB1]  }
0x2b: {  	s6 =	sld [smem:$0x3FB2]  }
0x2c: {  	s7 =	sld [smem:$0x3FB3]  }
0x2d: {  	s3 =	simm.s32 $0x108;
	s8 =	sld [smem:$0x3FB4]  }
0x2e: {  	s3 =	simm.s32 @!p0 $0x1082;
	s9 =	sld [smem:$0x3FB5]  }
0x2f: {  	lr =	sadd.s32 s0, s3;
	s0 =	sld [smem:$0x3FAC]  }
0x30: {  	s3 =	sld [smem:$0x3FAF]  }
0x31: {  	[smem:$0x3FB8] =	sst s10  }
0x32: {  	s10 =	sld [smem:$0x3FB6];
	_ =	sdelay $0x3  }
0x33: {  	p0 =	seq.s32 s10, $0x1;
	s10 =	sld [smem:$0x3FB8];
	_ =	sdelay $0x3  }
0x34: {  	[smem:$0x3FB8] =	sst s10  }
0x35: {  	s10 =	sld [smem:$0x3FB7];
	_ =	sdelay $0x3  }
0x36: {  	p1 =	seq.s32 s10, $0x1;
	s10 =	sld [smem:$0x3FB8];
	_ =	sdelay $0x3  }
0x37: {  	[smem:$0x3FB8] =	sst s10  }
0x38: {  	s10 =	sld [smem:$0x3FB9]  }
0x39: {  	_ = 	snop;
	(pc) =	sbr.ind lr, $3  }
0x3a: {  	_ = 	snop  }
0x3b: {  	_ = 	snop  }
0x3c: {  	p2 =	seq.s32 s10, $0x1;
	s10 =	sld [smem:$0x3FB8]  }
0x3d: {  	_ =	shalt  }
0x3e: {  	_ =	shalt  }
0x3f: {  	_ =	shalt  }
0x40: {  	_ =	shalt  }
0x41: {  	_ =	shalt  }
0x42: {  	_ =	shalt  }
0x43: {  	_ =	shalt  }
0x44: {  	_ =	shalt  }
0x45: {  	_ =	shalt  }
0x46: {  	_ =	shalt  }
0x47: {  	_ =	shalt  }
0x48: {  	_ =	shalt  }
0x49: {  	_ =	shalt  }
0x4a: {  	_ =	shalt  }
0x4b: {  	_ =	shalt  }
0x4c: {  	_ =	shalt  }
0x4d: {  	_ =	shalt  }
0x4e: {  	_ =	shalt  }
0x4f: {  	_ =	shalt  }
0x50: {  	_ =	shalt  }
0x51: {  	_ =	shalt  }
0x52: {  	_ =	shalt  }
0x53: {  	_ =	shalt  }
0x54: {  	_ =	shalt  }
0x55: {  	_ =	shalt  }
0x56: {  	_ =	shalt  }
0x57: {  	_ =	shalt  }
0x58: {  	_ =	shalt  }
0x59: {  	_ =	shalt  }
0x5a: {  	_ =	shalt  }
0x5b: {  	_ =	shalt  }
0x5c: {  	_ =	shalt  }
0x5d: {  	_ =	shalt  }
0x5e: {  	_ =	shalt  }
0x5f: {  	_ =	shalt  }
0x60: {  	_ =	shalt  }
0x61: {  	_ =	shalt  }
0x62: {  	_ =	shalt  }
0x63: {  	_ =	shalt  }
0x64: {  	_ =	shalt  }
0x65: {  	_ =	shalt  }
0x66: {  	_ =	shalt  }
0x67: {  	_ =	shalt  }
0x68: {  	_ =	shalt  }
0x69: {  	_ =	shalt  }
0x6a: {  	_ =	shalt  }
0x6b: {  	_ =	shalt  }
0x6c: {  	_ =	shalt  }
0x6d: {  	_ =	shalt  }
0x6e: {  	_ =	shalt  }
0x6f: {  	_ =	shalt  }
0x70: {  	_ =	shalt  }
0x71: {  	_ =	shalt  }
0x72: {  	_ =	shalt  }
0x73: {  	_ =	shalt  }
0x74: {  	_ =	shalt  }
0x75: {  	_ =	shalt  }
0x76: {  	_ =	shalt  }
0x77: {  	_ =	shalt  }
0x78: {  	_ =	shalt  }
0x79: {  	_ =	shalt  }
0x7a: {  	_ =	shalt  }
0x7b: {  	_ =	shalt  }
0x7c: {  	_ =	shalt  }
0x7d: {  	_ =	shalt  }
0x7e: {  	_ =	shalt  }
0x7f: {  	_ =	shalt  }
0x80: {  	_ =	shalt  }
0x81: {  	_ =	shalt  }
0x82: {  	_ =	shalt  }
0x83: {  	_ =	shalt  }
0x84: {  	_ =	shalt  }
0x85: {  	_ =	shalt  }
0x86: {  	_ =	shalt  }
0x87: {  	_ =	shalt  }
.Lfunc_end0:
.L_simem_size_0:
called_computation_lowered:
.L_overlay_start_0:
0x88: {  	s2 =	sld [smem:$0x3FD9]  }
0x89: {  	s3 =	sld [smem:$0x3FFE];
	_ =	sdelay $0x1  }
0x8a: {  	s1 =	srdreg.scid  }
0x8b: {  	s0 =	sand.u32 $0x1, s1  }
0x8c: {  	s17 =	sshll.u32 s0, $0xA;
	s2 =	sadd.s32 s3, s2  }
0x8d: {  	s2 =	sadd.s32 s2, s17  }
0x8e: {  	[smem:$0x3FC4] =	sst s2  }
0x8f: {  	_ = 	snop  }
0x90: {  	s2 =	sld [smem:$0x3FC6]  }
0x91: {  	s18 =	sld [smem:$0x3FD0];
	(tm) =	ssettm $0x1  }
0x92: {  	s4 =	sld [smem:$0x3FFB];
	_ =	sdelay $0x3  }
0x93: {  	_ =	strace s4  }
0x94: {  	s4 =	sld [smem:$0x3FFC];
	_ =	sdelay $0x3  }
0x95: {  	_ =	strace s4  }
0x96: {  	s4 =	sld [smem:$0x3FFD];
	_ =	sdelay $0x3  }
0x97: {  	_ =	strace s4  }
0x98: {  	_ =	strace $0x8FFFFFFF  }
0x99: {  	s19 =	sld [smem:$0x3FDB];
	_ =	sdelay $0x1  }
0x9a: {  	s5 =	simm.s32 $_scs_section_size  }
0x9b: {  	s6 =	simm.s32 $_size__tile_overlayer_lowered;
	s7 =	simm.s32 $_tile_overlayer_lowered  }
0x9c: {  	s22 =	simm.s32 $0x1BFF;
	s21 =	sshll.u32 s7, $0x1;
	s4 =	sadd.s32 s5, s19  }
0x9d: {  	s8 =	simm.s32 $0x0;
	s20 =	sshll.u32 s6, $0x1;
	s6 =	sadd.s32 s21, s4  }
0x9e: {  	[timem:s8], [sflag:s22] =	dma.local [hbm:s6], s20  }
0x9f: {  	_ =	swait.ge [sflag:s22], s20  }
0xa0: {  	s5 =	ssub.s32 $0x0, s20;
	[sflag:s22] =	ssyncset.done $0x0  }
0xa1: {  	[sflag:s22] =	ssyncadd.s32 s5;
	_ =	sdelay $0x1  }
0xa2: {  	s23 =	simm.s32 $0x1B8B  }
0xa3: {  	_ =	swait.ge [sflag:s23], $0x1  }
0xa4: {  	[sflag:s23] =	ssyncset.done $0x0  }
0xa5: {  	s25 =	simm.s32 $0x1B8E;
	s24 =	sld [smem:$0x3FFE];
	[sflag:s23] =	ssyncadd.s32 $0xFFFFFFFF  }
0xa6: {  	s26 =	simm.s32 $execute0_lowered;
	[smem:$0x3FD2] =	sst s25  }
0xa7: {  	s6 =	sshll.u32 s26, $0x1;
	_ =	strace $0x80000046;
	[dreg:$0x1] =	wrdreg $0xFFFFFFFF  }
0xa8: {  	s28 =	simm.s32 $_size_execute0_lowered;
	s4 =	sadd.s32 s4, s6;
	[dreg:$0x0] =	wrdreg $0x0  }
0xa9: {  	s6 =	sshll.u32 s28, $0x1;
	[dreg:$0x2] =	wrdreg s4  }
0xaa: {  	[dreg:$0x3] =	wrdreg s6  }
0xab: {  	[dreg:$0x4] =	wrdreg $0xC0  }
0xac: {  	_ =	task [dreg:s8], $0x5FFFF  }
0xad: {  	[dreg:$0x1] =	wrdreg $0xFFFFFFFF  }
0xae: {  	[dreg:$0x0] =	wrdreg $0x60  }
0xaf: {  	[dreg:$0x2] =	wrdreg s24  }
0xb0: {  	[dreg:$0x3] =	wrdreg s18  }
0xb1: {  	[dreg:$0x4] =	wrdreg s2  }
0xb2: {  	[dreg:$0x5] =	wrdreg $0x9  }
0xb3: {  	_ =	task.clear_ibuf [dreg:s8], $0x6FFFF;
	_ =	strace $0x90000046  }
0xb4: {  	s29 =	simm.s32 $0x9;
	_ =	strace $0x80000048  }
0xb5: {  	_ =	swait.ge [sflag:s29], $0x1  }
0xb6: {  	[sflag:s29] =	ssyncadd.s32 $0xFFFFFFFF  }
0xb7: {  	_ =	strace $0x90000048  }
0xb8: {  	_ =	sfence  }
0xb9: {  	s30 =	sld [smem:$0x0];
	_ =	sdelay $0x2  }
0xba: {  	s31 =	sshll.u32 s1, $0xD;
	s1 =	sshrl.u32 s1, $0x2  }
0xbb: {  	s3 =	sand.u32 $0x4000, s31;
	s1 =	sadd.s32 s1, s30  }
0xbc: {  	s0 =	sor.u32 s3, s0;
	s1 =	sshll.u32 s1, $0x11  }
0xbd: {  	s0 =	sor.u32 s1, s0  }
0xbe: {  	s0 =	sadd.s32 $0x8F2B, s0  }
0xbf: {  	[sflag:s0] =	ssyncadd.remote.s32 $0x1  }
0xc0: {  	_ =	sfence.sel $0xFFFF  }
0xc1: {  	[dreg:$0x0] =	wrdreg $0xFFFFFFFF;
	(pc) =	sbr.abs _section_cstart, $3  }
0xc2: {  	[dreg:$0x1] =	wrdreg $0xFFFFFFFF  }
0xc3: {  	_ =	task.clear_ibuf [dreg:s8], $0x2FFFF;
	_ =	strace $0x9FFFFFFF  }
0xc4: {  	(tm) =	ssettm $0x7FFFFFFF  }
0xc5: {  	_ =	shalt  }
tec
execute0_lowered:
.L_overlay_start_1:
0x0: {  	(tag) =	ssettag $0x1  }
0x1: {  	s1 =	srdreg.scid  }
0x2: {  	s0 =	rddreg [dreg:$0x0];
	s5 =	stileid.u32;
	s1 =	sand.u32 $0x1, s1  }
0x3: {  	s2 =	rddreg [dreg:$0x1];
	s5 =	sshll.u32 s5, $0xD;
	s6 =	sshll.u32 s1, $0xC  }
0x4: {  	s3 =	rddreg [dreg:$0x2];
	s4 =	simm.s32 $0x0;
	s5 =	sor.u32 s6, s5  }
0x5: {  	[smem:$0x7FF] =	sst s4;
	s9 =	ssub.s32 $0x2, s1;
	s1 =	sshll.u32 s5, $0x4  }
0x6: {  	_ =	strace $0x80000047;
	s6 =	sadd.s32 $0x4400, s0;
	s24 =	sor.u32 $0x800, s1  }
0x7: {  	s7 =	sshrl.u32 s5, $0x3;
	s10 =	sor.u32 $0x1000, s1;
	s11 =	sadd.s32 s6, s24  }
0x8: {  	s26 =	sor.u32 $0x1800, s1;
	s25 =	sadd.s32 s6, s10;
	[dreg:$0x4] =	wrdreg s11  }
0x9: {  	s15 =	sor.u32 $0x2000, s1;
	s12 =	sadd.s32 s6, s26;
	[dreg:$0x5] =	wrdreg s25  }
0xa: {  	s13 =	sor.u32 $0x2800, s1;
	s14 =	sadd.s32 s6, s15;
	[dreg:$0x6] =	wrdreg s12  }
0xb: {  	s8 =	sadd.s32 s7, s0;
	s16 =	sadd.s32 s6, s13;
	[dreg:$0x7] =	wrdreg s14  }
0xc: {  	s7 =	sadd.s32 $0x204400, s0;
	s8 =	sadd.s32 $0x400, s8;
	[dreg:$0x8] =	wrdreg s16  }
0xd: {  	s18 =	sor.u32 $0x3000, s1;
	s17 =	sadd.s32 s7, s24;
	[dreg:$0x9] =	wrdreg s8  }
0xe: {  	s20 =	sadd.s32 s6, s18;
	[dreg:$0xa] =	wrdreg s17  }
0xf: {  	s19 =	sor.u32 $0x3800, s1;
	s10 =	sadd.s32 s7, s10;
	[dreg:$0xb] =	wrdreg s20  }
0x10: {  	s21 =	sadd.s32 s6, s19;
	[dreg:$0xc] =	wrdreg s10  }
0x11: {  	s23 =	sshrl.u32 s9, $0x1;
	s22 =	sadd.s32 s7, s26;
	[dreg:$0xd] =	wrdreg s21  }
0x12: {  	s0 =	ssub.s32 s9, s23;
	s24 =	sadd.s32 s7, s15;
	[dreg:$0xe] =	wrdreg s22  }
0x13: {  	s23 =	sor.u32 $0x4000, s1;
	s26 =	sadd.s32 s7, s19;
	[dreg:$0xf] =	wrdreg s24  }
0x14: {  	s9 =	sadd.s32 s6, s23;
	[dreg:$0x12] =	wrdreg s26  }
0x15: {  	s0 =	smax.u32 s0, $0x1;
	[dreg:$0x13] =	wrdreg s9  }
0x16: {  	s25 =	sadd.s32 s7, s13;
	[smem:$0x7FD] =	sst s0  }
0x17: {  	s8 =	sadd.s32 s7, s18;
	[dreg:$0x10] =	wrdreg s25  }
0x18: {  	s15 =	sor.u32 $0x5800, s1;
	s10 =	sadd.s32 s7, s23;
	[dreg:$0x11] =	wrdreg s8  }
0x19: {  	s19 =	sor.u32 $0x6800, s1;
	s16 =	sadd.s32 s6, s15;
	[dreg:$0x14] =	wrdreg s10  }
0x1a: {  	s11 =	sor.u32 $0x4800, s1;
	s20 =	sadd.s32 s6, s19;
	[dreg:$0x19] =	wrdreg s16  }
0x1b: {  	s12 =	sadd.s32 s6, s11;
	[dreg:$0x1d] =	wrdreg s20  }
0x1c: {  	s13 =	sor.u32 $0x5000, s1;
	s8 =	sadd.s32 s7, s11;
	[dreg:$0x15] =	wrdreg s12  }
0x1d: {  	s17 =	sor.u32 $0x6000, s1;
	s14 =	sadd.s32 s6, s13;
	[dreg:$0x16] =	wrdreg s8  }
0x1e: {  	s21 =	sor.u32 $0x7000, s1;
	s18 =	sadd.s32 s6, s17;
	[dreg:$0x17] =	wrdreg s14  }
0x1f: {  	s23 =	sor.u32 $0x7800, s1;
	s22 =	sadd.s32 s6, s21;
	[dreg:$0x1b] =	wrdreg s18  }
0x20: {  	s24 =	sadd.s32 s6, s23;
	[dreg:$0x1f] =	wrdreg s22  }
0x21: {  	s25 =	sor.u32 $0x8000, s1;
	s8 =	sadd.s32 s7, s13;
	[smem:$0x7D9] =	sst s24  }
0x22: {  	s10 =	sor.u32 $0x8800, s1;
	s26 =	sadd.s32 s6, s25;
	[dreg:$0x18] =	wrdreg s8  }
0x23: {  	s11 =	sadd.s32 s6, s10;
	[smem:$0x7DB] =	sst s26  }
0x24: {  	s12 =	sor.u32 $0x9000, s1;
	s8 =	sadd.s32 s7, s15;
	[smem:$0x7DD] =	sst s11  }
0x25: {  	s14 =	sor.u32 $0x9800, s1;
	s13 =	sadd.s32 s6, s12;
	[dreg:$0x1a] =	wrdreg s8  }
0x26: {  	s15 =	sadd.s32 s6, s14;
	[smem:$0x7DF] =	sst s13  }
0x27: {  	s16 =	sor.u32 $0xA000, s1;
	s8 =	sadd.s32 s7, s17;
	[smem:$0x7E1] =	sst s15  }
0x28: {  	s17 =	sadd.s32 s6, s16;
	[dreg:$0x1c] =	wrdreg s8  }
0x29: {  	s13 =	sadd.s32 s6, s1;
	[smem:$0x7E3] =	sst s17  }
0x2a: {  	s18 =	sor.u32 $0xA800, s1;
	s8 =	sadd.s32 s7, s19;
	[smem:$0x7F1] =	sst s13  }
0x2b: {  	s19 =	sadd.s32 s6, s18;
	[dreg:$0x1e] =	wrdreg s8  }
0x2c: {  	s20 =	sor.u32 $0xB000, s1;
	s8 =	sadd.s32 s7, s21;
	[smem:$0x7E5] =	sst s19  }
0x2d: {  	s15 =	sor.u32 $0xD800, s1;
	s21 =	sadd.s32 s6, s20;
	[smem:$0x7D8] =	sst s8  }
0x2e: {  	s19 =	sadd.s32 s6, s15;
	[smem:$0x7E7] =	sst s21  }
0x2f: {  	s22 =	sor.u32 $0xB800, s1;
	s8 =	sadd.s32 s7, s23;
	[smem:$0x7F3] =	sst s19  }
0x30: {  	s23 =	sadd.s32 s6, s22;
	[smem:$0x7DA] =	sst s8  }
0x31: {  	s24 =	sor.u32 $0xC000, s1;
	s8 =	sadd.s32 s7, s25;
	[smem:$0x7E9] =	sst s23  }
0x32: {  	s17 =	sor.u32 $0xE800, s1;
	s25 =	sadd.s32 s6, s24;
	[smem:$0x7DC] =	sst s8  }
0x33: {  	s23 =	sadd.s32 s7, s17;
	[smem:$0x7EB] =	sst s25  }
0x34: {  	s26 =	sor.u32 $0xC800, s1;
	s8 =	sadd.s32 s7, s10;
	[smem:$0x7F8] =	sst s23  }
0x35: {  	s10 =	sadd.s32 s6, s26;
	[smem:$0x7DE] =	sst s8  }
0x36: {  	s11 =	sor.u32 $0xD000, s1;
	s8 =	sadd.s32 s7, s12;
	[smem:$0x7ED] =	sst s10  }
0x37: {  	s12 =	sadd.s32 s6, s11;
	[smem:$0x7E0] =	sst s8  }
0x38: {  	s8 =	sadd.s32 s7, s14;
	[smem:$0x7EF] =	sst s12  }
0x39: {  	s28 =	simm.s32 $0x7;
	s14 =	sadd.s32 s7, s1;
	[smem:$0x7E2] =	sst s8  }
0x3a: {  	s29 =	simm.s32 $0x3;
	s8 =	sadd.s32 s7, s16;
	[smem:$0x7F2] =	sst s14  }
0x3b: {  	s16 =	sor.u32 $0xE000, s1;
	[smem:$0x7E4] =	sst s8;
	s8 =	sadd.s32 s7, s18  }
0x3c: {  	s30 =	simm.s32 $0x8;
	s21 =	sadd.s32 s7, s16;
	[smem:$0x7E6] =	sst s8  }
0x3d: {  	s31 =	simm.s32 $0x4;
	s8 =	sadd.s32 s7, s20;
	[smem:$0x7F6] =	sst s21  }
0x3e: {  	s18 =	sor.u32 $0xF000, s1;
	s20 =	sadd.s32 s6, s16;
	[smem:$0x7E8] =	sst s8  }
0x3f: {  	s9 =	simm.s32 $0xC;
	s25 =	sadd.s32 s7, s18;
	[smem:$0x7F5] =	sst s20  }
0x40: {  	s10 =	simm.s32 $0x1000;
	s8 =	sadd.s32 s7, s22;
	[smem:$0x7FA] =	sst s25  }
0x41: {  	s12 =	simm.s32 $0x0;
	s22 =	sadd.s32 s6, s17;
	[smem:$0x7EA] =	sst s8  }
0x42: {  	s1 =	sor.u32 $0xF800, s1;
	s8 =	sadd.s32 s7, s24;
	[smem:$0x7F7] =	sst s22  }
0x43: {  	s25 =	simm.s32 $0x1;
	s24 =	sadd.s32 s6, s18;
	[smem:$0x7EC] =	sst s8  }
0x44: {  	s8 =	sadd.s32 s7, s26;
	[smem:$0x7F9] =	sst s24;
	s26 =	sadd.s32 s6, s1  }
.Ltmp0:
0x45: {  	s1 =	sadd.s32 s7, s1;
	[smem:$0x7EE] =	sst s8;
	(pc) =	sbr.rel .LBB2_1-.Ltmp0, $4  }
0x46: {  	s24 =	simm.s32 $0xD;
	s8 =	sadd.s32 s7, s11;
	[smem:$0x7FB] =	sst s26  }
0x47: {  	[smem:$0x7FC] =	sst s1;
	s26 =	simm.s32 $0x2;
	s1 =	simm.s32 $0x5  }
0x48: {  	s11 =	simm.s32 $0x5400;
	[smem:$0x7F0] =	sst s8;
	s8 =	sadd.s32 s7, s15  }
0x49: {  	s15 =	simm.s32 $0x6;
	[smem:$0x7F4] =	sst s8;
	s8 =	simm.s32 $0xB  }
.LBB2_4:
0x4a: {  	s0 =	sld [smem:$0x7F2];
	_ =	sdelay $0x1  }
0x4b: {  	s13 =	simm.s32 $0x5480  }
0x4c: {  	[hbm4b:s0+s4] =	stream.linear.scatter [tilespmem:s13], [sflag:$0x7], $0x4000, $0x38;
	[tilespmem:$0x1D480] =	vst v63  }
0x4d: {  	_ =	swait.ge [sflag:s26], $0x4000  }
0x4e: {  	[sflag:s26] =	ssyncset.done $0x0  }
0x4f: {  	s14 =	simm.s32 $0x9480;
	s17 =	rddreg [dreg:$0xa];
	[sflag:s26] =	ssyncadd.s32 $0xFFFFC000  }
0x50: {  	[hbm4b:s17+s4] =	stream.linear.scatter [tilespmem:s14], [sflag:$0x8], $0x4000, $0x38;
	[tilespmem:$0x1D480] =	vst v63  }
0x51: {  	_ =	swait.ge [sflag:s28], $0x4000  }
0x52: {  	[sflag:s28] =	ssyncset.done $0x0  }
0x53: {  	s18 =	rddreg [dreg:$0xb];
	[sflag:s28] =	ssyncadd.s32 $0xFFFFC000  }
0x54: {  	[tilespmem:s13], [sflag:$0x1] =	stream.linear.gather [hbm4b:s18+s4], $0x4000, $0x38;
	[tilespmem:$0x1D480] =	vst v63  }
0x55: {  	_ =	swait.ge [sflag:s29], $0x4000  }
0x56: {  	[sflag:s29] =	ssyncset.done $0x0  }
0x57: {  	s16 =	simm.s32 $0xD480;
	s19 =	rddreg [dreg:$0xc];
	[sflag:s29] =	ssyncadd.s32 $0xFFFFC000  }
0x58: {  	[hbm4b:s19+s4] =	stream.linear.scatter [tilespmem:s16], [sflag:$0x9], $0x4000, $0x38;
	[tilespmem:$0x1D480] =	vst v63  }
0x59: {  	_ =	swait.ge [sflag:s30], $0x4000  }
0x5a: {  	[sflag:s30] =	ssyncset.done $0x0  }
0x5b: {  	s20 =	rddreg [dreg:$0xd];
	[sflag:s30] =	ssyncadd.s32 $0xFFFFC000  }
0x5c: {  	[tilespmem:s14], [sflag:$0x2] =	stream.linear.gather [hbm4b:s20+s4], $0x4000, $0x38;
	[tilespmem:$0x1D480] =	vst v63  }
0x5d: {  	_ =	swait.ge [sflag:s31], $0x4000  }
0x5e: {  	s17 =	simm.s32 $0x11480;
	[sflag:s31] =	ssyncset.done $0x0  }
0x5f: {  	s20 =	simm.s32 $0x9;
	s21 =	rddreg [dreg:$0xe];
	[sflag:s31] =	ssyncadd.s32 $0xFFFFC000  }
0x60: {  	[hbm4b:s21+s4] =	stream.linear.scatter [tilespmem:s17], [sflag:$0xA], $0x4000, $0x38;
	[tilespmem:$0x1D480] =	vst v63  }
0x61: {  	_ =	swait.ge [sflag:s20], $0x4000  }
0x62: {  	[sflag:s20] =	ssyncset.done $0x0  }
0x63: {  	s22 =	rddreg [dreg:$0x13];
	[sflag:s20] =	ssyncadd.s32 $0xFFFFC000  }
0x64: {  	[tilespmem:s16], [sflag:$0x3] =	stream.linear.gather [hbm4b:s22+s4], $0x4000, $0x38;
	[tilespmem:$0x1D480] =	vst v63  }
0x65: {  	_ =	swait.ge [sflag:s1], $0x4000  }
0x66: {  	s18 =	simm.s32 $0x15480;
	[sflag:s1] =	ssyncset.done $0x0  }
0x67: {  	s21 =	simm.s32 $0xA;
	s23 =	rddreg [dreg:$0xf];
	[sflag:s1] =	ssyncadd.s32 $0xFFFFC000  }
0x68: {  	[hbm4b:s23+s4] =	stream.linear.scatter [tilespmem:s18], [sflag:$0xB], $0x4000, $0x38;
	[tilespmem:$0x1D480] =	vst v63  }
0x69: {  	_ =	swait.ge [sflag:s21], $0x4000  }
0x6a: {  	[sflag:s21] =	ssyncset.done $0x0  }
0x6b: {  	s19 =	rddreg [dreg:$0x15];
	[sflag:s21] =	ssyncadd.s32 $0xFFFFC000  }
0x6c: {  	[tilespmem:s17], [sflag:$0x4] =	stream.linear.gather [hbm4b:s19+s4], $0x4000, $0x38;
	[tilespmem:$0x1D480] =	vst v63  }
0x6d: {  	_ =	swait.ge [sflag:s15], $0x4000  }
0x6e: {  	[sflag:s15] =	ssyncset.done $0x0  }
0x6f: {  	s19 =	simm.s32 $0x19480;
	s22 =	rddreg [dreg:$0x10];
	[sflag:s15] =	ssyncadd.s32 $0xFFFFC000  }
0x70: {  	[hbm4b:s22+s4] =	stream.linear.scatter [tilespmem:s19], [sflag:$0xC], $0x4000, $0x38;
	[tilespmem:$0x1D480] =	vst v63  }
0x71: {  	_ =	swait.ge [sflag:s8], $0x4000  }
0x72: {  	[sflag:s8] =	ssyncset.done $0x0  }
0x73: {  	s23 =	rddreg [dreg:$0x17];
	[sflag:s8] =	ssyncadd.s32 $0xFFFFC000  }
0x74: {  	[tilespmem:s18], [sflag:$0x5] =	stream.linear.gather [hbm4b:s23+s4], $0x4000, $0x38;
	[tilespmem:$0x1D480] =	vst v63  }
0x75: {  	_ =	swait.ge [sflag:s25], $0x4000  }
0x76: {  	[sflag:s25] =	ssyncset.done $0x0  }
0x77: {  	s22 =	rddreg [dreg:$0x11];
	[sflag:s25] =	ssyncadd.s32 $0xFFFFC000  }
0x78: {  	[hbm4b:s22+s4] =	stream.linear.scatter [tilespmem:s13], [sflag:$0x7], $0x4000, $0x38;
	[tilespmem:$0x1D480] =	vst v63  }
0x79: {  	_ =	swait.ge [sflag:s9], $0x4000  }
0x7a: {  	[sflag:s9] =	ssyncset.done $0x0  }
0x7b: {  	s23 =	rddreg [dreg:$0x19];
	[sflag:s9] =	ssyncadd.s32 $0xFFFFC000  }
0x7c: {  	[tilespmem:s19], [sflag:$0x6] =	stream.linear.gather [hbm4b:s23+s4], $0x4000, $0x38;
	[tilespmem:$0x1D480] =	vst v63  }
0x7d: {  	_ =	swait.ge [sflag:s26], $0x4000  }
0x7e: {  	[sflag:s26] =	ssyncset.done $0x0  }
0x7f: {  	s22 =	rddreg [dreg:$0x12];
	[sflag:s26] =	ssyncadd.s32 $0xFFFFC000  }
0x80: {  	[hbm4b:s22+s4] =	stream.linear.scatter [tilespmem:s14], [sflag:$0x8], $0x4000, $0x38;
	[tilespmem:$0x1D480] =	vst v63  }
0x81: {  	_ =	swait.ge [sflag:s28], $0x4000  }
0x82: {  	[sflag:s28] =	ssyncset.done $0x0  }
0x83: {  	s23 =	rddreg [dreg:$0x1b];
	[sflag:s28] =	ssyncadd.s32 $0xFFFFC000  }
0x84: {  	[tilespmem:s13], [sflag:$0x1] =	stream.linear.gather [hbm4b:s23+s4], $0x4000, $0x38;
	[tilespmem:$0x1D480] =	vst v63  }
0x85: {  	_ =	swait.ge [sflag:s29], $0x4000  }
0x86: {  	[sflag:s29] =	ssyncset.done $0x0  }
0x87: {  	s22 =	rddreg [dreg:$0x14];
	[sflag:s29] =	ssyncadd.s32 $0xFFFFC000  }
0x88: {  	[hbm4b:s22+s4] =	stream.linear.scatter [tilespmem:s16], [sflag:$0x9], $0x4000, $0x38;
	[tilespmem:$0x1D480] =	vst v63  }
0x89: {  	_ =	swait.ge [sflag:s30], $0x4000  }
0x8a: {  	[sflag:s30] =	ssyncset.done $0x0  }
0x8b: {  	s23 =	rddreg [dreg:$0x1d];
	[sflag:s30] =	ssyncadd.s32 $0xFFFFC000  }
0x8c: {  	[tilespmem:s14], [sflag:$0x2] =	stream.linear.gather [hbm4b:s23+s4], $0x4000, $0x38;
	[tilespmem:$0x1D480] =	vst v63  }
0x8d: {  	_ =	swait.ge [sflag:s31], $0x4000  }
0x8e: {  	[sflag:s31] =	ssyncset.done $0x0  }
0x8f: {  	s22 =	rddreg [dreg:$0x16];
	[sflag:s31] =	ssyncadd.s32 $0xFFFFC000  }
0x90: {  	[hbm4b:s22+s4] =	stream.linear.scatter [tilespmem:s17], [sflag:$0xA], $0x4000, $0x38;
	[tilespmem:$0x1D480] =	vst v63  }
0x91: {  	_ =	swait.ge [sflag:s20], $0x4000  }
0x92: {  	[sflag:s20] =	ssyncset.done $0x0  }
0x93: {  	s23 =	rddreg [dreg:$0x1f];
	[sflag:s20] =	ssyncadd.s32 $0xFFFFC000  }
0x94: {  	[tilespmem:s16], [sflag:$0x3] =	stream.linear.gather [hbm4b:s23+s4], $0x4000, $0x38;
	[tilespmem:$0x1D480] =	vst v63  }
0x95: {  	_ =	swait.ge [sflag:s1], $0x4000  }
0x96: {  	[sflag:s1] =	ssyncset.done $0x0  }
0x97: {  	s22 =	rddreg [dreg:$0x18];
	[sflag:s1] =	ssyncadd.s32 $0xFFFFC000  }
0x98: {  	[hbm4b:s22+s4] =	stream.linear.scatter [tilespmem:s18], [sflag:$0xB], $0x4000, $0x38;
	[tilespmem:$0x1D480] =	vst v63  }
0x99: {  	_ =	swait.ge [sflag:s21], $0x4000  }
0x9a: {  	s23 =	sld [smem:$0x7D9]  }
0x9b: {  	[sflag:s21] =	ssyncset.done $0x0  }
0x9c: {  	[sflag:s21] =	ssyncadd.s32 $0xFFFFC000  }
0x9d: {  	[tilespmem:s17], [sflag:$0x4] =	stream.linear.gather [hbm4b:s23+s4], $0x4000, $0x38;
	[tilespmem:$0x1D480] =	vst v63  }
0x9e: {  	_ =	swait.ge [sflag:s15], $0x4000  }
0x9f: {  	[sflag:s15] =	ssyncset.done $0x0  }
0xa0: {  	s22 =	rddreg [dreg:$0x1a];
	[sflag:s15] =	ssyncadd.s32 $0xFFFFC000  }
0xa1: {  	[hbm4b:s22+s4] =	stream.linear.scatter [tilespmem:s19], [sflag:$0xC], $0x4000, $0x38;
	[tilespmem:$0x1D480] =	vst v63  }
0xa2: {  	_ =	swait.ge [sflag:s8], $0x4000  }
0xa3: {  	s23 =	sld [smem:$0x7DB]  }
0xa4: {  	[sflag:s8] =	ssyncset.done $0x0  }
0xa5: {  	[sflag:s8] =	ssyncadd.s32 $0xFFFFC000  }
0xa6: {  	[tilespmem:s18], [sflag:$0x5] =	stream.linear.gather [hbm4b:s23+s4], $0x4000, $0x38;
	[tilespmem:$0x1D480] =	vst v63  }
0xa7: {  	_ =	swait.ge [sflag:s25], $0x4000  }
0xa8: {  	[sflag:s25] =	ssyncset.done $0x0  }
0xa9: {  	s22 =	rddreg [dreg:$0x1c];
	[sflag:s25] =	ssyncadd.s32 $0xFFFFC000  }
0xaa: {  	[hbm4b:s22+s4] =	stream.linear.scatter [tilespmem:s13], [sflag:$0x7], $0x4000, $0x38;
	[tilespmem:$0x1D480] =	vst v63  }
0xab: {  	_ =	swait.ge [sflag:s9], $0x4000  }
0xac: {  	s23 =	sld [smem:$0x7DD]  }
0xad: {  	[sflag:s9] =	ssyncset.done $0x0  }
0xae: {  	[sflag:s9] =	ssyncadd.s32 $0xFFFFC000  }
0xaf: {  	[tilespmem:s19], [sflag:$0x6] =	stream.linear.gather [hbm4b:s23+s4], $0x4000, $0x38;
	[tilespmem:$0x1D480] =	vst v63  }
0xb0: {  	_ =	swait.ge [sflag:s26], $0x4000  }
0xb1: {  	[sflag:s26] =	ssyncset.done $0x0  }
0xb2: {  	s22 =	rddreg [dreg:$0x1e];
	[sflag:s26] =	ssyncadd.s32 $0xFFFFC000  }
0xb3: {  	[hbm4b:s22+s4] =	stream.linear.scatter [tilespmem:s14], [sflag:$0x8], $0x4000, $0x38;
	[tilespmem:$0x1D480] =	vst v63  }
0xb4: {  	_ =	swait.ge [sflag:s28], $0x4000  }
0xb5: {  	s23 =	sld [smem:$0x7DF]  }
0xb6: {  	[sflag:s28] =	ssyncset.done $0x0  }
0xb7: {  	[sflag:s28] =	ssyncadd.s32 $0xFFFFC000  }
0xb8: {  	[tilespmem:s13], [sflag:$0x1] =	stream.linear.gather [hbm4b:s23+s4], $0x4000, $0x38;
	[tilespmem:$0x1D480] =	vst v63  }
0xb9: {  	_ =	swait.ge [sflag:s29], $0x4000  }
0xba: {  	s22 =	sld [smem:$0x7D8]  }
0xbb: {  	[sflag:s29] =	ssyncset.done $0x0  }
0xbc: {  	[sflag:s29] =	ssyncadd.s32 $0xFFFFC000  }
0xbd: {  	[hbm4b:s22+s4] =	stream.linear.scatter [tilespmem:s16], [sflag:$0x9], $0x4000, $0x38;
	[tilespmem:$0x1D480] =	vst v63  }
0xbe: {  	_ =	swait.ge [sflag:s30], $0x4000  }
0xbf: {  	s23 =	sld [smem:$0x7E1]  }
0xc0: {  	[sflag:s30] =	ssyncset.done $0x0  }
0xc1: {  	[sflag:s30] =	ssyncadd.s32 $0xFFFFC000  }
0xc2: {  	[tilespmem:s14], [sflag:$0x2] =	stream.linear.gather [hbm4b:s23+s4], $0x4000, $0x38;
	[tilespmem:$0x1D480] =	vst v63  }
0xc3: {  	_ =	swait.ge [sflag:s31], $0x4000  }
0xc4: {  	s22 =	sld [smem:$0x7DA]  }
0xc5: {  	[sflag:s31] =	ssyncset.done $0x0  }
0xc6: {  	[sflag:s31] =	ssyncadd.s32 $0xFFFFC000  }
0xc7: {  	[hbm4b:s22+s4] =	stream.linear.scatter [tilespmem:s17], [sflag:$0xA], $0x4000, $0x38;
	[tilespmem:$0x1D480] =	vst v63  }
0xc8: {  	_ =	swait.ge [sflag:s20], $0x4000  }
0xc9: {  	s23 =	sld [smem:$0x7E3]  }
0xca: {  	[sflag:s20] =	ssyncset.done $0x0  }
0xcb: {  	[sflag:s20] =	ssyncadd.s32 $0xFFFFC000  }
0xcc: {  	[tilespmem:s16], [sflag:$0x3] =	stream.linear.gather [hbm4b:s23+s4], $0x4000, $0x38;
	[tilespmem:$0x1D480] =	vst v63  }
0xcd: {  	_ =	swait.ge [sflag:s1], $0x4000  }
0xce: {  	s22 =	sld [smem:$0x7DC]  }
0xcf: {  	[sflag:s1] =	ssyncset.done $0x0  }
0xd0: {  	[sflag:s1] =	ssyncadd.s32 $0xFFFFC000  }
0xd1: {  	[hbm4b:s22+s4] =	stream.linear.scatter [tilespmem:s18], [sflag:$0xB], $0x4000, $0x38;
	[tilespmem:$0x1D480] =	vst v63  }
0xd2: {  	_ =	swait.ge [sflag:s21], $0x4000  }
0xd3: {  	s23 =	sld [smem:$0x7E5]  }
0xd4: {  	[sflag:s21] =	ssyncset.done $0x0  }
0xd5: {  	[sflag:s21] =	ssyncadd.s32 $0xFFFFC000  }
0xd6: {  	[tilespmem:s17], [sflag:$0x4] =	stream.linear.gather [hbm4b:s23+s4], $0x4000, $0x38;
	[tilespmem:$0x1D480] =	vst v63  }
0xd7: {  	_ =	swait.ge [sflag:s15], $0x4000  }
0xd8: {  	s22 =	sld [smem:$0x7DE]  }
0xd9: {  	[sflag:s15] =	ssyncset.done $0x0  }
0xda: {  	[sflag:s15] =	ssyncadd.s32 $0xFFFFC000  }
0xdb: {  	[hbm4b:s22+s4] =	stream.linear.scatter [tilespmem:s19], [sflag:$0xC], $0x4000, $0x38;
	[tilespmem:$0x1D480] =	vst v63  }
0xdc: {  	_ =	swait.ge [sflag:s8], $0x4000  }
0xdd: {  	s23 =	sld [smem:$0x7E7]  }
0xde: {  	[sflag:s8] =	ssyncset.done $0x0  }
0xdf: {  	[sflag:s8] =	ssyncadd.s32 $0xFFFFC000  }
0xe0: {  	[tilespmem:s18], [sflag:$0x5] =	stream.linear.gather [hbm4b:s23+s4], $0x4000, $0x38;
	[tilespmem:$0x1D480] =	vst v63  }
0xe1: {  	_ =	swait.ge [sflag:s25], $0x4000  }
0xe2: {  	s22 =	sld [smem:$0x7E0]  }
0xe3: {  	[sflag:s25] =	ssyncset.done $0x0  }
0xe4: {  	[sflag:s25] =	ssyncadd.s32 $0xFFFFC000  }
0xe5: {  	[hbm4b:s22+s4] =	stream.linear.scatter [tilespmem:s13], [sflag:$0x7], $0x4000, $0x38;
	[tilespmem:$0x1D480] =	vst v63  }
0xe6: {  	_ =	swait.ge [sflag:s9], $0x4000  }
0xe7: {  	s23 =	sld [smem:$0x7E9]  }
0xe8: {  	[sflag:s9] =	ssyncset.done $0x0  }
0xe9: {  	[sflag:s9] =	ssyncadd.s32 $0xFFFFC000  }
0xea: {  	[tilespmem:s19], [sflag:$0x6] =	stream.linear.gather [hbm4b:s23+s4], $0x4000, $0x38;
	[tilespmem:$0x1D480] =	vst v63  }
0xeb: {  	_ =	swait.ge [sflag:s26], $0x4000  }
0xec: {  	s22 =	sld [smem:$0x7E2]  }
0xed: {  	[sflag:s26] =	ssyncset.done $0x0  }
0xee: {  	[sflag:s26] =	ssyncadd.s32 $0xFFFFC000  }
0xef: {  	[hbm4b:s22+s4] =	stream.linear.scatter [tilespmem:s14], [sflag:$0x8], $0x4000, $0x38;
	[tilespmem:$0x1D480] =	vst v63  }
0xf0: {  	_ =	swait.ge [sflag:s28], $0x4000  }
0xf1: {  	s23 =	sld [smem:$0x7EB]  }
0xf2: {  	[sflag:s28] =	ssyncset.done $0x0  }
0xf3: {  	[sflag:s28] =	ssyncadd.s32 $0xFFFFC000  }
0xf4: {  	[tilespmem:s13], [sflag:$0x1] =	stream.linear.gather [hbm4b:s23+s4], $0x4000, $0x38;
	[tilespmem:$0x1D480] =	vst v63  }
0xf5: {  	_ =	swait.ge [sflag:s29], $0x4000  }
0xf6: {  	s22 =	sld [smem:$0x7E4]  }
0xf7: {  	[sflag:s29] =	ssyncset.done $0x0  }
0xf8: {  	[sflag:s29] =	ssyncadd.s32 $0xFFFFC000  }
0xf9: {  	[hbm4b:s22+s4] =	stream.linear.scatter [tilespmem:s16], [sflag:$0x9], $0x4000, $0x38;
	[tilespmem:$0x1D480] =	vst v63  }
0xfa: {  	_ =	swait.ge [sflag:s30], $0x4000  }
0xfb: {  	s23 =	sld [smem:$0x7ED]  }
0xfc: {  	[sflag:s30] =	ssyncset.done $0x0  }
0xfd: {  	[sflag:s30] =	ssyncadd.s32 $0xFFFFC000  }
0xfe: {  	[tilespmem:s14], [sflag:$0x2] =	stream.linear.gather [hbm4b:s23+s4], $0x4000, $0x38;
	[tilespmem:$0x1D480] =	vst v63  }
0xff: {  	_ =	swait.ge [sflag:s31], $0x4000  }
0x100: {  	s22 =	sld [smem:$0x7E6]  }
0x101: {  	[sflag:s31] =	ssyncset.done $0x0  }
0x102: {  	[sflag:s31] =	ssyncadd.s32 $0xFFFFC000  }
0x103: {  	[hbm4b:s22+s4] =	stream.linear.scatter [tilespmem:s17], [sflag:$0xA], $0x4000, $0x38;
	[tilespmem:$0x1D480] =	vst v63  }
0x104: {  	_ =	swait.ge [sflag:s20], $0x4000  }
0x105: {  	s23 =	sld [smem:$0x7EF]  }
0x106: {  	[sflag:s20] =	ssyncset.done $0x0  }
0x107: {  	[sflag:s20] =	ssyncadd.s32 $0xFFFFC000  }
0x108: {  	[tilespmem:s16], [sflag:$0x3] =	stream.linear.gather [hbm4b:s23+s4], $0x4000, $0x38;
	[tilespmem:$0x1D480] =	vst v63  }
0x109: {  	_ =	swait.ge [sflag:s1], $0x4000  }
0x10a: {  	s22 =	sld [smem:$0x7E8]  }
0x10b: {  	[sflag:s1] =	ssyncset.done $0x0  }
0x10c: {  	[sflag:s1] =	ssyncadd.s32 $0xFFFFC000  }
0x10d: {  	[hbm4b:s22+s4] =	stream.linear.scatter [tilespmem:s18], [sflag:$0xB], $0x4000, $0x38;
	[tilespmem:$0x1D480] =	vst v63  }
0x10e: {  	_ =	swait.ge [sflag:s21], $0x4000  }
0x10f: {  	s23 =	sld [smem:$0x7F3]  }
0x110: {  	[sflag:s21] =	ssyncset.done $0x0  }
0x111: {  	[sflag:s21] =	ssyncadd.s32 $0xFFFFC000  }
0x112: {  	[tilespmem:s17], [sflag:$0x4] =	stream.linear.gather [hbm4b:s23+s4], $0x4000, $0x38;
	[tilespmem:$0x1D480] =	vst v63  }
0x113: {  	_ =	swait.ge [sflag:s15], $0x4000  }
0x114: {  	s22 =	sld [smem:$0x7EA]  }
0x115: {  	[sflag:s15] =	ssyncset.done $0x0  }
0x116: {  	[sflag:s15] =	ssyncadd.s32 $0xFFFFC000  }
0x117: {  	[hbm4b:s22+s4] =	stream.linear.scatter [tilespmem:s19], [sflag:$0xC], $0x4000, $0x38;
	[tilespmem:$0x1D480] =	vst v63  }
0x118: {  	_ =	swait.ge [sflag:s8], $0x4000  }
0x119: {  	s23 =	sld [smem:$0x7F5]  }
0x11a: {  	[sflag:s8] =	ssyncset.done $0x0  }
0x11b: {  	[sflag:s8] =	ssyncadd.s32 $0xFFFFC000  }
0x11c: {  	[tilespmem:s18], [sflag:$0x5] =	stream.linear.gather [hbm4b:s23+s4], $0x4000, $0x38;
	[tilespmem:$0x1D480] =	vst v63  }
0x11d: {  	_ =	swait.ge [sflag:s25], $0x4000  }
0x11e: {  	s22 =	sld [smem:$0x7EC]  }
0x11f: {  	[sflag:s25] =	ssyncset.done $0x0  }
0x120: {  	[sflag:s25] =	ssyncadd.s32 $0xFFFFC000  }
0x121: {  	[hbm4b:s22+s4] =	stream.linear.scatter [tilespmem:s13], [sflag:$0x7], $0x4000, $0x38;
	[tilespmem:$0x1D480] =	vst v63  }
0x122: {  	_ =	swait.ge [sflag:s9], $0x4000  }
0x123: {  	s23 =	sld [smem:$0x7F7]  }
0x124: {  	[sflag:s9] =	ssyncset.done $0x0  }
0x125: {  	[sflag:s9] =	ssyncadd.s32 $0xFFFFC000  }
0x126: {  	[tilespmem:s19], [sflag:$0x6] =	stream.linear.gather [hbm4b:s23+s4], $0x4000, $0x38;
	[tilespmem:$0x1D480] =	vst v63  }
0x127: {  	_ =	swait.ge [sflag:s26], $0x4000  }
0x128: {  	s22 =	sld [smem:$0x7EE]  }
0x129: {  	[sflag:s26] =	ssyncset.done $0x0  }
0x12a: {  	[sflag:s26] =	ssyncadd.s32 $0xFFFFC000  }
0x12b: {  	[hbm4b:s22+s4] =	stream.linear.scatter [tilespmem:s14], [sflag:$0x8], $0x4000, $0x38;
	[tilespmem:$0x1D480] =	vst v63  }
0x12c: {  	_ =	swait.ge [sflag:s28], $0x4000  }
0x12d: {  	s23 =	sld [smem:$0x7F9]  }
0x12e: {  	[sflag:s28] =	ssyncset.done $0x0  }
0x12f: {  	[sflag:s28] =	ssyncadd.s32 $0xFFFFC000  }
0x130: {  	[tilespmem:s13], [sflag:$0x1] =	stream.linear.gather [hbm4b:s23+s4], $0x4000, $0x38;
	[tilespmem:$0x1D480] =	vst v63  }
0x131: {  	_ =	swait.ge [sflag:s29], $0x4000  }
0x132: {  	s22 =	sld [smem:$0x7F0]  }
0x133: {  	[sflag:s29] =	ssyncset.done $0x0  }
0x134: {  	[sflag:s29] =	ssyncadd.s32 $0xFFFFC000  }
0x135: {  	[hbm4b:s22+s4] =	stream.linear.scatter [tilespmem:s16], [sflag:$0x9], $0x4000, $0x38;
	[tilespmem:$0x1D480] =	vst v63  }
0x136: {  	_ =	swait.ge [sflag:s30], $0x4000  }
0x137: {  	s23 =	sld [smem:$0x7FB]  }
0x138: {  	[sflag:s30] =	ssyncset.done $0x0  }
0x139: {  	[sflag:s30] =	ssyncadd.s32 $0xFFFFC000  }
0x13a: {  	[tilespmem:s14], [sflag:$0x2] =	stream.linear.gather [hbm4b:s23+s4], $0x4000, $0x38;
	[tilespmem:$0x1D480] =	vst v63  }
0x13b: {  	_ =	swait.ge [sflag:s31], $0x4000  }
0x13c: {  	s16 =	sld [smem:$0x7F4]  }
0x13d: {  	[sflag:s31] =	ssyncset.done $0x0  }
0x13e: {  	[sflag:s31] =	ssyncadd.s32 $0xFFFFC000  }
0x13f: {  	[hbm4b:s16+s4] =	stream.linear.scatter [tilespmem:s17], [sflag:$0xA], $0x4000, $0x38;
	[tilespmem:$0x1D480] =	vst v63  }
0x140: {  	_ =	swait.ge [sflag:s1], $0x4000  }
0x141: {  	s17 =	sld [smem:$0x7F6]  }
0x142: {  	[sflag:s1] =	ssyncset.done $0x0  }
0x143: {  	[sflag:s1] =	ssyncadd.s32 $0xFFFFC000  }
0x144: {  	[hbm4b:s17+s4] =	stream.linear.scatter [tilespmem:s18], [sflag:$0xB], $0x4000, $0x38;
	[tilespmem:$0x1D480] =	vst v63  }
0x145: {  	_ =	swait.ge [sflag:s15], $0x4000  }
0x146: {  	s18 =	sld [smem:$0x7F8]  }
0x147: {  	[sflag:s15] =	ssyncset.done $0x0  }
0x148: {  	[sflag:s15] =	ssyncadd.s32 $0xFFFFC000  }
0x149: {  	[hbm4b:s18+s4] =	stream.linear.scatter [tilespmem:s19], [sflag:$0xC], $0x4000, $0x38;
	[tilespmem:$0x1D480] =	vst v63  }
0x14a: {  	_ =	swait.ge [sflag:s25], $0x4000  }
0x14b: {  	s22 =	sld [smem:$0x7FA]  }
0x14c: {  	[sflag:s25] =	ssyncset.done $0x0  }
0x14d: {  	[sflag:s25] =	ssyncadd.s32 $0xFFFFC000  }
0x14e: {  	[hbm4b:s22+s4] =	stream.linear.scatter [tilespmem:s13], [sflag:$0x7], $0x4000, $0x38;
	[tilespmem:$0x1D480] =	vst v63  }
0x14f: {  	_ =	swait.ge [sflag:s26], $0x4000  }
0x150: {  	s23 =	sld [smem:$0x7FC]  }
0x151: {  	[sflag:s26] =	ssyncset.done $0x0  }
0x152: {  	[sflag:s26] =	ssyncadd.s32 $0xFFFFC000  }
0x153: {  	[hbm4b:s23+s4] =	stream.linear.scatter [tilespmem:s14], [sflag:$0x8], $0x4000, $0x38;
	[tilespmem:$0x1D480] =	vst v63  }
0x154: {  	_ =	swait.ge [sflag:s20], $0x4000  }
0x155: {  	[sflag:s20] =	ssyncset.done $0x0  }
0x156: {  	[sflag:s20] =	ssyncadd.s32 $0xFFFFC000  }
0x157: {  	_ =	swait.ge [sflag:s21], $0x4000  }
0x158: {  	[sflag:s21] =	ssyncset.done $0x0  }
0x159: {  	[sflag:s21] =	ssyncadd.s32 $0xFFFFC000  }
0x15a: {  	_ =	swait.ge [sflag:s8], $0x4000  }
0x15b: {  	[sflag:s8] =	ssyncset.done $0x0  }
0x15c: {  	[sflag:s8] =	ssyncadd.s32 $0xFFFFC000  }
0x15d: {  	_ =	swait.ge [sflag:s9], $0x4000  }
0x15e: {  	[sflag:s9] =	ssyncset.done $0x0  }
0x15f: {  	[sflag:s9] =	ssyncadd.s32 $0xFFFFC000  }
0x160: {  	_ =	swait.ge [sflag:s28], $0x4000  }
0x161: {  	[sflag:s28] =	ssyncset.done $0x0  }
0x162: {  	[sflag:s28] =	ssyncadd.s32 $0xFFFFC000  }
0x163: {  	_ =	swait.ge [sflag:s30], $0x4000  }
0x164: {  	[sflag:s30] =	ssyncset.done $0x0  }
0x165: {  	[sflag:s30] =	ssyncadd.s32 $0xFFFFC000  }
.LBB2_9:
0x166: {  	s0 =	sld [smem:$0x7FD];
	_ =	sdelay $0x1  }
0x167: {  	s12 =	sadd.s32 $0x1, s12  }
0x168: {  	p0 =	sne.s32 s12, s0  }
.Ltmp1:
0x169: {  	_ = 	snop;
	(pc) =	sbr.rel @!p0 .LBB2_10-.Ltmp1, $1  }
0x16a: {  	_ =	sdelay $0x3  }
.LBB2_1:
0x16b: {  	s0 =	sld [smem:$0x7F1];
	_ =	sdelay $0x1  }
0x16c: {  	s13 =	simm.s32 $0x5480  }
0x16d: {  	[tilespmem:s13], [sflag:$0x1] =	stream.linear.gather [hbm4b:s0+s4], $0x4000, $0x38;
	[tilespmem:$0x1D480] =	vst v63  }
0x16e: {  	s22 =	rddreg [dreg:$0x4];
	s23 =	simm.s32 $0x9480  }
0x16f: {  	[tilespmem:s23], [sflag:$0x2] =	stream.linear.gather [hbm4b:s22+s4], $0x4000, $0x38;
	[tilespmem:$0x1D480] =	vst v63  }
0x170: {  	s14 =	rddreg [dreg:$0x5];
	s16 =	simm.s32 $0xD480  }
0x171: {  	[tilespmem:s16], [sflag:$0x3] =	stream.linear.gather [hbm4b:s14+s4], $0x4000, $0x38;
	[tilespmem:$0x1D480] =	vst v63  }
0x172: {  	s17 =	rddreg [dreg:$0x6];
	s18 =	simm.s32 $0x11480  }
0x173: {  	[tilespmem:s18], [sflag:$0x4] =	stream.linear.gather [hbm4b:s17+s4], $0x4000, $0x38;
	[tilespmem:$0x1D480] =	vst v63  }
0x174: {  	s19 =	rddreg [dreg:$0x7];
	s20 =	simm.s32 $0x15480  }
0x175: {  	[tilespmem:s20], [sflag:$0x5] =	stream.linear.gather [hbm4b:s19+s4], $0x4000, $0x38;
	[tilespmem:$0x1D480] =	vst v63  }
0x176: {  	s21 =	rddreg [dreg:$0x8];
	s22 =	simm.s32 $0x19480  }
0x177: {  	[tilespmem:s22], [sflag:$0x6] =	stream.linear.gather [hbm4b:s21+s4], $0x4000, $0x38;
	[tilespmem:$0x1D480] =	vst v63  }
0x178: {  	s23 =	rddreg [dreg:$0x9]  }
0x179: {  	[tilespmem:s4], [sflag:$0xD] =	stream.linear.gather [hbm4b:s23+s4], $0x1000, $0x38;
	[tilespmem:$0x1D480] =	vst v63  }
0x17a: {  	_ =	swait.ge [sflag:s24], $0x1000  }
0x17b: {  	[sflag:s24] =	ssyncset.done $0x0  }
0x17c: {  	s16 =	simm.s32 $0x0;
	[sflag:s24] =	ssyncadd.s32 $0xFFFFF000  }
0x17d: {  	v0 =	vimm.s32 $0x0;
	s13 =	simm.s32 $0x40;
	v1 =	vld [tilespmem:s16+$0x0]  }
.LBB2_2:
0x17e: {  	p0 =	sne.s32 s13, $0x3FC0  }
.Ltmp2:
0x17f: {  	_ = 	snop;
	(pc) =	sbr.rel @p0 .LBB2_2-.Ltmp2, $3  }
0x180: {  	_ =	sdelay $0x1  }
0x181: {  	s16 =	sshra.s32 s13, $0x2;
	s13 =	sadd.s32 $0x40, s13;
	v0 =	vadd.s32 v0, v1  }
0x182: {  	v1 =	vld [tilespmem:s16+$0x0]  }
0x183: {  	_ =	sdelay $0x3  }
0x184: {  	v0 =	vadd.s32 v0, v1  }
0x185: {  	(v2sf) =	vpush v0, $0x0  }
0x186: {  	(v2sf) =	vpush v0, $0x1  }
0x187: {  	(v2sf) =	vpush v0, $0x2  }
0x188: {  	(v2sf) =	vpush v0, $0x3  }
0x189: {  	(v2sf) =	vpush v0, $0x4  }
0x18a: {  	(v2sf) =	vpush v0, $0x5  }
0x18b: {  	(v2sf) =	vpush v0, $0x6  }
0x18c: {  	(v2sf) =	vpush v0, $0x7  }
0x18d: {  	(v2sf) =	vpush v0, $0x8  }
0x18e: {  	(v2sf) =	vpush v0, $0x9  }
0x18f: {  	(v2sf) =	vpush v0, $0xA  }
0x190: {  	(v2sf) =	vpush v0, $0xB  }
0x191: {  	(v2sf) =	vpush v0, $0xC  }
0x192: {  	(v2sf) =	vpush v0, $0xD  }
0x193: {  	(v2sf) =	vpush v0, $0xE  }
0x194: {  	s13 =	spop (v2sf);
	(v2sf) =	vpush v0, $0xF  }
0x195: {  	s16 =	spop (v2sf)  }
0x196: {  	s13 =	sadd.s32 s16, s13;
	s19 =	spop (v2sf)  }
0x197: {  	s13 =	sadd.s32 s19, s13;
	s20 =	spop (v2sf)  }
0x198: {  	s13 =	sadd.s32 s20, s13;
	s21 =	spop (v2sf)  }
0x199: {  	s13 =	sadd.s32 s21, s13;
	s22 =	spop (v2sf)  }
0x19a: {  	s13 =	sadd.s32 s22, s13;
	s23 =	spop (v2sf)  }
0x19b: {  	s13 =	sadd.s32 s23, s13;
	s0 =	spop (v2sf)  }
0x19c: {  	s13 =	sadd.s32 s0, s13;
	s14 =	spop (v2sf)  }
0x19d: {  	s13 =	sadd.s32 s14, s13;
	s17 =	spop (v2sf)  }
0x19e: {  	s13 =	sadd.s32 s17, s13;
	s18 =	spop (v2sf)  }
0x19f: {  	s13 =	sadd.s32 s18, s13;
	s19 =	spop (v2sf)  }
0x1a0: {  	s13 =	sadd.s32 s19, s13;
	s20 =	spop (v2sf)  }
0x1a1: {  	s13 =	sadd.s32 s20, s13;
	s21 =	spop (v2sf)  }
0x1a2: {  	s13 =	sadd.s32 s21, s13;
	s22 =	spop (v2sf)  }
0x1a3: {  	s13 =	sadd.s32 s22, s13;
	s23 =	spop (v2sf)  }
0x1a4: {  	s13 =	sadd.s32 s23, s13  }
0x1a5: {  	p0 =	sne.s32 s13, $0x1000  }
.Ltmp3:
0x1a6: {  	_ = 	snop;
	(pc) =	sbr.rel @!p0 .LBB2_4-.Ltmp3, $4  }
0x1a7: {  	_ = 	snop  }
0x1a8: {  	_ =	swait.ge [sflag:s25], $0x4000  }
0x1a9: {  	[sflag:s25] =	ssyncset.done $0x0  }
0x1aa: {  	[sflag:s25] =	ssyncadd.s32 $0xFFFFC000  }
0x1ab: {  	_ =	swait.ge [sflag:s26], $0x4000  }
0x1ac: {  	[sflag:s26] =	ssyncset.done $0x0  }
0x1ad: {  	[sflag:s26] =	ssyncadd.s32 $0xFFFFC000  }
0x1ae: {  	_ =	swait.ge [sflag:s29], $0x4000  }
0x1af: {  	[sflag:s29] =	ssyncset.done $0x0  }
0x1b0: {  	[sflag:s29] =	ssyncadd.s32 $0xFFFFC000  }
0x1b1: {  	_ =	swait.ge [sflag:s31], $0x4000  }
0x1b2: {  	[sflag:s31] =	ssyncset.done $0x0  }
0x1b3: {  	[sflag:s31] =	ssyncadd.s32 $0xFFFFC000  }
0x1b4: {  	_ =	swait.ge [sflag:s1], $0x4000  }
0x1b5: {  	[sflag:s1] =	ssyncset.done $0x0  }
0x1b6: {  	[sflag:s1] =	ssyncadd.s32 $0xFFFFC000  }
0x1b7: {  	_ =	swait.ge [sflag:s15], $0x4000  }
0x1b8: {  	s13 =	simm.s32 $0x0;
	[sflag:s15] =	ssyncset.done $0x0  }
0x1b9: {  	s23 =	simm.s32 $0x0;
	s16 =	simm.s32 $0x0;
	[sflag:s15] =	ssyncadd.s32 $0xFFFFC000  }
.LBB2_6:
0x1ba: {  	s19 =	sshll.u32 s16, $0x7  }
0x1bb: {  	s20 =	sor.u32 s5, s19  }
0x1bc: {  	s19 =	sshll.u32 s20, $0x4  }
0x1bd: {  	s21 =	sadd.s32 s6, s19  }
0x1be: {  	[tilespmem:s10], [sflag:$0xD] =	stream.linear.gather [hbm4b:s21+s13], $0x4000, $0x38;
	[tilespmem:$0x1D480] =	vst v63  }
0x1bf: {  	_ =	swait.ge [sflag:s24], $0x4000  }
0x1c0: {  	s20 =	sshrl.u32 s20, $0x3;
	[sflag:s24] =	ssyncset.done $0x0  }
0x1c1: {  	s20 =	sadd.s32 s3, s20;
	[sflag:s24] =	ssyncadd.s32 $0xFFFFC000  }
0x1c2: {  	v0 =	vmov s23;
	[tilespmem:s11], [sflag:$0xD] =	stream.linear.gather [hbm4b:s20+s13], $0x80, $0x38;
	[tilespmem:$0x1D480] =	vst v63  }
0x1c3: {  	_ =	swait.ge [sflag:s24], $0x80  }
0x1c4: {  	[sflag:s24] =	ssyncset.done $0x0  }
0x1c5: {  	s21 =	simm.s32 $0x0;
	s20 =	simm.s32 $0x1400;
	[sflag:s24] =	ssyncadd.s32 $0xFFFFFF80  }
.LBB2_7:
0x1c6: {  	s22 =	sshra.s32 s21, $0x2  }
0x1c7: {  	v2 =	vld.idx.msk [tilespmem:v0+s22+$0x0 ss:$0x1], $0xffff;
	_ =	sdelay $0x4  }
0x1c8: {  	(v2sf) =	vpush v2, $0x0;
	_ =	sdelay $0xb  }
0x1c9: {  	v1 =	vld [tilespmem:s22+$0x5400];
	_ =	sdelay $0x2  }
0x1ca: {  	s17 =	spop (v2sf)  }
0x1cb: {  	p1 =	sne.s32 s17, $0x0  }
0x1cc: {  	(v2sf) =	vpush @!p1 v1, $0x0;
	_ =	sdelay $0xe  }
0x1cd: {  	s22 =	spop @!p1 (v2sf)  }
0x1ce: {  	s17 =	sand.u32 @!p1 $0x7, s22  }
0x1cf: {  	p0 =	slt.s32 @!p1 s22, $0x1;
	p2 =	sne.s32 @!p1 s17, $0x0  }
0x1d0: {  	s17 =	sshra.s32 @!p1 s22, $0x1F;
	p0 =	por @!p1 !p0, !p2  }
0x1d1: {  	s17 =	sshrl.u32 @!p1 s17, $0x1D;
	p0 =	por @!p1 !p0, !p0  }
0x1d2: {  	s18 =	simm.s32 @!p1 $0x1;
	s17 =	sadd.s32 @!p1 s17, s22;
	p0 =	por !p0, p1  }
0x1d3: {  	s17 =	sshra.s32 @!p1 s17, $0x3;
	s18 =	simm.s32 @p0 $0x0  }
0x1d4: {  	s17 =	ssub.s32 @!p1 s17, s18  }
0x1d5: {  	s18 =	sshll.u32 @!p1 s17, $0x7  }
0x1d6: {  	s18 =	sand.u32 @!p1 $0x1FFFFF80, s18  }
0x1d7: {  	s0 =	simm.s32 @!p1 $0x0;
	s14 =	simm.s32 @!p1 $0x5000;
	s18 =	sadd.s32 @!p1 s2, s18  }
0x1d8: {  	[tilespmem:s14], [sflag:$0xD] =	stream.linear.gather @!p1 [hbm4b:s18+s0], $0x400, $0x38;
	[tilespmem:$0x1D480] =	vst v63  }
0x1d9: {  	s0 =	simm.s32 @!p1 $0xD  }
0x1da: {  	_ =	swait.ge @!p1 [sflag:s0], $0x400  }
0x1db: {  	(v2sf) =	vpush v2, $0x1;
	_ =	sdelay $0xe  }
0x1dc: {  	s18 =	spop (v2sf)  }
0x1dd: {  	p0 =	sne.s32 s18, $0x0  }
0x1de: {  	s14 =	sshll.u32 @!p1 s17, $0xA;
	s17 =	sshll.u32 @!p1 s22, $0x7;
	[sflag:s0] =	ssyncset.done @!p1 $0x0;
	(v2sf) =	vpush @!p0 v1, $0x1  }
0x1df: {  	[sflag:s0] =	ssyncadd.s32 @!p1 $0xFFFFFC00;
	s0 =	ssub.s32 @!p1 s17, s14  }
0x1e0: {  	v3 =	vld @!p1 [tilespmem:s0+$0x5000];
	_ =	sdelay $0x4  }
0x1e1: {  	[tilespmem:s20+$0xFFFFFC00] =	vst @!p1 v3  }
0x1e2: {  	v3 =	vld @!p1 [tilespmem:s0+$0x5010];
	_ =	sdelay $0x4  }
0x1e3: {  	[tilespmem:s20+$0xFFFFFC10] =	vst @!p1 v3  }
0x1e4: {  	v3 =	vld @!p1 [tilespmem:s0+$0x5020]  }
0x1e5: {  	s14 =	spop @!p0 (v2sf)  }
0x1e6: {  	s17 =	sand.u32 @!p0 $0x7, s14  }
0x1e7: {  	p2 =	slt.s32 @!p0 s14, $0x1;
	p3 =	sne.s32 @!p0 s17, $0x0  }
0x1e8: {  	s17 =	sshra.s32 @!p0 s14, $0x1F;
	p2 =	por @!p0 !p2, !p3  }
0x1e9: {  	[tilespmem:s20+$0xFFFFFC20] =	vst @!p1 v3;
	s17 =	sshrl.u32 @!p0 s17, $0x1D;
	p2 =	por @!p0 !p2, !p2  }
0x1ea: {  	v3 =	vld @!p1 [tilespmem:s0+$0x5030];
	s0 =	sadd.s32 @!p0 s17, s14;
	s17 =	simm.s32 @!p0 $0x1;
	p2 =	por !p2, p0  }
0x1eb: {  	s0 =	sshra.s32 @!p0 s0, $0x3;
	s17 =	simm.s32 @p2 $0x0  }
0x1ec: {  	s0 =	ssub.s32 @!p0 s0, s17  }
0x1ed: {  	s17 =	sshll.u32 @!p0 s0, $0x7  }
0x1ee: {  	s17 =	sand.u32 @!p0 $0x1FFFFF80, s17  }
0x1ef: {  	s18 =	simm.s32 @!p0 $0x0;
	s22 =	simm.s32 @!p0 $0x5000;
	[tilespmem:s20+$0xFFFFFC30] =	vst @!p1 v3;
	s17 =	sadd.s32 @!p0 s2, s17  }
0x1f0: {  	[tilespmem:s22], [sflag:$0xD] =	stream.linear.gather @!p0 [hbm4b:s17+s18], $0x400, $0x38;
	[tilespmem:$0x1D480] =	vst v63  }
0x1f1: {  	s17 =	simm.s32 @!p0 $0xD  }
0x1f2: {  	_ =	swait.ge @!p0 [sflag:s17], $0x400  }
0x1f3: {  	(v2sf) =	vpush v2, $0x2;
	_ =	sdelay $0xe  }
0x1f4: {  	s22 =	spop (v2sf)  }
0x1f5: {  	p1 =	sne.s32 s22, $0x0  }
0x1f6: {  	s14 =	sshll.u32 @!p0 s14, $0x7;
	s0 =	sshll.u32 @!p0 s0, $0xA;
	[sflag:s17] =	ssyncset.done @!p0 $0x0;
	(v2sf) =	vpush @!p1 v1, $0x2  }
0x1f7: {  	s0 =	ssub.s32 @!p0 s14, s0;
	[sflag:s17] =	ssyncadd.s32 @!p0 $0xFFFFFC00  }
0x1f8: {  	v3 =	vld @!p0 [tilespmem:s0+$0x5000];
	_ =	sdelay $0x4  }
0x1f9: {  	[tilespmem:s20+$0xFFFFFC80] =	vst @!p0 v3  }
0x1fa: {  	v3 =	vld @!p0 [tilespmem:s0+$0x5010];
	_ =	sdelay $0x4  }
0x1fb: {  	[tilespmem:s20+$0xFFFFFC90] =	vst @!p0 v3  }
0x1fc: {  	v3 =	vld @!p0 [tilespmem:s0+$0x5020]  }
0x1fd: {  	s14 =	spop @!p1 (v2sf)  }
0x1fe: {  	s17 =	sand.u32 @!p1 $0x7, s14  }
0x1ff: {  	p2 =	slt.s32 @!p1 s14, $0x1;
	p3 =	sne.s32 @!p1 s17, $0x0  }
0x200: {  	s17 =	sshra.s32 @!p1 s14, $0x1F;
	p2 =	por @!p1 !p2, !p3  }
0x201: {  	[tilespmem:s20+$0xFFFFFCA0] =	vst @!p0 v3;
	s17 =	sshrl.u32 @!p1 s17, $0x1D;
	p2 =	por @!p1 !p2, !p2  }
0x202: {  	v3 =	vld @!p0 [tilespmem:s0+$0x5030];
	s0 =	sadd.s32 @!p1 s17, s14;
	s17 =	simm.s32 @!p1 $0x1;
	p2 =	por !p2, p1  }
0x203: {  	s0 =	sshra.s32 @!p1 s0, $0x3;
	s17 =	simm.s32 @p2 $0x0  }
0x204: {  	s0 =	ssub.s32 @!p1 s0, s17  }
0x205: {  	s17 =	sshll.u32 @!p1 s0, $0x7  }
0x206: {  	s17 =	sand.u32 @!p1 $0x1FFFFF80, s17  }
0x207: {  	s18 =	simm.s32 @!p1 $0x0;
	s22 =	simm.s32 @!p1 $0x5000;
	[tilespmem:s20+$0xFFFFFCB0] =	vst @!p0 v3;
	s17 =	sadd.s32 @!p1 s2, s17  }
0x208: {  	[tilespmem:s22], [sflag:$0xD] =	stream.linear.gather @!p1 [hbm4b:s17+s18], $0x400, $0x38;
	[tilespmem:$0x1D480] =	vst v63  }
0x209: {  	s17 =	simm.s32 @!p1 $0xD  }
0x20a: {  	_ =	swait.ge @!p1 [sflag:s17], $0x400  }
0x20b: {  	(v2sf) =	vpush v2, $0x3;
	_ =	sdelay $0xe  }
0x20c: {  	s22 =	spop (v2sf)  }
0x20d: {  	p0 =	sne.s32 s22, $0x0  }
0x20e: {  	s14 =	sshll.u32 @!p1 s14, $0x7;
	s0 =	sshll.u32 @!p1 s0, $0xA;
	[sflag:s17] =	ssyncset.done @!p1 $0x0;
	(v2sf) =	vpush @!p0 v1, $0x3  }
0x20f: {  	s0 =	ssub.s32 @!p1 s14, s0;
	[sflag:s17] =	ssyncadd.s32 @!p1 $0xFFFFFC00  }
0x210: {  	v3 =	vld @!p1 [tilespmem:s0+$0x5000];
	_ =	sdelay $0x4  }
0x211: {  	[tilespmem:s20+$0xFFFFFD00] =	vst @!p1 v3  }
0x212: {  	v3 =	vld @!p1 [tilespmem:s0+$0x5010];
	_ =	sdelay $0x4  }
0x213: {  	[tilespmem:s20+$0xFFFFFD10] =	vst @!p1 v3  }
0x214: {  	v3 =	vld @!p1 [tilespmem:s0+$0x5020]  }
0x215: {  	s14 =	spop @!p0 (v2sf)  }
0x216: {  	s17 =	sand.u32 @!p0 $0x7, s14  }
0x217: {  	p2 =	slt.s32 @!p0 s14, $0x1;
	p3 =	sne.s32 @!p0 s17, $0x0  }
0x218: {  	s17 =	sshra.s32 @!p0 s14, $0x1F;
	p2 =	por @!p0 !p2, !p3  }
0x219: {  	[tilespmem:s20+$0xFFFFFD20] =	vst @!p1 v3;
	s17 =	sshrl.u32 @!p0 s17, $0x1D;
	p2 =	por @!p0 !p2, !p2  }
0x21a: {  	v3 =	vld @!p1 [tilespmem:s0+$0x5030];
	s0 =	sadd.s32 @!p0 s17, s14;
	s17 =	simm.s32 @!p0 $0x1;
	p2 =	por !p2, p0  }
0x21b: {  	s0 =	sshra.s32 @!p0 s0, $0x3;
	s17 =	simm.s32 @p2 $0x0  }
0x21c: {  	s0 =	ssub.s32 @!p0 s0, s17  }
0x21d: {  	s17 =	sshll.u32 @!p0 s0, $0x7  }
0x21e: {  	s17 =	sand.u32 @!p0 $0x1FFFFF80, s17  }
0x21f: {  	s18 =	simm.s32 @!p0 $0x0;
	s22 =	simm.s32 @!p0 $0x5000;
	[tilespmem:s20+$0xFFFFFD30] =	vst @!p1 v3;
	s17 =	sadd.s32 @!p0 s2, s17  }
0x220: {  	[tilespmem:s22], [sflag:$0xD] =	stream.linear.gather @!p0 [hbm4b:s17+s18], $0x400, $0x38;
	[tilespmem:$0x1D480] =	vst v63  }
0x221: {  	s17 =	simm.s32 @!p0 $0xD  }
0x222: {  	_ =	swait.ge @!p0 [sflag:s17], $0x400  }
0x223: {  	(v2sf) =	vpush v2, $0x4;
	_ =	sdelay $0xe  }
0x224: {  	s22 =	spop (v2sf)  }
0x225: {  	p1 =	sne.s32 s22, $0x0  }
0x226: {  	s14 =	sshll.u32 @!p0 s14, $0x7;
	s0 =	sshll.u32 @!p0 s0, $0xA;
	[sflag:s17] =	ssyncset.done @!p0 $0x0;
	(v2sf) =	vpush @!p1 v1, $0x4  }
0x227: {  	s0 =	ssub.s32 @!p0 s14, s0;
	[sflag:s17] =	ssyncadd.s32 @!p0 $0xFFFFFC00  }
0x228: {  	v3 =	vld @!p0 [tilespmem:s0+$0x5000];
	_ =	sdelay $0x4  }
0x229: {  	[tilespmem:s20+$0xFFFFFD80] =	vst @!p0 v3  }
0x22a: {  	v3 =	vld @!p0 [tilespmem:s0+$0x5010];
	_ =	sdelay $0x4  }
0x22b: {  	[tilespmem:s20+$0xFFFFFD90] =	vst @!p0 v3  }
0x22c: {  	v3 =	vld @!p0 [tilespmem:s0+$0x5020]  }
0x22d: {  	s14 =	spop @!p1 (v2sf)  }
0x22e: {  	s17 =	sand.u32 @!p1 $0x7, s14  }
0x22f: {  	p2 =	slt.s32 @!p1 s14, $0x1;
	p3 =	sne.s32 @!p1 s17, $0x0  }
0x230: {  	s17 =	sshra.s32 @!p1 s14, $0x1F;
	p2 =	por @!p1 !p2, !p3  }
0x231: {  	[tilespmem:s20+$0xFFFFFDA0] =	vst @!p0 v3;
	s17 =	sshrl.u32 @!p1 s17, $0x1D;
	p2 =	por @!p1 !p2, !p2  }
0x232: {  	v3 =	vld @!p0 [tilespmem:s0+$0x5030];
	s0 =	sadd.s32 @!p1 s17, s14;
	s17 =	simm.s32 @!p1 $0x1;
	p2 =	por !p2, p1  }
0x233: {  	s0 =	sshra.s32 @!p1 s0, $0x3;
	s17 =	simm.s32 @p2 $0x0  }
0x234: {  	s0 =	ssub.s32 @!p1 s0, s17  }
0x235: {  	s17 =	sshll.u32 @!p1 s0, $0x7  }
0x236: {  	s17 =	sand.u32 @!p1 $0x1FFFFF80, s17  }
0x237: {  	s18 =	simm.s32 @!p1 $0x0;
	s22 =	simm.s32 @!p1 $0x5000;
	[tilespmem:s20+$0xFFFFFDB0] =	vst @!p0 v3;
	s17 =	sadd.s32 @!p1 s2, s17  }
0x238: {  	[tilespmem:s22], [sflag:$0xD] =	stream.linear.gather @!p1 [hbm4b:s17+s18], $0x400, $0x38;
	[tilespmem:$0x1D480] =	vst v63  }
0x239: {  	s17 =	simm.s32 @!p1 $0xD  }
0x23a: {  	_ =	swait.ge @!p1 [sflag:s17], $0x400  }
0x23b: {  	(v2sf) =	vpush v2, $0x5;
	_ =	sdelay $0xe  }
0x23c: {  	s22 =	spop (v2sf)  }
0x23d: {  	p0 =	sne.s32 s22, $0x0  }
0x23e: {  	s14 =	sshll.u32 @!p1 s14, $0x7;
	s0 =	sshll.u32 @!p1 s0, $0xA;
	[sflag:s17] =	ssyncset.done @!p1 $0x0;
	(v2sf) =	vpush @!p0 v1, $0x5  }
0x23f: {  	s0 =	ssub.s32 @!p1 s14, s0;
	[sflag:s17] =	ssyncadd.s32 @!p1 $0xFFFFFC00  }
0x240: {  	v3 =	vld @!p1 [tilespmem:s0+$0x5000];
	_ =	sdelay $0x4  }
0x241: {  	[tilespmem:s20+$0xFFFFFE00] =	vst @!p1 v3  }
0x242: {  	v3 =	vld @!p1 [tilespmem:s0+$0x5010];
	_ =	sdelay $0x4  }
0x243: {  	[tilespmem:s20+$0xFFFFFE10] =	vst @!p1 v3  }
0x244: {  	v3 =	vld @!p1 [tilespmem:s0+$0x5020]  }
0x245: {  	s14 =	spop @!p0 (v2sf)  }
0x246: {  	s17 =	sand.u32 @!p0 $0x7, s14  }
0x247: {  	p2 =	slt.s32 @!p0 s14, $0x1;
	p3 =	sne.s32 @!p0 s17, $0x0  }
0x248: {  	s17 =	sshra.s32 @!p0 s14, $0x1F;
	p2 =	por @!p0 !p2, !p3  }
0x249: {  	[tilespmem:s20+$0xFFFFFE20] =	vst @!p1 v3;
	s17 =	sshrl.u32 @!p0 s17, $0x1D;
	p2 =	por @!p0 !p2, !p2  }
0x24a: {  	v3 =	vld @!p1 [tilespmem:s0+$0x5030];
	s0 =	sadd.s32 @!p0 s17, s14;
	s17 =	simm.s32 @!p0 $0x1;
	p2 =	por !p2, p0  }
0x24b: {  	s0 =	sshra.s32 @!p0 s0, $0x3;
	s17 =	simm.s32 @p2 $0x0  }
0x24c: {  	s0 =	ssub.s32 @!p0 s0, s17  }
0x24d: {  	s17 =	sshll.u32 @!p0 s0, $0x7  }
0x24e: {  	s17 =	sand.u32 @!p0 $0x1FFFFF80, s17  }
0x24f: {  	s18 =	simm.s32 @!p0 $0x0;
	s22 =	simm.s32 @!p0 $0x5000;
	[tilespmem:s20+$0xFFFFFE30] =	vst @!p1 v3;
	s17 =	sadd.s32 @!p0 s2, s17  }
0x250: {  	[tilespmem:s22], [sflag:$0xD] =	stream.linear.gather @!p0 [hbm4b:s17+s18], $0x400, $0x38;
	[tilespmem:$0x1D480] =	vst v63  }
0x251: {  	s17 =	simm.s32 @!p0 $0xD  }
0x252: {  	_ =	swait.ge @!p0 [sflag:s17], $0x400  }
0x253: {  	(v2sf) =	vpush v2, $0x6;
	_ =	sdelay $0xe  }
0x254: {  	s22 =	spop (v2sf)  }
0x255: {  	p1 =	sne.s32 s22, $0x0  }
0x256: {  	s14 =	sshll.u32 @!p0 s14, $0x7;
	s0 =	sshll.u32 @!p0 s0, $0xA;
	[sflag:s17] =	ssyncset.done @!p0 $0x0;
	(v2sf) =	vpush @!p1 v1, $0x6  }
0x257: {  	s0 =	ssub.s32 @!p0 s14, s0;
	[sflag:s17] =	ssyncadd.s32 @!p0 $0xFFFFFC00  }
0x258: {  	v3 =	vld @!p0 [tilespmem:s0+$0x5000];
	_ =	sdelay $0x4  }
0x259: {  	[tilespmem:s20+$0xFFFFFE80] =	vst @!p0 v3  }
0x25a: {  	v3 =	vld @!p0 [tilespmem:s0+$0x5010];
	_ =	sdelay $0x4  }
0x25b: {  	[tilespmem:s20+$0xFFFFFE90] =	vst @!p0 v3  }
0x25c: {  	v3 =	vld @!p0 [tilespmem:s0+$0x5020]  }
0x25d: {  	s14 =	spop @!p1 (v2sf)  }
0x25e: {  	s17 =	sand.u32 @!p1 $0x7, s14  }
0x25f: {  	p2 =	slt.s32 @!p1 s14, $0x1;
	p3 =	sne.s32 @!p1 s17, $0x0  }
0x260: {  	s17 =	sshra.s32 @!p1 s14, $0x1F;
	p2 =	por @!p1 !p2, !p3  }
0x261: {  	[tilespmem:s20+$0xFFFFFEA0] =	vst @!p0 v3;
	s17 =	sshrl.u32 @!p1 s17, $0x1D;
	p2 =	por @!p1 !p2, !p2  }
0x262: {  	v3 =	vld @!p0 [tilespmem:s0+$0x5030];
	s0 =	sadd.s32 @!p1 s17, s14;
	s17 =	simm.s32 @!p1 $0x1;
	p2 =	por !p2, p1  }
0x263: {  	s0 =	sshra.s32 @!p1 s0, $0x3;
	s17 =	simm.s32 @p2 $0x0  }
0x264: {  	s0 =	ssub.s32 @!p1 s0, s17  }
0x265: {  	s17 =	sshll.u32 @!p1 s0, $0x7  }
0x266: {  	s17 =	sand.u32 @!p1 $0x1FFFFF80, s17  }
0x267: {  	s18 =	simm.s32 @!p1 $0x0;
	s22 =	simm.s32 @!p1 $0x5000;
	[tilespmem:s20+$0xFFFFFEB0] =	vst @!p0 v3;
	s17 =	sadd.s32 @!p1 s2, s17  }
0x268: {  	[tilespmem:s22], [sflag:$0xD] =	stream.linear.gather @!p1 [hbm4b:s17+s18], $0x400, $0x38;
	[tilespmem:$0x1D480] =	vst v63  }
0x269: {  	s17 =	simm.s32 @!p1 $0xD  }
0x26a: {  	_ =	swait.ge @!p1 [sflag:s17], $0x400  }
0x26b: {  	(v2sf) =	vpush v2, $0x7;
	_ =	sdelay $0xe  }
0x26c: {  	s22 =	spop (v2sf)  }
0x26d: {  	p0 =	sne.s32 s22, $0x0  }
0x26e: {  	s14 =	sshll.u32 @!p1 s14, $0x7;
	s0 =	sshll.u32 @!p1 s0, $0xA;
	[sflag:s17] =	ssyncset.done @!p1 $0x0;
	(v2sf) =	vpush @!p0 v1, $0x7  }
0x26f: {  	s0 =	ssub.s32 @!p1 s14, s0;
	[sflag:s17] =	ssyncadd.s32 @!p1 $0xFFFFFC00  }
0x270: {  	v3 =	vld @!p1 [tilespmem:s0+$0x5000];
	_ =	sdelay $0x4  }
0x271: {  	[tilespmem:s20+$0xFFFFFF00] =	vst @!p1 v3  }
0x272: {  	v3 =	vld @!p1 [tilespmem:s0+$0x5010];
	_ =	sdelay $0x4  }
0x273: {  	[tilespmem:s20+$0xFFFFFF10] =	vst @!p1 v3  }
0x274: {  	v3 =	vld @!p1 [tilespmem:s0+$0x5020]  }
0x275: {  	s14 =	spop @!p0 (v2sf)  }
0x276: {  	s17 =	sand.u32 @!p0 $0x7, s14  }
0x277: {  	p2 =	slt.s32 @!p0 s14, $0x1;
	p3 =	sne.s32 @!p0 s17, $0x0  }
0x278: {  	s17 =	sshra.s32 @!p0 s14, $0x1F;
	p2 =	por @!p0 !p2, !p3  }
0x279: {  	[tilespmem:s20+$0xFFFFFF20] =	vst @!p1 v3;
	s17 =	sshrl.u32 @!p0 s17, $0x1D;
	p2 =	por @!p0 !p2, !p2  }
0x27a: {  	v3 =	vld @!p1 [tilespmem:s0+$0x5030];
	s0 =	sadd.s32 @!p0 s17, s14;
	s17 =	simm.s32 @!p0 $0x1;
	p2 =	por !p2, p0  }
0x27b: {  	s0 =	sshra.s32 @!p0 s0, $0x3;
	s17 =	simm.s32 @p2 $0x0  }
0x27c: {  	s0 =	ssub.s32 @!p0 s0, s17  }
0x27d: {  	s17 =	sshll.u32 @!p0 s0, $0x7  }
0x27e: {  	s17 =	sand.u32 @!p0 $0x1FFFFF80, s17  }
0x27f: {  	s18 =	simm.s32 @!p0 $0x0;
	s22 =	simm.s32 @!p0 $0x5000;
	[tilespmem:s20+$0xFFFFFF30] =	vst @!p1 v3;
	s17 =	sadd.s32 @!p0 s2, s17  }
0x280: {  	[tilespmem:s22], [sflag:$0xD] =	stream.linear.gather @!p0 [hbm4b:s17+s18], $0x400, $0x38;
	[tilespmem:$0x1D480] =	vst v63  }
0x281: {  	s17 =	simm.s32 @!p0 $0xD  }
0x282: {  	_ =	swait.ge @!p0 [sflag:s17], $0x400  }
0x283: {  	(v2sf) =	vpush v2, $0x8;
	_ =	sdelay $0xe  }
0x284: {  	s22 =	spop (v2sf)  }
0x285: {  	p1 =	sne.s32 s22, $0x0  }
0x286: {  	s14 =	sshll.u32 @!p0 s14, $0x7;
	s0 =	sshll.u32 @!p0 s0, $0xA;
	[sflag:s17] =	ssyncset.done @!p0 $0x0;
	(v2sf) =	vpush @!p1 v1, $0x8  }
0x287: {  	s0 =	ssub.s32 @!p0 s14, s0;
	[sflag:s17] =	ssyncadd.s32 @!p0 $0xFFFFFC00  }
0x288: {  	v3 =	vld @!p0 [tilespmem:s0+$0x5000];
	_ =	sdelay $0x4  }
0x289: {  	[tilespmem:s20+$0xFFFFFF80] =	vst @!p0 v3  }
0x28a: {  	v3 =	vld @!p0 [tilespmem:s0+$0x5010];
	_ =	sdelay $0x4  }
0x28b: {  	[tilespmem:s20+$0xFFFFFF90] =	vst @!p0 v3  }
0x28c: {  	v3 =	vld @!p0 [tilespmem:s0+$0x5020]  }
0x28d: {  	s14 =	spop @!p1 (v2sf)  }
0x28e: {  	s17 =	sand.u32 @!p1 $0x7, s14  }
0x28f: {  	p2 =	slt.s32 @!p1 s14, $0x1;
	p3 =	sne.s32 @!p1 s17, $0x0  }
0x290: {  	s17 =	sshra.s32 @!p1 s14, $0x1F;
	p2 =	por @!p1 !p2, !p3  }
0x291: {  	[tilespmem:s20+$0xFFFFFFA0] =	vst @!p0 v3;
	s17 =	sshrl.u32 @!p1 s17, $0x1D;
	p2 =	por @!p1 !p2, !p2  }
0x292: {  	v3 =	vld @!p0 [tilespmem:s0+$0x5030];
	s0 =	sadd.s32 @!p1 s17, s14;
	s17 =	simm.s32 @!p1 $0x1;
	p2 =	por !p2, p1  }
0x293: {  	s0 =	sshra.s32 @!p1 s0, $0x3;
	s17 =	simm.s32 @p2 $0x0  }
0x294: {  	s0 =	ssub.s32 @!p1 s0, s17  }
0x295: {  	s17 =	sshll.u32 @!p1 s0, $0x7  }
0x296: {  	s17 =	sand.u32 @!p1 $0x1FFFFF80, s17  }
0x297: {  	s18 =	simm.s32 @!p1 $0x0;
	s22 =	simm.s32 @!p1 $0x5000;
	[tilespmem:s20+$0xFFFFFFB0] =	vst @!p0 v3;
	s17 =	sadd.s32 @!p1 s2, s17  }
0x298: {  	[tilespmem:s22], [sflag:$0xD] =	stream.linear.gather @!p1 [hbm4b:s17+s18], $0x400, $0x38;
	[tilespmem:$0x1D480] =	vst v63  }
0x299: {  	s17 =	simm.s32 @!p1 $0xD  }
0x29a: {  	_ =	swait.ge @!p1 [sflag:s17], $0x400  }
0x29b: {  	(v2sf) =	vpush v2, $0x9;
	_ =	sdelay $0xe  }
0x29c: {  	s22 =	spop (v2sf)  }
0x29d: {  	p0 =	sne.s32 s22, $0x0  }
0x29e: {  	s14 =	sshll.u32 @!p1 s14, $0x7;
	s0 =	sshll.u32 @!p1 s0, $0xA;
	[sflag:s17] =	ssyncset.done @!p1 $0x0;
	(v2sf) =	vpush @!p0 v1, $0x9  }
0x29f: {  	s0 =	ssub.s32 @!p1 s14, s0;
	[sflag:s17] =	ssyncadd.s32 @!p1 $0xFFFFFC00  }
0x2a0: {  	v3 =	vld @!p1 [tilespmem:s0+$0x5000];
	_ =	sdelay $0x4  }
0x2a1: {  	[tilespmem:s20+$0x0] =	vst @!p1 v3  }
0x2a2: {  	v3 =	vld @!p1 [tilespmem:s0+$0x5010];
	_ =	sdelay $0x4  }
0x2a3: {  	[tilespmem:s20+$0x10] =	vst @!p1 v3  }
0x2a4: {  	v3 =	vld @!p1 [tilespmem:s0+$0x5020]  }
0x2a5: {  	s14 =	spop @!p0 (v2sf)  }
0x2a6: {  	s17 =	sand.u32 @!p0 $0x7, s14  }
0x2a7: {  	p2 =	slt.s32 @!p0 s14, $0x1;
	p3 =	sne.s32 @!p0 s17, $0x0  }
0x2a8: {  	s17 =	sshra.s32 @!p0 s14, $0x1F;
	p2 =	por @!p0 !p2, !p3  }
0x2a9: {  	[tilespmem:s20+$0x20] =	vst @!p1 v3;
	s17 =	sshrl.u32 @!p0 s17, $0x1D;
	p2 =	por @!p0 !p2, !p2  }
0x2aa: {  	v3 =	vld @!p1 [tilespmem:s0+$0x5030];
	s0 =	sadd.s32 @!p0 s17, s14;
	s17 =	simm.s32 @!p0 $0x1;
	p2 =	por !p2, p0  }
0x2ab: {  	s0 =	sshra.s32 @!p0 s0, $0x3;
	s17 =	simm.s32 @p2 $0x0  }
0x2ac: {  	s0 =	ssub.s32 @!p0 s0, s17  }
0x2ad: {  	s17 =	sshll.u32 @!p0 s0, $0x7  }
0x2ae: {  	s17 =	sand.u32 @!p0 $0x1FFFFF80, s17  }
0x2af: {  	s18 =	simm.s32 @!p0 $0x0;
	s22 =	simm.s32 @!p0 $0x5000;
	[tilespmem:s20+$0x30] =	vst @!p1 v3;
	s17 =	sadd.s32 @!p0 s2, s17  }
0x2b0: {  	[tilespmem:s22], [sflag:$0xD] =	stream.linear.gather @!p0 [hbm4b:s17+s18], $0x400, $0x38;
	[tilespmem:$0x1D480] =	vst v63  }
0x2b1: {  	s17 =	simm.s32 @!p0 $0xD  }
0x2b2: {  	_ =	swait.ge @!p0 [sflag:s17], $0x400  }
0x2b3: {  	(v2sf) =	vpush v2, $0xA;
	_ =	sdelay $0xe  }
0x2b4: {  	s22 =	spop (v2sf)  }
0x2b5: {  	p1 =	sne.s32 s22, $0x0  }
0x2b6: {  	s14 =	sshll.u32 @!p0 s14, $0x7;
	s0 =	sshll.u32 @!p0 s0, $0xA;
	[sflag:s17] =	ssyncset.done @!p0 $0x0;
	(v2sf) =	vpush @!p1 v1, $0xA  }
0x2b7: {  	s0 =	ssub.s32 @!p0 s14, s0;
	[sflag:s17] =	ssyncadd.s32 @!p0 $0xFFFFFC00  }
0x2b8: {  	v3 =	vld @!p0 [tilespmem:s0+$0x5000];
	_ =	sdelay $0x4  }
0x2b9: {  	[tilespmem:s20+$0x80] =	vst @!p0 v3  }
0x2ba: {  	v3 =	vld @!p0 [tilespmem:s0+$0x5010];
	_ =	sdelay $0x4  }
0x2bb: {  	[tilespmem:s20+$0x90] =	vst @!p0 v3  }
0x2bc: {  	v3 =	vld @!p0 [tilespmem:s0+$0x5020]  }
0x2bd: {  	s14 =	spop @!p1 (v2sf)  }
0x2be: {  	s17 =	sand.u32 @!p1 $0x7, s14  }
0x2bf: {  	p2 =	slt.s32 @!p1 s14, $0x1;
	p3 =	sne.s32 @!p1 s17, $0x0  }
0x2c0: {  	s17 =	sshra.s32 @!p1 s14, $0x1F;
	p2 =	por @!p1 !p2, !p3  }
0x2c1: {  	[tilespmem:s20+$0xA0] =	vst @!p0 v3;
	s17 =	sshrl.u32 @!p1 s17, $0x1D;
	p2 =	por @!p1 !p2, !p2  }
0x2c2: {  	v3 =	vld @!p0 [tilespmem:s0+$0x5030];
	s0 =	sadd.s32 @!p1 s17, s14;
	s17 =	simm.s32 @!p1 $0x1;
	p2 =	por !p2, p1  }
0x2c3: {  	s0 =	sshra.s32 @!p1 s0, $0x3;
	s17 =	simm.s32 @p2 $0x0  }
0x2c4: {  	s0 =	ssub.s32 @!p1 s0, s17  }
0x2c5: {  	s17 =	sshll.u32 @!p1 s0, $0x7  }
0x2c6: {  	s17 =	sand.u32 @!p1 $0x1FFFFF80, s17  }
0x2c7: {  	s18 =	simm.s32 @!p1 $0x0;
	s22 =	simm.s32 @!p1 $0x5000;
	[tilespmem:s20+$0xB0] =	vst @!p0 v3;
	s17 =	sadd.s32 @!p1 s2, s17  }
0x2c8: {  	[tilespmem:s22], [sflag:$0xD] =	stream.linear.gather @!p1 [hbm4b:s17+s18], $0x400, $0x38;
	[tilespmem:$0x1D480] =	vst v63  }
0x2c9: {  	s17 =	simm.s32 @!p1 $0xD  }
0x2ca: {  	_ =	swait.ge @!p1 [sflag:s17], $0x400  }
0x2cb: {  	(v2sf) =	vpush v2, $0xB;
	_ =	sdelay $0xe  }
0x2cc: {  	s22 =	spop (v2sf)  }
0x2cd: {  	p0 =	sne.s32 s22, $0x0  }
0x2ce: {  	s14 =	sshll.u32 @!p1 s14, $0x7;
	s0 =	sshll.u32 @!p1 s0, $0xA;
	[sflag:s17] =	ssyncset.done @!p1 $0x0;
	(v2sf) =	vpush @!p0 v1, $0xB  }
0x2cf: {  	s0 =	ssub.s32 @!p1 s14, s0;
	[sflag:s17] =	ssyncadd.s32 @!p1 $0xFFFFFC00  }
0x2d0: {  	v3 =	vld @!p1 [tilespmem:s0+$0x5000];
	_ =	sdelay $0x4  }
0x2d1: {  	[tilespmem:s20+$0x100] =	vst @!p1 v3  }
0x2d2: {  	v3 =	vld @!p1 [tilespmem:s0+$0x5010];
	_ =	sdelay $0x4  }
0x2d3: {  	[tilespmem:s20+$0x110] =	vst @!p1 v3  }
0x2d4: {  	v3 =	vld @!p1 [tilespmem:s0+$0x5020]  }
0x2d5: {  	s14 =	spop @!p0 (v2sf)  }
0x2d6: {  	s17 =	sand.u32 @!p0 $0x7, s14  }
0x2d7: {  	p2 =	slt.s32 @!p0 s14, $0x1;
	p3 =	sne.s32 @!p0 s17, $0x0  }
0x2d8: {  	s17 =	sshra.s32 @!p0 s14, $0x1F;
	p2 =	por @!p0 !p2, !p3  }
0x2d9: {  	[tilespmem:s20+$0x120] =	vst @!p1 v3;
	s17 =	sshrl.u32 @!p0 s17, $0x1D;
	p2 =	por @!p0 !p2, !p2  }
0x2da: {  	v3 =	vld @!p1 [tilespmem:s0+$0x5030];
	s0 =	sadd.s32 @!p0 s17, s14;
	s17 =	simm.s32 @!p0 $0x1;
	p2 =	por !p2, p0  }
0x2db: {  	s0 =	sshra.s32 @!p0 s0, $0x3;
	s17 =	simm.s32 @p2 $0x0  }
0x2dc: {  	s0 =	ssub.s32 @!p0 s0, s17  }
0x2dd: {  	s17 =	sshll.u32 @!p0 s0, $0x7  }
0x2de: {  	s17 =	sand.u32 @!p0 $0x1FFFFF80, s17  }
0x2df: {  	s18 =	simm.s32 @!p0 $0x0;
	s22 =	simm.s32 @!p0 $0x5000;
	[tilespmem:s20+$0x130] =	vst @!p1 v3;
	s17 =	sadd.s32 @!p0 s2, s17  }
0x2e0: {  	[tilespmem:s22], [sflag:$0xD] =	stream.linear.gather @!p0 [hbm4b:s17+s18], $0x400, $0x38;
	[tilespmem:$0x1D480] =	vst v63  }
0x2e1: {  	s17 =	simm.s32 @!p0 $0xD  }
0x2e2: {  	_ =	swait.ge @!p0 [sflag:s17], $0x400  }
0x2e3: {  	(v2sf) =	vpush v2, $0xC;
	_ =	sdelay $0xe  }
0x2e4: {  	s22 =	spop (v2sf)  }
0x2e5: {  	p1 =	sne.s32 s22, $0x0  }
0x2e6: {  	s14 =	sshll.u32 @!p0 s14, $0x7;
	s0 =	sshll.u32 @!p0 s0, $0xA;
	[sflag:s17] =	ssyncset.done @!p0 $0x0;
	(v2sf) =	vpush @!p1 v1, $0xC  }
0x2e7: {  	s0 =	ssub.s32 @!p0 s14, s0;
	[sflag:s17] =	ssyncadd.s32 @!p0 $0xFFFFFC00  }
0x2e8: {  	v3 =	vld @!p0 [tilespmem:s0+$0x5000];
	_ =	sdelay $0x4  }
0x2e9: {  	[tilespmem:s20+$0x180] =	vst @!p0 v3  }
0x2ea: {  	v3 =	vld @!p0 [tilespmem:s0+$0x5010];
	_ =	sdelay $0x4  }
0x2eb: {  	[tilespmem:s20+$0x190] =	vst @!p0 v3  }
0x2ec: {  	v3 =	vld @!p0 [tilespmem:s0+$0x5020]  }
0x2ed: {  	s14 =	spop @!p1 (v2sf)  }
0x2ee: {  	s17 =	sand.u32 @!p1 $0x7, s14  }
0x2ef: {  	p2 =	slt.s32 @!p1 s14, $0x1;
	p3 =	sne.s32 @!p1 s17, $0x0  }
0x2f0: {  	s17 =	sshra.s32 @!p1 s14, $0x1F;
	p2 =	por @!p1 !p2, !p3  }
0x2f1: {  	[tilespmem:s20+$0x1A0] =	vst @!p0 v3;
	s17 =	sshrl.u32 @!p1 s17, $0x1D;
	p2 =	por @!p1 !p2, !p2  }
0x2f2: {  	v3 =	vld @!p0 [tilespmem:s0+$0x5030];
	s0 =	sadd.s32 @!p1 s17, s14;
	s17 =	simm.s32 @!p1 $0x1;
	p2 =	por !p2, p1  }
0x2f3: {  	s0 =	sshra.s32 @!p1 s0, $0x3;
	s17 =	simm.s32 @p2 $0x0  }
0x2f4: {  	s0 =	ssub.s32 @!p1 s0, s17  }
0x2f5: {  	s17 =	sshll.u32 @!p1 s0, $0x7  }
0x2f6: {  	s17 =	sand.u32 @!p1 $0x1FFFFF80, s17  }
0x2f7: {  	s18 =	simm.s32 @!p1 $0x0;
	s22 =	simm.s32 @!p1 $0x5000;
	[tilespmem:s20+$0x1B0] =	vst @!p0 v3;
	s17 =	sadd.s32 @!p1 s2, s17  }
0x2f8: {  	[tilespmem:s22], [sflag:$0xD] =	stream.linear.gather @!p1 [hbm4b:s17+s18], $0x400, $0x38;
	[tilespmem:$0x1D480] =	vst v63  }
0x2f9: {  	s17 =	simm.s32 @!p1 $0xD  }
0x2fa: {  	_ =	swait.ge @!p1 [sflag:s17], $0x400  }
0x2fb: {  	(v2sf) =	vpush v2, $0xD;
	_ =	sdelay $0xe  }
0x2fc: {  	s22 =	spop (v2sf)  }
0x2fd: {  	p0 =	sne.s32 s22, $0x0  }
0x2fe: {  	s14 =	sshll.u32 @!p1 s14, $0x7;
	s0 =	sshll.u32 @!p1 s0, $0xA;
	[sflag:s17] =	ssyncset.done @!p1 $0x0;
	(v2sf) =	vpush @!p0 v1, $0xD  }
0x2ff: {  	s0 =	ssub.s32 @!p1 s14, s0;
	[sflag:s17] =	ssyncadd.s32 @!p1 $0xFFFFFC00  }
0x300: {  	v3 =	vld @!p1 [tilespmem:s0+$0x5000];
	_ =	sdelay $0x4  }
0x301: {  	[tilespmem:s20+$0x200] =	vst @!p1 v3  }
0x302: {  	v3 =	vld @!p1 [tilespmem:s0+$0x5010];
	_ =	sdelay $0x4  }
0x303: {  	[tilespmem:s20+$0x210] =	vst @!p1 v3  }
0x304: {  	v3 =	vld @!p1 [tilespmem:s0+$0x5020]  }
0x305: {  	s14 =	spop @!p0 (v2sf)  }
0x306: {  	s17 =	sand.u32 @!p0 $0x7, s14  }
0x307: {  	p2 =	slt.s32 @!p0 s14, $0x1;
	p3 =	sne.s32 @!p0 s17, $0x0  }
0x308: {  	s17 =	sshra.s32 @!p0 s14, $0x1F;
	p2 =	por @!p0 !p2, !p3  }
0x309: {  	[tilespmem:s20+$0x220] =	vst @!p1 v3;
	s17 =	sshrl.u32 @!p0 s17, $0x1D;
	p2 =	por @!p0 !p2, !p2  }
0x30a: {  	v3 =	vld @!p1 [tilespmem:s0+$0x5030];
	s0 =	sadd.s32 @!p0 s17, s14;
	s17 =	simm.s32 @!p0 $0x1;
	p2 =	por !p2, p0  }
0x30b: {  	s0 =	sshra.s32 @!p0 s0, $0x3;
	s17 =	simm.s32 @p2 $0x0  }
0x30c: {  	s0 =	ssub.s32 @!p0 s0, s17  }
0x30d: {  	s17 =	sshll.u32 @!p0 s0, $0x7  }
0x30e: {  	s17 =	sand.u32 @!p0 $0x1FFFFF80, s17  }
0x30f: {  	s18 =	simm.s32 @!p0 $0x0;
	s22 =	simm.s32 @!p0 $0x5000;
	[tilespmem:s20+$0x230] =	vst @!p1 v3;
	s17 =	sadd.s32 @!p0 s2, s17  }
0x310: {  	[tilespmem:s22], [sflag:$0xD] =	stream.linear.gather @!p0 [hbm4b:s17+s18], $0x400, $0x38;
	[tilespmem:$0x1D480] =	vst v63  }
0x311: {  	s17 =	simm.s32 @!p0 $0xD  }
0x312: {  	_ =	swait.ge @!p0 [sflag:s17], $0x400  }
0x313: {  	(v2sf) =	vpush v2, $0xE;
	_ =	sdelay $0xe  }
0x314: {  	s22 =	spop (v2sf)  }
0x315: {  	p1 =	sne.s32 s22, $0x0  }
0x316: {  	s14 =	sshll.u32 @!p0 s14, $0x7;
	s0 =	sshll.u32 @!p0 s0, $0xA;
	[sflag:s17] =	ssyncset.done @!p0 $0x0;
	(v2sf) =	vpush @!p1 v1, $0xE  }
0x317: {  	s0 =	ssub.s32 @!p0 s14, s0;
	[sflag:s17] =	ssyncadd.s32 @!p0 $0xFFFFFC00  }
0x318: {  	v3 =	vld @!p0 [tilespmem:s0+$0x5000];
	_ =	sdelay $0x4  }
0x319: {  	[tilespmem:s20+$0x280] =	vst @!p0 v3  }
0x31a: {  	v3 =	vld @!p0 [tilespmem:s0+$0x5010];
	_ =	sdelay $0x4  }
0x31b: {  	[tilespmem:s20+$0x290] =	vst @!p0 v3  }
0x31c: {  	v3 =	vld @!p0 [tilespmem:s0+$0x5020]  }
0x31d: {  	s14 =	spop @!p1 (v2sf)  }
0x31e: {  	s17 =	sand.u32 @!p1 $0x7, s14  }
0x31f: {  	p2 =	slt.s32 @!p1 s14, $0x1;
	p3 =	sne.s32 @!p1 s17, $0x0  }
0x320: {  	s17 =	sshra.s32 @!p1 s14, $0x1F;
	p2 =	por @!p1 !p2, !p3  }
0x321: {  	[tilespmem:s20+$0x2A0] =	vst @!p0 v3;
	s17 =	sshrl.u32 @!p1 s17, $0x1D;
	p2 =	por @!p1 !p2, !p2  }
0x322: {  	v3 =	vld @!p0 [tilespmem:s0+$0x5030];
	s0 =	sadd.s32 @!p1 s17, s14;
	s17 =	simm.s32 @!p1 $0x1;
	p2 =	por !p2, p1  }
0x323: {  	s0 =	sshra.s32 @!p1 s0, $0x3;
	s17 =	simm.s32 @p2 $0x0  }
0x324: {  	s0 =	ssub.s32 @!p1 s0, s17  }
0x325: {  	s17 =	sshll.u32 @!p1 s0, $0x7  }
0x326: {  	s17 =	sand.u32 @!p1 $0x1FFFFF80, s17  }
0x327: {  	s18 =	simm.s32 @!p1 $0x0;
	s22 =	simm.s32 @!p1 $0x5000;
	[tilespmem:s20+$0x2B0] =	vst @!p0 v3;
	s17 =	sadd.s32 @!p1 s2, s17  }
0x328: {  	[tilespmem:s22], [sflag:$0xD] =	stream.linear.gather @!p1 [hbm4b:s17+s18], $0x400, $0x38;
	[tilespmem:$0x1D480] =	vst v63  }
0x329: {  	s17 =	simm.s32 @!p1 $0xD  }
0x32a: {  	_ =	swait.ge @!p1 [sflag:s17], $0x400  }
0x32b: {  	(v2sf) =	vpush v2, $0xF;
	_ =	sdelay $0xe  }
0x32c: {  	s22 =	spop (v2sf)  }
0x32d: {  	p0 =	sne.s32 s22, $0x0  }
0x32e: {  	s14 =	sshll.u32 @!p1 s14, $0x7;
	s0 =	sshll.u32 @!p1 s0, $0xA;
	[sflag:s17] =	ssyncset.done @!p1 $0x0;
	(v2sf) =	vpush @!p0 v1, $0xF  }
0x32f: {  	s0 =	ssub.s32 @!p1 s14, s0;
	[sflag:s17] =	ssyncadd.s32 @!p1 $0xFFFFFC00  }
0x330: {  	v1 =	vld @!p1 [tilespmem:s0+$0x5000];
	_ =	sdelay $0x4  }
0x331: {  	[tilespmem:s20+$0x300] =	vst @!p1 v1  }
0x332: {  	v1 =	vld @!p1 [tilespmem:s0+$0x5010];
	_ =	sdelay $0x4  }
0x333: {  	[tilespmem:s20+$0x310] =	vst @!p1 v1  }
0x334: {  	v1 =	vld @!p1 [tilespmem:s0+$0x5020]  }
0x335: {  	s14 =	spop @!p0 (v2sf)  }
0x336: {  	s17 =	sand.u32 @!p0 $0x7, s14  }
0x337: {  	p2 =	slt.s32 @!p0 s14, $0x1;
	p3 =	sne.s32 @!p0 s17, $0x0  }
0x338: {  	s17 =	sshra.s32 @!p0 s14, $0x1F;
	p2 =	por @!p0 !p2, !p3  }
0x339: {  	[tilespmem:s20+$0x320] =	vst @!p1 v1;
	s17 =	sshrl.u32 @!p0 s17, $0x1D;
	p2 =	por @!p0 !p2, !p2  }
0x33a: {  	v1 =	vld @!p1 [tilespmem:s0+$0x5030];
	s0 =	sadd.s32 @!p0 s17, s14;
	s17 =	simm.s32 @!p0 $0x1;
	p2 =	por !p2, p0  }
0x33b: {  	s0 =	sshra.s32 @!p0 s0, $0x3;
	s17 =	simm.s32 @p2 $0x0  }
0x33c: {  	s0 =	ssub.s32 @!p0 s0, s17  }
0x33d: {  	s17 =	sshll.u32 @!p0 s0, $0x7  }
0x33e: {  	s17 =	sand.u32 @!p0 $0x1FFFFF80, s17  }
0x33f: {  	s18 =	simm.s32 @!p0 $0x0;
	s22 =	simm.s32 @!p0 $0x5000;
	[tilespmem:s20+$0x330] =	vst @!p1 v1;
	s17 =	sadd.s32 @!p0 s2, s17  }
0x340: {  	[tilespmem:s22], [sflag:$0xD] =	stream.linear.gather @!p0 [hbm4b:s17+s18], $0x400, $0x38;
	[tilespmem:$0x1D480] =	vst v63  }
0x341: {  	s17 =	simm.s32 @!p0 $0xD  }
0x342: {  	_ =	swait.ge @!p0 [sflag:s17], $0x400  }
0x343: {  	s14 =	sshll.u32 @!p0 s14, $0x7;
	s0 =	sshll.u32 @!p0 s0, $0xA;
	[sflag:s17] =	ssyncset.done @!p0 $0x0  }
0x344: {  	s0 =	ssub.s32 @!p0 s14, s0;
	[sflag:s17] =	ssyncadd.s32 @!p0 $0xFFFFFC00  }
0x345: {  	v1 =	vld @!p0 [tilespmem:s0+$0x5000];
	_ =	sdelay $0x4  }
0x346: {  	[tilespmem:s20+$0x380] =	vst @!p0 v1  }
0x347: {  	v1 =	vld @!p0 [tilespmem:s0+$0x5010];
	_ =	sdelay $0x4  }
0x348: {  	[tilespmem:s20+$0x390] =	vst @!p0 v1  }
0x349: {  	v1 =	vld @!p0 [tilespmem:s0+$0x5020];
	_ =	sdelay $0x4  }
0x34a: {  	[tilespmem:s20+$0x3A0] =	vst @!p0 v1  }
0x34b: {  	v1 =	vld @!p0 [tilespmem:s0+$0x5030];
	_ =	sdelay $0x3  }
0x34c: {  	s21 =	sadd.s32 $0x40, s21  }
0x34d: {  	[tilespmem:s20+$0x3B0] =	vst @!p0 v1;
	p0 =	sne.s32 s21, $0x200  }
.Ltmp4:
0x34e: {  	_ = 	snop;
	(pc) =	sbr.rel @p0 .LBB2_7-.Ltmp4, $2  }
0x34f: {  	_ =	sdelay $0x2  }
0x350: {  	s20 =	sadd.s32 $0x800, s20  }
0x351: {  	s0 =	sadd.s32 s7, s19;
	s16 =	sadd.s32 $0x1, s16  }
0x352: {  	[hbm4b:s0+s4] =	stream.linear.scatter [tilespmem:s10], [sflag:$0xD], $0x4000, $0x38;
	[tilespmem:$0x1D480] =	vst v63  }
0x353: {  	p0 =	sne.s32 s16, $0x20  }
.Ltmp5:
0x354: {  	_ = 	snop;
	(pc) =	sbr.rel @p0 .LBB2_6-.Ltmp5, $4  }
.Ltmp6:
0x355: {  	_ = 	snop;
	(pc) =	sbr.rel @!p0 .LBB2_9-.Ltmp6, $4  }
0x356: {  	_ =	swait.ge [sflag:s24], $0x4000  }
0x357: {  	[sflag:s24] =	ssyncset.done $0x0  }
0x358: {  	s23 =	sadd.s32 $0x80, s23;
	[sflag:s24] =	ssyncadd.s32 $0xFFFFC000  }
0x359: {  	_ = 	snop  }
.LBB2_10:
0x35a: {  	_ =	sfence.sel $0x180000  }
0x35b: {  	[bflag:$0x0] =	sbarrier.arrive $0xFFFF  }
0x35c: {  	_ =	strace $0x90000047  }
0x35d: {  	s0 =	stileid.u32;
	[bflag:$0x2] =	sbarrier.arrive $0xFFFF  }
0x35e: {  	p0 =	sne.s32 s0, $0x0;
	s0 =	rddreg [dreg:$0x3]  }
0x35f: {  	s0 =	sadd.s32 @!p0 $0x100000, s0  }
0x360: {  	[sflag:s0] =	ssyncadd.tile.s32 @!p0 $0x1;
	_ =	shalt  }
.Lfunc_end2:
_tile_overlayer_lowered:
.L_overlay_start_2:
0x361: {  	(tag) =	ssettag $0x2  }
0x362: {  	s0 =	rddreg [dreg:$0x0];
	s2 =	stileid.u32  }
0x363: {  	s1 =	rddreg [dreg:$0x1];
	p0 =	sne.s32 s2, $0x0  }
0x364: {  	s3 =	rddreg [dreg:$0x2];
	[bflag:$0x3] =	sbarrier.arrive $0xFFFF;
	s2 =	simm.s32 @!p0 $0x1C0D  }
0x365: {  	[timem:s3], [sflag:s2] =	dma.local @!p0 [hbm:s0], s1  }
0x366: {  	s0 =	simm.s32 @!p0 $0xD  }
0x367: {  	_ =	swait.ge @!p0 [sflag:s0], s1  }
0x368: {  	s1 =	ssub.s32 @!p0 $0x0, s1;
	[sflag:s0] =	ssyncset.done @!p0 $0x0  }
0x369: {  	[sflag:s0] =	ssyncadd.s32 @!p0 s1  }
0x36a: {  	[bflag:$0x3] =	sbarrier.arrive $0xFFFF  }
0x36b: {  	_ =	shalt  }

</sc_bundles>
